<compile_context>
chip_gen: v7x
topology: tpu7x:2x2x1
jax: 0.10.2.dev20260603
libtpu: 0.0.44.dev20260713+nightly
codegen_flags: <defaults>
</compile_context>

<pallas_src>
import functools

import jax
import jax.numpy as jnp
from jax import lax
from jax.experimental import pallas as pl
from jax.experimental.pallas import tpu as pltpu
from jax.experimental.pallas import tpu_sc as plsc

N_NODES = 10000
D = 128
NP = 10240
NC = 2
NS = 16
NW = NC * NS
CH = 128
CPW = 78
XTRA = 4
EPW = CPW * CH
RPT = NP // NS

_mesh = plsc.VectorSubcoreMesh(
    core_axis_name="c", subcore_axis_name="s", num_cores=NC, num_subcores=NS
)


@functools.partial(
    pl.kernel,
    out_type=jax.ShapeDtypeStruct((NC, NP), jnp.float32),
    mesh=_mesh,
    scratch_types=[
        pltpu.VMEM((6, CH), jnp.int32),
        pltpu.VMEM((CH,), jnp.float32),
        pltpu.VMEM((RPT,), jnp.float32),
        pltpu.VMEM_SHARED((NP,), jnp.float32),
        pltpu.SemaphoreType.DMA,
        pltpu.SemaphoreType.DMA,
        pltpu.SemaphoreType.DMA,
        pltpu.SemaphoreType.DMA,
        pltpu.SemaphoreType.DMA,
        pltpu.SemaphoreType.DMA,
    ],
)
def _deg_kernel(e_hbm, degp_hbm, idx, ones_v, z_v, deg_sh,
                semd0, semd1, semd2, semd3, semd4, semd5):
    cid = lax.axis_index("c")
    sid = lax.axis_index("s")
    wid = sid * NC + cid
    base = wid * EPW
    semd = (semd0, semd1, semd2, semd3, semd4, semd5)

    def fill_zero(i, carry):
        z_v[pl.ds(i * 16, 16)] = jnp.zeros((16,), jnp.float32)
        return carry

    lax.fori_loop(0, RPT // 16, fill_zero, 0)
    for j in range(CH // 16):
        ones_v[pl.ds(j * 16, 16)] = jnp.ones((16,), jnp.float32)
    pltpu.sync_copy(z_v, deg_sh.at[pl.ds(sid * RPT, RPT)])
    plsc.subcore_barrier()

    for j in range(6):
        pltpu.async_copy(
            e_hbm.at[1, pl.ds(base + j * CH, CH)], idx.at[j], semd[j]
        )

    def hexa(h, carry):
        c0 = 6 * h
        for j in range(6):
            pltpu.make_async_copy(
                e_hbm.at[1, pl.ds(base + (c0 + j) * CH, CH)],
                idx.at[j], semd[j],
            ).wait()
            pltpu.sync_copy(ones_v, deg_sh.at[idx.at[j]], add=True)

            @pl.when(c0 + j + 6 < CPW)
            def _():
                pltpu.async_copy(
                    e_hbm.at[1, pl.ds(base + (c0 + j + 6) * CH, CH)],
                    idx.at[j], semd[j],
                )

        return carry

    lax.fori_loop(0, CPW // 6, hexa, 0)

    @pl.when(wid < XTRA)
    def _():
        pltpu.sync_copy(
            e_hbm.at[1, pl.ds((NW * CPW + wid) * CH, CH)], idx.at[0]
        )
        pltpu.sync_copy(ones_v, deg_sh.at[idx.at[0]], add=True)

    plsc.subcore_barrier()
    pltpu.sync_copy(
        deg_sh.at[pl.ds(sid * RPT, RPT)],
        degp_hbm.at[cid, pl.ds(sid * RPT, RPT)],
    )


@functools.partial(
    pl.kernel,
    out_type=jax.ShapeDtypeStruct((NC, NP, D), jnp.float32),
    mesh=_mesh,
    scratch_types=[
        pltpu.VMEM((EPW + CH, ), jnp.int32),
        pltpu.VMEM((2, CH), jnp.int32),
        pltpu.VMEM((CH, D), jnp.float32),
        pltpu.VMEM((CH, D), jnp.float32),
        pltpu.VMEM_SHARED((NP, D), jnp.float32),
        pltpu.SemaphoreType.DMA,
        pltpu.SemaphoreType.DMA,
        pltpu.SemaphoreType.DMA,
        pltpu.SemaphoreType.DMA,
    ],
)
def _spmm_kernel(y_hbm, e_hbm, acc_hbm, isrc, idst, buf0, buf1,
                 acc_sh, sem0, sem1, semd0, semd1):
    cid = lax.axis_index("c")
    sid = lax.axis_index("s")
    wid = sid * NC + cid
    base = wid * EPW

    zeros16 = jnp.zeros((16,), jnp.float32)

    def fill_zero(i, carry):
        for j in range(D // 16):
            buf0[i, pl.ds(j * 16, 16)] = zeros16
        return carry

    lax.fori_loop(0, CH, fill_zero, 0)

    def zero_acc(k, carry):
        pltpu.sync_copy(buf0, acc_sh.at[pl.ds(sid * RPT + k * CH, CH)])
        return carry

    lax.fori_loop(0, RPT // CH, zero_acc, 0)
    pltpu.sync_copy(e_hbm.at[1, pl.ds(base, EPW)], isrc.at[pl.ds(0, EPW)])
    plsc.subcore_barrier()

    @pl.when(wid < XTRA)
    def _():
        xoff = (NW * CPW + wid) * CH
        pltpu.sync_copy(
            e_hbm.at[1, pl.ds(xoff, CH)], isrc.at[pl.ds(EPW, CH)]
        )
        pltpu.sync_copy(e_hbm.at[0, pl.ds(xoff, CH)], idst.at[0])
        pltpu.async_copy(y_hbm.at[isrc.at[pl.ds(EPW, CH)]], buf0, sem0)
        pltpu.make_async_copy(
            y_hbm.at[isrc.at[pl.ds(EPW, CH)]], buf0, sem0
        ).wait()
        pltpu.sync_copy(buf0, acc_sh.at[idst.at[0]], add=True)

    pltpu.async_copy(e_hbm.at[0, pl.ds(base, CH)], idst.at[0], semd0)
    pltpu.async_copy(e_hbm.at[0, pl.ds(base + CH, CH)], idst.at[1], semd1)
    pltpu.async_copy(y_hbm.at[isrc.at[pl.ds(0, CH)]], buf0, sem0)
    pltpu.async_copy(y_hbm.at[isrc.at[pl.ds(CH, CH)]], buf1, sem1)

    def pair(g, carry):
        c0 = 2 * g
        pltpu.make_async_copy(
            y_hbm.at[isrc.at[pl.ds(c0 * CH, CH)]], buf0, sem0
        ).wait()
        pltpu.make_async_copy(
            e_hbm.at[0, pl.ds(base + c0 * CH, CH)], idst.at[0], semd0
        ).wait()
        pltpu.sync_copy(buf0, acc_sh.at[idst.at[0]], add=True)

        @pl.when(g < CPW // 2 - 1)
        def _():
            pltpu.async_copy(
                e_hbm.at[0, pl.ds(base + (c0 + 2) * CH, CH)],
                idst.at[0], semd0,
            )
            pltpu.async_copy(
                y_hbm.at[isrc.at[pl.ds((c0 + 2) * CH, CH)]], buf0, sem0
            )

        pltpu.make_async_copy(
            y_hbm.at[isrc.at[pl.ds((c0 + 1) * CH, CH)]], buf1, sem1
        ).wait()
        pltpu.make_async_copy(
            e_hbm.at[0, pl.ds(base + (c0 + 1) * CH, CH)], idst.at[1], semd1
        ).wait()
        pltpu.sync_copy(buf1, acc_sh.at[idst.at[1]], add=True)

        @pl.when(g < CPW // 2 - 1)
        def _():
            pltpu.async_copy(
                e_hbm.at[0, pl.ds(base + (c0 + 3) * CH, CH)],
                idst.at[1], semd1,
            )
            pltpu.async_copy(
                y_hbm.at[isrc.at[pl.ds((c0 + 3) * CH, CH)]], buf1, sem1
            )

        return carry

    lax.fori_loop(0, CPW // 2, pair, 0)
    plsc.subcore_barrier()
    pltpu.sync_copy(
        acc_sh.at[pl.ds(sid * RPT, RPT)],
        acc_hbm.at[cid, pl.ds(sid * RPT, RPT)],
    )


def _t1_body(da_ref, db_ref, x_ref, dis_ref, dis2_ref, y_ref):
    deg = da_ref[...] + db_ref[...] + 1.0
    dis = lax.rsqrt(deg)
    dis_ref[...] = dis
    dis2_ref[...] = dis * dis
    y_ref[: N_NODES, :] = dis[: N_NODES, :] * x_ref[...]
    y_ref[N_NODES :, :] = jnp.zeros((NP - N_NODES, D), jnp.float32)


_t1 = pl.pallas_call(
    _t1_body,
    out_shape=(
        jax.ShapeDtypeStruct((NP, 1), jnp.float32),
        jax.ShapeDtypeStruct((NP, 1), jnp.float32),
        jax.ShapeDtypeStruct((NP, D), jnp.float32),
    ),
)


def _combine_body(s_ref, acc_ref, y_ref, o_ref):
    o_ref[...] = s_ref[...] * (acc_ref[0] + acc_ref[1] + y_ref[...])


_combine = pl.pallas_call(
    _combine_body,
    out_shape=jax.ShapeDtypeStruct((NP, D), jnp.float32),
)


def _combine_final_body(s_ref, acc_ref, y_ref, o_ref):
    n = N_NODES
    o_ref[...] = s_ref[:n, :] * (
        acc_ref[0, :n, :] + acc_ref[1, :n, :] + y_ref[:n, :]
    )


_combine_final = pl.pallas_call(
    _combine_final_body,
    out_shape=jax.ShapeDtypeStruct((N_NODES, D), jnp.float32),
)


def kernel(edge_index, x):
    ei = edge_index.astype(jnp.int32)
    degp = _deg_kernel(ei)
    da = degp[0].reshape(NP, 1)
    db = degp[1].reshape(NP, 1)
    dis, dis2, y1 = _t1(da, db, x)
    acc1 = _spmm_kernel(y1, ei)
    y2 = _combine(dis2, acc1, y1)
    acc2 = _spmm_kernel(y2, ei)
    return _combine_final(dis, acc2, y2)

# --- scband reference (transcript-rebuilt; emitter-appended) ---
"""Pipeline reference for scband-gnn-39092792328217 (READ-ONLY COPY).

The authoritative reference and input builder live on the scoring server;
editing this copy changes nothing except your own understanding.
"""

import jax, jax.numpy as jnp
import numpy as np

N_NODES = 10000
N_EDGES = 320000
D_FEAT = 128
N_LAYERS = 2


def setup_inputs(seed: int = 0) -> dict:
    key = jax.random.key(seed)
    k1, k2 = jax.random.split(key, 2)
    edge_index = jax.random.randint(k1, (2, N_EDGES), 0, N_NODES)
    x = jax.random.normal(k2, (N_NODES, D_FEAT), dtype=jnp.float32)
    return {"edge_index": edge_index, "x": x}


def reference(edge_index, x):
    # Faithful translation of GNN.forward: adj_t = gcn_norm(adj, add_self_loops=True);
    # then n_layers of x = adj_t.spmm(x). No weights are applied in forward.
    N = x.shape[0]
    loop = jnp.arange(N, dtype=edge_index.dtype)
    row = jnp.concatenate([edge_index[0], loop])  # dst
    col = jnp.concatenate([edge_index[1], loop])  # src
    w = jnp.ones(row.shape[0], dtype=x.dtype)
    # symmetric GCN normalization: D^{-1/2} (A + I) D^{-1/2}
    deg = jnp.zeros(N, dtype=x.dtype).at[col].add(w)
    deg_inv_sqrt = jnp.where(deg > 0, jax.lax.rsqrt(jnp.maximum(deg, 1e-12)), 0.0)
    norm = deg_inv_sqrt[row] * w * deg_inv_sqrt[col]
    out = x
    for _ in range(N_LAYERS):
        # spmm: out[dst] += norm * out[src]  (gather + scatter-add)
        msgs = norm[:, None] * out[col]
        out = jnp.zeros_like(out).at[row].add(msgs)
    return out

if __name__ == "__main__":
    import jax
    _d = setup_inputs()
    print(jax.jit(kernel)(*tuple(_d.values())))

</pallas_src>

<mosaic_0001>
#map = affine_map<(d0, d1) -> (0, 0)>
module attributes {stable_mosaic.version = 14 : i64} {
  func.func @_deg_kernel(%arg0: i32, %arg1: i32, %arg2: memref<2x320000xi32, #tpu.memory_space<hbm>>, %arg3: memref<2x10240xf32, #tpu.memory_space<hbm>>, %arg4: memref<6x128xi32, #tpu.memory_space<vmem>>, %arg5: memref<128xf32, #tpu.memory_space<vmem>>, %arg6: memref<640xf32, #tpu.memory_space<vmem>>, %arg7: memref<10240xf32, #tpu.memory_space<vmem_shared>>, %arg8: memref<!tpu.dma_semaphore, #tpu.memory_space<semaphore_mem>>, %arg9: memref<!tpu.dma_semaphore, #tpu.memory_space<semaphore_mem>>, %arg10: memref<!tpu.dma_semaphore, #tpu.memory_space<semaphore_mem>>, %arg11: memref<!tpu.dma_semaphore, #tpu.memory_space<semaphore_mem>>, %arg12: memref<!tpu.dma_semaphore, #tpu.memory_space<semaphore_mem>>, %arg13: memref<!tpu.dma_semaphore, #tpu.memory_space<semaphore_mem>>) attributes {dimension_semantics = [#tpu.dimension_semantics<core_parallel>, #tpu.dimension_semantics<subcore_parallel>], iteration_bounds = array<i64: 2, 16>, scalar_prefetch = 0 : i64, scratch_operands = 10 : i64, tpu.core_type = #tpu.core_type<sc_vector_subcore>, window_params = [{transform_indices = #map}, {transform_indices = #map}]} {
    %mul3A = arith.constant 2 : i32
    %mul3A_0 = arith.muli %arg1, %mul3A : i32
    %add3A = arith.addi %mul3A_0, %arg0 : i32
    %mul3A_1 = arith.constant 9984 : i32
    %mul3A_2 = arith.muli %add3A, %mul3A_1 : i32
    %scan3A = arith.constant 0 : i32
    %scan3A_3 = arith.constant 0 : i32
    %scan3A_4 = arith.constant 40 : i32
    %scan3A_5 = arith.addi %scan3A_3, %scan3A_4 : i32
    %scan3A_6 = arith.constant 1 : i32
    scf.for %scan3A_152 = %scan3A_3 to %scan3A_5 step %scan3A_6  : i32 {
      %broadcast_in_dim3A_153 = arith.constant 0.000000e+00 : f32
      %broadcast_in_dim3A_154 = vector.broadcast %broadcast_in_dim3A_153 : f32 to vector<16xf32>
      %mul3A_155 = arith.constant 16 : i32
      %mul3A_156 = arith.muli %scan3A_152, %mul3A_155 : i32
      %swap3A_157 = arith.index_cast %mul3A_156 : i32 to index
      %swap3A_158 = tpu.vector_load %arg6[%swap3A_157] {strides = array<i32>} : memref<640xf32, #tpu.memory_space<vmem>>, vector<16xf32>,
      %swap3A_159 = vector.shape_cast %swap3A_158 : vector<16xf32> to vector<16xf32>
      %swap3A_160 = vector.shape_cast %broadcast_in_dim3A_154 : vector<16xf32> to vector<16xf32>
      tpu.vector_store %arg6[%swap3A_157], %swap3A_160 {strides = array<i32>} : memref<640xf32, #tpu.memory_space<vmem>>, vector<16xf32>,
    }
    %scan3A_7 = arith.constant 40 : i32
    %broadcast_in_dim3A = arith.constant 1.000000e+00 : f32
    %broadcast_in_dim3A_8 = vector.broadcast %broadcast_in_dim3A : f32 to vector<16xf32>
    %swap3A = arith.constant 0 : index
    %swap3A_9 = tpu.vector_load %arg5[%swap3A] {strides = array<i32>} : memref<128xf32, #tpu.memory_space<vmem>>, vector<16xf32>,
    %swap3A_10 = vector.shape_cast %swap3A_9 : vector<16xf32> to vector<16xf32>
    %swap3A_11 = vector.shape_cast %broadcast_in_dim3A_8 : vector<16xf32> to vector<16xf32>
    tpu.vector_store %arg5[%swap3A], %swap3A_11 {strides = array<i32>} : memref<128xf32, #tpu.memory_space<vmem>>, vector<16xf32>,
    %broadcast_in_dim3A_12 = arith.constant 1.000000e+00 : f32
    %broadcast_in_dim3A_13 = vector.broadcast %broadcast_in_dim3A_12 : f32 to vector<16xf32>
    %swap3A_14 = arith.constant 16 : index
    %swap3A_15 = tpu.vector_load %arg5[%swap3A_14] {strides = array<i32>} : memref<128xf32, #tpu.memory_space<vmem>>, vector<16xf32>,
    %swap3A_16 = vector.shape_cast %swap3A_15 : vector<16xf32> to vector<16xf32>
    %swap3A_17 = vector.shape_cast %broadcast_in_dim3A_13 : vector<16xf32> to vector<16xf32>
    tpu.vector_store %arg5[%swap3A_14], %swap3A_17 {strides = array<i32>} : memref<128xf32, #tpu.memory_space<vmem>>, vector<16xf32>,
    %broadcast_in_dim3A_18 = arith.constant 1.000000e+00 : f32
    %broadcast_in_dim3A_19 = vector.broadcast %broadcast_in_dim3A_18 : f32 to vector<16xf32>
    %swap3A_20 = arith.constant 32 : index
    %swap3A_21 = tpu.vector_load %arg5[%swap3A_20] {strides = array<i32>} : memref<128xf32, #tpu.memory_space<vmem>>, vector<16xf32>,
    %swap3A_22 = vector.shape_cast %swap3A_21 : vector<16xf32> to vector<16xf32>
    %swap3A_23 = vector.shape_cast %broadcast_in_dim3A_19 : vector<16xf32> to vector<16xf32>
    tpu.vector_store %arg5[%swap3A_20], %swap3A_23 {strides = array<i32>} : memref<128xf32, #tpu.memory_space<vmem>>, vector<16xf32>,
    %broadcast_in_dim3A_24 = arith.constant 1.000000e+00 : f32
    %broadcast_in_dim3A_25 = vector.broadcast %broadcast_in_dim3A_24 : f32 to vector<16xf32>
    %swap3A_26 = arith.constant 48 : index
    %swap3A_27 = tpu.vector_load %arg5[%swap3A_26] {strides = array<i32>} : memref<128xf32, #tpu.memory_space<vmem>>, vector<16xf32>,
    %swap3A_28 = vector.shape_cast %swap3A_27 : vector<16xf32> to vector<16xf32>
    %swap3A_29 = vector.shape_cast %broadcast_in_dim3A_25 : vector<16xf32> to vector<16xf32>
    tpu.vector_store %arg5[%swap3A_26], %swap3A_29 {strides = array<i32>} : memref<128xf32, #tpu.memory_space<vmem>>, vector<16xf32>,
    %broadcast_in_dim3A_30 = arith.constant 1.000000e+00 : f32
    %broadcast_in_dim3A_31 = vector.broadcast %broadcast_in_dim3A_30 : f32 to vector<16xf32>
    %swap3A_32 = arith.constant 64 : index
    %swap3A_33 = tpu.vector_load %arg5[%swap3A_32] {strides = array<i32>} : memref<128xf32, #tpu.memory_space<vmem>>, vector<16xf32>,
    %swap3A_34 = vector.shape_cast %swap3A_33 : vector<16xf32> to vector<16xf32>
    %swap3A_35 = vector.shape_cast %broadcast_in_dim3A_31 : vector<16xf32> to vector<16xf32>
    tpu.vector_store %arg5[%swap3A_32], %swap3A_35 {strides = array<i32>} : memref<128xf32, #tpu.memory_space<vmem>>, vector<16xf32>,
    %broadcast_in_dim3A_36 = arith.constant 1.000000e+00 : f32
    %broadcast_in_dim3A_37 = vector.broadcast %broadcast_in_dim3A_36 : f32 to vector<16xf32>
    %swap3A_38 = arith.constant 80 : index
    %swap3A_39 = tpu.vector_load %arg5[%swap3A_38] {strides = array<i32>} : memref<128xf32, #tpu.memory_space<vmem>>, vector<16xf32>,
    %swap3A_40 = vector.shape_cast %swap3A_39 : vector<16xf32> to vector<16xf32>
    %swap3A_41 = vector.shape_cast %broadcast_in_dim3A_37 : vector<16xf32> to vector<16xf32>
    tpu.vector_store %arg5[%swap3A_38], %swap3A_41 {strides = array<i32>} : memref<128xf32, #tpu.memory_space<vmem>>, vector<16xf32>,
    %broadcast_in_dim3A_42 = arith.constant 1.000000e+00 : f32
    %broadcast_in_dim3A_43 = vector.broadcast %broadcast_in_dim3A_42 : f32 to vector<16xf32>
    %swap3A_44 = arith.constant 96 : index
    %swap3A_45 = tpu.vector_load %arg5[%swap3A_44] {strides = array<i32>} : memref<128xf32, #tpu.memory_space<vmem>>, vector<16xf32>,
    %swap3A_46 = vector.shape_cast %swap3A_45 : vector<16xf32> to vector<16xf32>
    %swap3A_47 = vector.shape_cast %broadcast_in_dim3A_43 : vector<16xf32> to vector<16xf32>
    tpu.vector_store %arg5[%swap3A_44], %swap3A_47 {strides = array<i32>} : memref<128xf32, #tpu.memory_space<vmem>>, vector<16xf32>,
    %broadcast_in_dim3A_48 = arith.constant 1.000000e+00 : f32
    %broadcast_in_dim3A_49 = vector.broadcast %broadcast_in_dim3A_48 : f32 to vector<16xf32>
    %swap3A_50 = arith.constant 112 : index
    %swap3A_51 = tpu.vector_load %arg5[%swap3A_50] {strides = array<i32>} : memref<128xf32, #tpu.memory_space<vmem>>, vector<16xf32>,
    %swap3A_52 = vector.shape_cast %swap3A_51 : vector<16xf32> to vector<16xf32>
    %swap3A_53 = vector.shape_cast %broadcast_in_dim3A_49 : vector<16xf32> to vector<16xf32>
    tpu.vector_store %arg5[%swap3A_50], %swap3A_53 {strides = array<i32>} : memref<128xf32, #tpu.memory_space<vmem>>, vector<16xf32>,
    %mul3A_54 = arith.constant 640 : i32
    %mul3A_55 = arith.muli %arg1, %mul3A_54 : i32
    "tpu.region"() ({
      %run_scoped3A = tpu.sem_alloc : memref<!tpu.dma_semaphore, #tpu.memory_space<semaphore_mem>>
      %dma_start3A_152 = tpu.memref_slice %arg7[%mul3A_55] : memref<10240xf32, #tpu.memory_space<vmem_shared>> -> memref<640xf32, #tpu.memory_space<vmem_shared>>
      %dma_start3A_153 = tpu.memref_slice %arg7[%mul3A_55] : memref<10240xf32, #tpu.memory_space<vmem_shared>> -> memref<640xf32, #tpu.memory_space<vmem_shared>>
      tpu.enqueue_dma source(%arg6 : memref<640xf32, #tpu.memory_space<vmem>>) target(%dma_start3A_153 : memref<640xf32, #tpu.memory_space<vmem_shared>>) target_semaphore(%run_scoped3A : memref<!tpu.dma_semaphore, #tpu.memory_space<semaphore_mem>>)
      %dma_wait3A = tpu.memref_slice %arg7[%mul3A_55] : memref<10240xf32, #tpu.memory_space<vmem_shared>> -> memref<640xf32, #tpu.memory_space<vmem_shared>>
      %dma_wait3A_154 = tpu.memref_slice %arg7[%mul3A_55] : memref<10240xf32, #tpu.memory_space<vmem_shared>> -> memref<640xf32, #tpu.memory_space<vmem_shared>>
      tpu.wait_dma2 semaphore(%run_scoped3A : memref<!tpu.dma_semaphore, #tpu.memory_space<semaphore_mem>>) src(%arg6 : memref<640xf32, #tpu.memory_space<vmem>>) dst(%dma_wait3A_154 : memref<640xf32, #tpu.memory_space<vmem_shared>>)
      tpu.yield
    }) : () -> ()
    %barrier3A = arith.constant 0 : index
    tpu.barrier barrier_id(%barrier3A)
    %add3A_56 = arith.constant 0 : i32
    %add3A_57 = arith.addi %mul3A_2, %add3A_56 : i32
    %dma_start3A = arith.constant 1 : i32
    %dma_start3A_58 = arith.constant 0 : i32
    %dma_start3A_59 = arith.constant 0 : i32
    %dma_start3A_60 = tpu.memref_slice %arg4[%dma_start3A_58, %dma_start3A_59] : memref<6x128xi32, #tpu.memory_space<vmem>> -> memref<1x128xi32, #tpu.memory_space<vmem>>
    %dma_start3A_61 = tpu.memref_squeeze %dma_start3A_60 : memref<1x128xi32, #tpu.memory_space<vmem>> -> memref<128xi32, #tpu.memory_space<vmem>>
    %dma_start3A_62 = tpu.memref_slice %arg2[%dma_start3A, %add3A_57] : memref<2x320000xi32, #tpu.memory_space<hbm>> -> memref<1x128xi32, #tpu.memory_space<hbm>>
    %dma_start3A_63 = tpu.memref_squeeze %dma_start3A_62 : memref<1x128xi32, #tpu.memory_space<hbm>> -> memref<128xi32, #tpu.memory_space<hbm>>
    %dma_start3A_64 = arith.constant 0 : i32
    %dma_start3A_65 = tpu.memref_slice %arg4[%dma_start3A_58, %dma_start3A_64] : memref<6x128xi32, #tpu.memory_space<vmem>> -> memref<1x128xi32, #tpu.memory_space<vmem>>
    %dma_start3A_66 = tpu.memref_squeeze %dma_start3A_65 : memref<1x128xi32, #tpu.memory_space<vmem>> -> memref<128xi32, #tpu.memory_space<vmem>>
    %dma_start3A_67 = tpu.memref_slice %arg2[%dma_start3A, %add3A_57] : memref<2x320000xi32, #tpu.memory_space<hbm>> -> memref<1x128xi32, #tpu.memory_space<hbm>>
    %dma_start3A_68 = tpu.memref_squeeze %dma_start3A_67 : memref<1x128xi32, #tpu.memory_space<hbm>> -> memref<128xi32, #tpu.memory_space<hbm>>
    tpu.enqueue_dma source(%dma_start3A_68 : memref<128xi32, #tpu.memory_space<hbm>>) target(%dma_start3A_66 : memref<128xi32, #tpu.memory_space<vmem>>) target_semaphore(%arg8 : memref<!tpu.dma_semaphore, #tpu.memory_space<semaphore_mem>>)
    %add3A_69 = arith.constant 128 : i32
    %add3A_70 = arith.addi %mul3A_2, %add3A_69 : i32
    %dma_start3A_71 = arith.constant 1 : i32
    %dma_start3A_72 = arith.constant 1 : i32
    %dma_start3A_73 = arith.constant 0 : i32
    %dma_start3A_74 = tpu.memref_slice %arg4[%dma_start3A_72, %dma_start3A_73] : memref<6x128xi32, #tpu.memory_space<vmem>> -> memref<1x128xi32, #tpu.memory_space<vmem>>
    %dma_start3A_75 = tpu.memref_squeeze %dma_start3A_74 : memref<1x128xi32, #tpu.memory_space<vmem>> -> memref<128xi32, #tpu.memory_space<vmem>>
    %dma_start3A_76 = tpu.memref_slice %arg2[%dma_start3A_71, %add3A_70] : memref<2x320000xi32, #tpu.memory_space<hbm>> -> memref<1x128xi32, #tpu.memory_space<hbm>>
    %dma_start3A_77 = tpu.memref_squeeze %dma_start3A_76 : memref<1x128xi32, #tpu.memory_space<hbm>> -> memref<128xi32, #tpu.memory_space<hbm>>
    %dma_start3A_78 = arith.constant 0 : i32
    %dma_start3A_79 = tpu.memref_slice %arg4[%dma_start3A_72, %dma_start3A_78] : memref<6x128xi32, #tpu.memory_space<vmem>> -> memref<1x128xi32, #tpu.memory_space<vmem>>
    %dma_start3A_80 = tpu.memref_squeeze %dma_start3A_79 : memref<1x128xi32, #tpu.memory_space<vmem>> -> memref<128xi32, #tpu.memory_space<vmem>>
    %dma_start3A_81 = tpu.memref_slice %arg2[%dma_start3A_71, %add3A_70] : memref<2x320000xi32, #tpu.memory_space<hbm>> -> memref<1x128xi32, #tpu.memory_space<hbm>>
    %dma_start3A_82 = tpu.memref_squeeze %dma_start3A_81 : memref<1x128xi32, #tpu.memory_space<hbm>> -> memref<128xi32, #tpu.memory_space<hbm>>
    tpu.enqueue_dma source(%dma_start3A_82 : memref<128xi32, #tpu.memory_space<hbm>>) target(%dma_start3A_80 : memref<128xi32, #tpu.memory_space<vmem>>) target_semaphore(%arg9 : memref<!tpu.dma_semaphore, #tpu.memory_space<semaphore_mem>>)
    %add3A_83 = arith.constant 256 : i32
    %add3A_84 = arith.addi %mul3A_2, %add3A_83 : i32
    %dma_start3A_85 = arith.constant 1 : i32
    %dma_start3A_86 = arith.constant 2 : i32
    %dma_start3A_87 = arith.constant 0 : i32
    %dma_start3A_88 = tpu.memref_slice %arg4[%dma_start3A_86, %dma_start3A_87] : memref<6x128xi32, #tpu.memory_space<vmem>> -> memref<1x128xi32, #tpu.memory_space<vmem>>
    %dma_start3A_89 = tpu.memref_squeeze %dma_start3A_88 : memref<1x128xi32, #tpu.memory_space<vmem>> -> memref<128xi32, #tpu.memory_space<vmem>>
    %dma_start3A_90 = tpu.memref_slice %arg2[%dma_start3A_85, %add3A_84] : memref<2x320000xi32, #tpu.memory_space<hbm>> -> memref<1x128xi32, #tpu.memory_space<hbm>>
    %dma_start3A_91 = tpu.memref_squeeze %dma_start3A_90 : memref<1x128xi32, #tpu.memory_space<hbm>> -> memref<128xi32, #tpu.memory_space<hbm>>
    %dma_start3A_92 = arith.constant 0 : i32
    %dma_start3A_93 = tpu.memref_slice %arg4[%dma_start3A_86, %dma_start3A_92] : memref<6x128xi32, #tpu.memory_space<vmem>> -> memref<1x128xi32, #tpu.memory_space<vmem>>
    %dma_start3A_94 = tpu.memref_squeeze %dma_start3A_93 : memref<1x128xi32, #tpu.memory_space<vmem>> -> memref<128xi32, #tpu.memory_space<vmem>>
    %dma_start3A_95 = tpu.memref_slice %arg2[%dma_start3A_85, %add3A_84] : memref<2x320000xi32, #tpu.memory_space<hbm>> -> memref<1x128xi32, #tpu.memory_space<hbm>>
    %dma_start3A_96 = tpu.memref_squeeze %dma_start3A_95 : memref<1x128xi32, #tpu.memory_space<hbm>> -> memref<128xi32, #tpu.memory_space<hbm>>
    tpu.enqueue_dma source(%dma_start3A_96 : memref<128xi32, #tpu.memory_space<hbm>>) target(%dma_start3A_94 : memref<128xi32, #tpu.memory_space<vmem>>) target_semaphore(%arg10 : memref<!tpu.dma_semaphore, #tpu.memory_space<semaphore_mem>>)
    %add3A_97 = arith.constant 384 : i32
    %add3A_98 = arith.addi %mul3A_2, %add3A_97 : i32
    %dma_start3A_99 = arith.constant 1 : i32
    %dma_start3A_100 = arith.constant 3 : i32
    %dma_start3A_101 = arith.constant 0 : i32
    %dma_start3A_102 = tpu.memref_slice %arg4[%dma_start3A_100, %dma_start3A_101] : memref<6x128xi32, #tpu.memory_space<vmem>> -> memref<1x128xi32, #tpu.memory_space<vmem>>
    %dma_start3A_103 = tpu.memref_squeeze %dma_start3A_102 : memref<1x128xi32, #tpu.memory_space<vmem>> -> memref<128xi32, #tpu.memory_space<vmem>>
    %dma_start3A_104 = tpu.memref_slice %arg2[%dma_start3A_99, %add3A_98] : memref<2x320000xi32, #tpu.memory_space<hbm>> -> memref<1x128xi32, #tpu.memory_space<hbm>>
    %dma_start3A_105 = tpu.memref_squeeze %dma_start3A_104 : memref<1x128xi32, #tpu.memory_space<hbm>> -> memref<128xi32, #tpu.memory_space<hbm>>
    %dma_start3A_106 = arith.constant 0 : i32
    %dma_start3A_107 = tpu.memref_slice %arg4[%dma_start3A_100, %dma_start3A_106] : memref<6x128xi32, #tpu.memory_space<vmem>> -> memref<1x128xi32, #tpu.memory_space<vmem>>
    %dma_start3A_108 = tpu.memref_squeeze %dma_start3A_107 : memref<1x128xi32, #tpu.memory_space<vmem>> -> memref<128xi32, #tpu.memory_space<vmem>>
    %dma_start3A_109 = tpu.memref_slice %arg2[%dma_start3A_99, %add3A_98] : memref<2x320000xi32, #tpu.memory_space<hbm>> -> memref<1x128xi32, #tpu.memory_space<hbm>>
    %dma_start3A_110 = tpu.memref_squeeze %dma_start3A_109 : memref<1x128xi32, #tpu.memory_space<hbm>> -> memref<128xi32, #tpu.memory_space<hbm>>
    tpu.enqueue_dma source(%dma_start3A_110 : memref<128xi32, #tpu.memory_space<hbm>>) target(%dma_start3A_108 : memref<128xi32, #tpu.memory_space<vmem>>) target_semaphore(%arg11 : memref<!tpu.dma_semaphore, #tpu.memory_space<semaphore_mem>>)
    %add3A_111 = arith.constant 512 : i32
    %add3A_112 = arith.addi %mul3A_2, %add3A_111 : i32
    %dma_start3A_113 = arith.constant 1 : i32
    %dma_start3A_114 = arith.constant 4 : i32
    %dma_start3A_115 = arith.constant 0 : i32
    %dma_start3A_116 = tpu.memref_slice %arg4[%dma_start3A_114, %dma_start3A_115] : memref<6x128xi32, #tpu.memory_space<vmem>> -> memref<1x128xi32, #tpu.memory_space<vmem>>
    %dma_start3A_117 = tpu.memref_squeeze %dma_start3A_116 : memref<1x128xi32, #tpu.memory_space<vmem>> -> memref<128xi32, #tpu.memory_space<vmem>>
    %dma_start3A_118 = tpu.memref_slice %arg2[%dma_start3A_113, %add3A_112] : memref<2x320000xi32, #tpu.memory_space<hbm>> -> memref<1x128xi32, #tpu.memory_space<hbm>>
    %dma_start3A_119 = tpu.memref_squeeze %dma_start3A_118 : memref<1x128xi32, #tpu.memory_space<hbm>> -> memref<128xi32, #tpu.memory_space<hbm>>
    %dma_start3A_120 = arith.constant 0 : i32
    %dma_start3A_121 = tpu.memref_slice %arg4[%dma_start3A_114, %dma_start3A_120] : memref<6x128xi32, #tpu.memory_space<vmem>> -> memref<1x128xi32, #tpu.memory_space<vmem>>
    %dma_start3A_122 = tpu.memref_squeeze %dma_start3A_121 : memref<1x128xi32, #tpu.memory_space<vmem>> -> memref<128xi32, #tpu.memory_space<vmem>>
    %dma_start3A_123 = tpu.memref_slice %arg2[%dma_start3A_113, %add3A_112] : memref<2x320000xi32, #tpu.memory_space<hbm>> -> memref<1x128xi32, #tpu.memory_space<hbm>>
    %dma_start3A_124 = tpu.memref_squeeze %dma_start3A_123 : memref<1x128xi32, #tpu.memory_space<hbm>> -> memref<128xi32, #tpu.memory_space<hbm>>
    tpu.enqueue_dma source(%dma_start3A_124 : memref<128xi32, #tpu.memory_space<hbm>>) target(%dma_start3A_122 : memref<128xi32, #tpu.memory_space<vmem>>) target_semaphore(%arg12 : memref<!tpu.dma_semaphore, #tpu.memory_space<semaphore_mem>>)
    %add3A_125 = arith.constant 640 : i32
    %add3A_126 = arith.addi %mul3A_2, %add3A_125 : i32
    %dma_start3A_127 = arith.constant 1 : i32
    %dma_start3A_128 = arith.constant 5 : i32
    %dma_start3A_129 = arith.constant 0 : i32
    %dma_start3A_130 = tpu.memref_slice %arg4[%dma_start3A_128, %dma_start3A_129] : memref<6x128xi32, #tpu.memory_space<vmem>> -> memref<1x128xi32, #tpu.memory_space<vmem>>
    %dma_start3A_131 = tpu.memref_squeeze %dma_start3A_130 : memref<1x128xi32, #tpu.memory_space<vmem>> -> memref<128xi32, #tpu.memory_space<vmem>>
    %dma_start3A_132 = tpu.memref_slice %arg2[%dma_start3A_127, %add3A_126] : memref<2x320000xi32, #tpu.memory_space<hbm>> -> memref<1x128xi32, #tpu.memory_space<hbm>>
    %dma_start3A_133 = tpu.memref_squeeze %dma_start3A_132 : memref<1x128xi32, #tpu.memory_space<hbm>> -> memref<128xi32, #tpu.memory_space<hbm>>
    %dma_start3A_134 = arith.constant 0 : i32
    %dma_start3A_135 = tpu.memref_slice %arg4[%dma_start3A_128, %dma_start3A_134] : memref<6x128xi32, #tpu.memory_space<vmem>> -> memref<1x128xi32, #tpu.memory_space<vmem>>
    %dma_start3A_136 = tpu.memref_squeeze %dma_start3A_135 : memref<1x128xi32, #tpu.memory_space<vmem>> -> memref<128xi32, #tpu.memory_space<vmem>>
    %dma_start3A_137 = tpu.memref_slice %arg2[%dma_start3A_127, %add3A_126] : memref<2x320000xi32, #tpu.memory_space<hbm>> -> memref<1x128xi32, #tpu.memory_space<hbm>>
    %dma_start3A_138 = tpu.memref_squeeze %dma_start3A_137 : memref<1x128xi32, #tpu.memory_space<hbm>> -> memref<128xi32, #tpu.memory_space<hbm>>
    tpu.enqueue_dma source(%dma_start3A_138 : memref<128xi32, #tpu.memory_space<hbm>>) target(%dma_start3A_136 : memref<128xi32, #tpu.memory_space<vmem>>) target_semaphore(%arg13 : memref<!tpu.dma_semaphore, #tpu.memory_space<semaphore_mem>>)
    %scan3A_139 = arith.constant 0 : i32
    %scan3A_140 = arith.constant 0 : i32
    %scan3A_141 = arith.constant 13 : i32
    %scan3A_142 = arith.addi %scan3A_140, %scan3A_141 : i32
    %scan3A_143 = arith.constant 1 : i32
    scf.for %scan3A_152 = %scan3A_140 to %scan3A_142 step %scan3A_143  : i32 {
      %mul3A_153 = arith.constant 6 : i32
      %mul3A_154 = arith.muli %mul3A_153, %scan3A_152 : i32
      %add3A_155 = arith.constant 0 : i32
      %add3A_156 = arith.addi %mul3A_154, %add3A_155 : i32
      %mul3A_157 = arith.constant 128 : i32
      %mul3A_158 = arith.muli %add3A_156, %mul3A_157 : i32
      %add3A_159 = arith.addi %mul3A_2, %mul3A_158 : i32
      %dma_wait3A = arith.constant 1 : i32
      %dma_wait3A_160 = arith.constant 0 : i32
      %dma_wait3A_161 = arith.constant 0 : i32
      %dma_wait3A_162 = tpu.memref_slice %arg4[%dma_wait3A_160, %dma_wait3A_161] : memref<6x128xi32, #tpu.memory_space<vmem>> -> memref<1x128xi32, #tpu.memory_space<vmem>>
      %dma_wait3A_163 = tpu.memref_squeeze %dma_wait3A_162 : memref<1x128xi32, #tpu.memory_space<vmem>> -> memref<128xi32, #tpu.memory_space<vmem>>
      %dma_wait3A_164 = tpu.memref_slice %arg2[%dma_wait3A, %add3A_159] : memref<2x320000xi32, #tpu.memory_space<hbm>> -> memref<1x128xi32, #tpu.memory_space<hbm>>
      %dma_wait3A_165 = tpu.memref_squeeze %dma_wait3A_164 : memref<1x128xi32, #tpu.memory_space<hbm>> -> memref<128xi32, #tpu.memory_space<hbm>>
      %dma_wait3A_166 = arith.constant 0 : i32
      %dma_wait3A_167 = tpu.memref_slice %arg4[%dma_wait3A_160, %dma_wait3A_166] : memref<6x128xi32, #tpu.memory_space<vmem>> -> memref<1x128xi32, #tpu.memory_space<vmem>>
      %dma_wait3A_168 = tpu.memref_squeeze %dma_wait3A_167 : memref<1x128xi32, #tpu.memory_space<vmem>> -> memref<128xi32, #tpu.memory_space<vmem>>
      %dma_wait3A_169 = tpu.memref_slice %arg2[%dma_wait3A, %add3A_159] : memref<2x320000xi32, #tpu.memory_space<hbm>> -> memref<1x128xi32, #tpu.memory_space<hbm>>
      %dma_wait3A_170 = tpu.memref_squeeze %dma_wait3A_169 : memref<1x128xi32, #tpu.memory_space<hbm>> -> memref<128xi32, #tpu.memory_space<hbm>>
      tpu.wait_dma2 semaphore(%arg8 : memref<!tpu.dma_semaphore, #tpu.memory_space<semaphore_mem>>) src(%dma_wait3A_170 : memref<128xi32, #tpu.memory_space<hbm>>) dst(%dma_wait3A_168 : memref<128xi32, #tpu.memory_space<vmem>>)
      %run_scoped3A = arith.constant 0 : i32
      "tpu.region"() ({
        %run_scoped3A_315 = tpu.sem_alloc : memref<!tpu.dma_semaphore, #tpu.memory_space<semaphore_mem>>
        %dma_start3A_316 = arith.constant 0 : i32
        %dma_start3A_317 = tpu.memref_slice %arg4[%run_scoped3A, %dma_start3A_316] : memref<6x128xi32, #tpu.memory_space<vmem>> -> memref<1x128xi32, #tpu.memory_space<vmem>>
        %dma_start3A_318 = tpu.memref_squeeze %dma_start3A_317 : memref<1x128xi32, #tpu.memory_space<vmem>> -> memref<128xi32, #tpu.memory_space<vmem>>
        %dma_start3A_319 = arith.constant 0 : i32
        %dma_start3A_320 = tpu.memref_slice %arg7[%dma_start3A_319] : memref<10240xf32, #tpu.memory_space<vmem_shared>> -> memref<10240xf32, #tpu.memory_space<vmem_shared>>
        tpu.enqueue_indirect_dma source(%arg5 : memref<128xf32, #tpu.memory_space<vmem>>) target(%dma_start3A_320 : memref<10240xf32, #tpu.memory_space<vmem_shared>>) offsets(%dma_start3A_318 : memref<128xi32, #tpu.memory_space<vmem>>) semaphore(%run_scoped3A_315 : memref<!tpu.dma_semaphore, #tpu.memory_space<semaphore_mem>>) {add = true}
        %dma_wait3A_321 = arith.constant 0 : i32
        %dma_wait3A_322 = tpu.memref_slice %arg4[%run_scoped3A, %dma_wait3A_321] : memref<6x128xi32, #tpu.memory_space<vmem>> -> memref<1x128xi32, #tpu.memory_space<vmem>>
        %dma_wait3A_323 = tpu.memref_squeeze %dma_wait3A_322 : memref<1x128xi32, #tpu.memory_space<vmem>> -> memref<128xi32, #tpu.memory_space<vmem>>
        %dma_wait3A_324 = arith.constant 0 : i32
        %dma_wait3A_325 = tpu.memref_slice %arg7[%dma_wait3A_324] : memref<10240xf32, #tpu.memory_space<vmem_shared>> -> memref<10240xf32, #tpu.memory_space<vmem_shared>>
        tpu.wait_indirect_dma semaphore(%run_scoped3A_315 : memref<!tpu.dma_semaphore, #tpu.memory_space<semaphore_mem>>) src(%arg5 : memref<128xf32, #tpu.memory_space<vmem>>) dst(%dma_wait3A_325 : memref<10240xf32, #tpu.memory_space<vmem_shared>>)
        tpu.yield
      }) : () -> ()
      %add3A_171 = arith.constant 0 : i32
      %add3A_172 = arith.addi %mul3A_154, %add3A_171 : i32
      %add3A_173 = arith.constant 6 : i32
      %add3A_174 = arith.addi %add3A_172, %add3A_173 : i32
      %lt3A_175 = arith.constant 78 : i32
      %lt3A_176 = arith.cmpi slt, %add3A_174, %lt3A_175 : i32
      %convert_element_type3A_177 = arith.extui %lt3A_176 : i1 to i32
      %cond3A_178 = arith.constant 0 : i32
      %cond3A_179 = arith.cmpi ne, %convert_element_type3A_177, %cond3A_178 : i32
      scf.if %cond3A_179 {
        %add3A_315 = arith.constant 0 : i32
        %add3A_316 = arith.addi %mul3A_154, %add3A_315 : i32
        %add3A_317 = arith.constant 6 : i32
        %add3A_318 = arith.addi %add3A_316, %add3A_317 : i32
        %mul3A_319 = arith.constant 128 : i32
        %mul3A_320 = arith.muli %add3A_318, %mul3A_319 : i32
        %add3A_321 = arith.addi %mul3A_2, %mul3A_320 : i32
        %dma_start3A_322 = arith.constant 1 : i32
        %dma_start3A_323 = arith.constant 0 : i32
        %dma_start3A_324 = arith.constant 0 : i32
        %dma_start3A_325 = tpu.memref_slice %arg4[%dma_start3A_323, %dma_start3A_324] : memref<6x128xi32, #tpu.memory_space<vmem>> -> memref<1x128xi32, #tpu.memory_space<vmem>>
        %dma_start3A_326 = tpu.memref_squeeze %dma_start3A_325 : memref<1x128xi32, #tpu.memory_space<vmem>> -> memref<128xi32, #tpu.memory_space<vmem>>
        %dma_start3A_327 = tpu.memref_slice %arg2[%dma_start3A_322, %add3A_321] : memref<2x320000xi32, #tpu.memory_space<hbm>> -> memref<1x128xi32, #tpu.memory_space<hbm>>
        %dma_start3A_328 = tpu.memref_squeeze %dma_start3A_327 : memref<1x128xi32, #tpu.memory_space<hbm>> -> memref<128xi32, #tpu.memory_space<hbm>>
        %dma_start3A_329 = arith.constant 0 : i32
        %dma_start3A_330 = tpu.memref_slice %arg4[%dma_start3A_323, %dma_start3A_329] : memref<6x128xi32, #tpu.memory_space<vmem>> -> memref<1x128xi32, #tpu.memory_space<vmem>>
        %dma_start3A_331 = tpu.memref_squeeze %dma_start3A_330 : memref<1x128xi32, #tpu.memory_space<vmem>> -> memref<128xi32, #tpu.memory_space<vmem>>
        %dma_start3A_332 = tpu.memref_slice %arg2[%dma_start3A_322, %add3A_321] : memref<2x320000xi32, #tpu.memory_space<hbm>> -> memref<1x128xi32, #tpu.memory_space<hbm>>
        %dma_start3A_333 = tpu.memref_squeeze %dma_start3A_332 : memref<1x128xi32, #tpu.memory_space<hbm>> -> memref<128xi32, #tpu.memory_space<hbm>>
        tpu.enqueue_dma source(%dma_start3A_333 : memref<128xi32, #tpu.memory_space<hbm>>) target(%dma_start3A_331 : memref<128xi32, #tpu.memory_space<vmem>>) target_semaphore(%arg8 : memref<!tpu.dma_semaphore, #tpu.memory_space<semaphore_mem>>)
      } else {
      }
      %add3A_180 = arith.constant 1 : i32
      %add3A_181 = arith.addi %mul3A_154, %add3A_180 : i32
      %mul3A_182 = arith.constant 128 : i32
      %mul3A_183 = arith.muli %add3A_181, %mul3A_182 : i32
      %add3A_184 = arith.addi %mul3A_2, %mul3A_183 : i32
      %dma_wait3A_185 = arith.constant 1 : i32
      %dma_wait3A_186 = arith.constant 1 : i32
      %dma_wait3A_187 = arith.constant 0 : i32
      %dma_wait3A_188 = tpu.memref_slice %arg4[%dma_wait3A_186, %dma_wait3A_187] : memref<6x128xi32, #tpu.memory_space<vmem>> -> memref<1x128xi32, #tpu.memory_space<vmem>>
      %dma_wait3A_189 = tpu.memref_squeeze %dma_wait3A_188 : memref<1x128xi32, #tpu.memory_space<vmem>> -> memref<128xi32, #tpu.memory_space<vmem>>
      %dma_wait3A_190 = tpu.memref_slice %arg2[%dma_wait3A_185, %add3A_184] : memref<2x320000xi32, #tpu.memory_space<hbm>> -> memref<1x128xi32, #tpu.memory_space<hbm>>
      %dma_wait3A_191 = tpu.memref_squeeze %dma_wait3A_190 : memref<1x128xi32, #tpu.memory_space<hbm>> -> memref<128xi32, #tpu.memory_space<hbm>>
      %dma_wait3A_192 = arith.constant 0 : i32
      %dma_wait3A_193 = tpu.memref_slice %arg4[%dma_wait3A_186, %dma_wait3A_192] : memref<6x128xi32, #tpu.memory_space<vmem>> -> memref<1x128xi32, #tpu.memory_space<vmem>>
      %dma_wait3A_194 = tpu.memref_squeeze %dma_wait3A_193 : memref<1x128xi32, #tpu.memory_space<vmem>> -> memref<128xi32, #tpu.memory_space<vmem>>
      %dma_wait3A_195 = tpu.memref_slice %arg2[%dma_wait3A_185, %add3A_184] : memref<2x320000xi32, #tpu.memory_space<hbm>> -> memref<1x128xi32, #tpu.memory_space<hbm>>
      %dma_wait3A_196 = tpu.memref_squeeze %dma_wait3A_195 : memref<1x128xi32, #tpu.memory_space<hbm>> -> memref<128xi32, #tpu.memory_space<hbm>>
      tpu.wait_dma2 semaphore(%arg9 : memref<!tpu.dma_semaphore, #tpu.memory_space<semaphore_mem>>) src(%dma_wait3A_196 : memref<128xi32, #tpu.memory_space<hbm>>) dst(%dma_wait3A_194 : memref<128xi32, #tpu.memory_space<vmem>>)
      %run_scoped3A_197 = arith.constant 1 : i32
      "tpu.region"() ({
        %run_scoped3A_315 = tpu.sem_alloc : memref<!tpu.dma_semaphore, #tpu.memory_space<semaphore_mem>>
        %dma_start3A_316 = arith.constant 0 : i32
        %dma_start3A_317 = tpu.memref_slice %arg4[%run_scoped3A_197, %dma_start3A_316] : memref<6x128xi32, #tpu.memory_space<vmem>> -> memref<1x128xi32, #tpu.memory_space<vmem>>
        %dma_start3A_318 = tpu.memref_squeeze %dma_start3A_317 : memref<1x128xi32, #tpu.memory_space<vmem>> -> memref<128xi32, #tpu.memory_space<vmem>>
        %dma_start3A_319 = arith.constant 0 : i32
        %dma_start3A_320 = tpu.memref_slice %arg7[%dma_start3A_319] : memref<10240xf32, #tpu.memory_space<vmem_shared>> -> memref<10240xf32, #tpu.memory_space<vmem_shared>>
        tpu.enqueue_indirect_dma source(%arg5 : memref<128xf32, #tpu.memory_space<vmem>>) target(%dma_start3A_320 : memref<10240xf32, #tpu.memory_space<vmem_shared>>) offsets(%dma_start3A_318 : memref<128xi32, #tpu.memory_space<vmem>>) semaphore(%run_scoped3A_315 : memref<!tpu.dma_semaphore, #tpu.memory_space<semaphore_mem>>) {add = true}
        %dma_wait3A_321 = arith.constant 0 : i32
        %dma_wait3A_322 = tpu.memref_slice %arg4[%run_scoped3A_197, %dma_wait3A_321] : memref<6x128xi32, #tpu.memory_space<vmem>> -> memref<1x128xi32, #tpu.memory_space<vmem>>
        %dma_wait3A_323 = tpu.memref_squeeze %dma_wait3A_322 : memref<1x128xi32, #tpu.memory_space<vmem>> -> memref<128xi32, #tpu.memory_space<vmem>>
        %dma_wait3A_324 = arith.constant 0 : i32
        %dma_wait3A_325 = tpu.memref_slice %arg7[%dma_wait3A_324] : memref<10240xf32, #tpu.memory_space<vmem_shared>> -> memref<10240xf32, #tpu.memory_space<vmem_shared>>
        tpu.wait_indirect_dma semaphore(%run_scoped3A_315 : memref<!tpu.dma_semaphore, #tpu.memory_space<semaphore_mem>>) src(%arg5 : memref<128xf32, #tpu.memory_space<vmem>>) dst(%dma_wait3A_325 : memref<10240xf32, #tpu.memory_space<vmem_shared>>)
        tpu.yield
      }) : () -> ()
      %add3A_198 = arith.constant 1 : i32
      %add3A_199 = arith.addi %mul3A_154, %add3A_198 : i32
      %add3A_200 = arith.constant 6 : i32
      %add3A_201 = arith.addi %add3A_199, %add3A_200 : i32
      %lt3A_202 = arith.constant 78 : i32
      %lt3A_203 = arith.cmpi slt, %add3A_201, %lt3A_202 : i32
      %convert_element_type3A_204 = arith.extui %lt3A_203 : i1 to i32
      %cond3A_205 = arith.constant 0 : i32
      %cond3A_206 = arith.cmpi ne, %convert_element_type3A_204, %cond3A_205 : i32
      scf.if %cond3A_206 {
        %add3A_315 = arith.constant 1 : i32
        %add3A_316 = arith.addi %mul3A_154, %add3A_315 : i32
        %add3A_317 = arith.constant 6 : i32
        %add3A_318 = arith.addi %add3A_316, %add3A_317 : i32
        %mul3A_319 = arith.constant 128 : i32
        %mul3A_320 = arith.muli %add3A_318, %mul3A_319 : i32
        %add3A_321 = arith.addi %mul3A_2, %mul3A_320 : i32
        %dma_start3A_322 = arith.constant 1 : i32
        %dma_start3A_323 = arith.constant 1 : i32
        %dma_start3A_324 = arith.constant 0 : i32
        %dma_start3A_325 = tpu.memref_slice %arg4[%dma_start3A_323, %dma_start3A_324] : memref<6x128xi32, #tpu.memory_space<vmem>> -> memref<1x128xi32, #tpu.memory_space<vmem>>
        %dma_start3A_326 = tpu.memref_squeeze %dma_start3A_325 : memref<1x128xi32, #tpu.memory_space<vmem>> -> memref<128xi32, #tpu.memory_space<vmem>>
        %dma_start3A_327 = tpu.memref_slice %arg2[%dma_start3A_322, %add3A_321] : memref<2x320000xi32, #tpu.memory_space<hbm>> -> memref<1x128xi32, #tpu.memory_space<hbm>>
        %dma_start3A_328 = tpu.memref_squeeze %dma_start3A_327 : memref<1x128xi32, #tpu.memory_space<hbm>> -> memref<128xi32, #tpu.memory_space<hbm>>
        %dma_start3A_329 = arith.constant 0 : i32
        %dma_start3A_330 = tpu.memref_slice %arg4[%dma_start3A_323, %dma_start3A_329] : memref<6x128xi32, #tpu.memory_space<vmem>> -> memref<1x128xi32, #tpu.memory_space<vmem>>
        %dma_start3A_331 = tpu.memref_squeeze %dma_start3A_330 : memref<1x128xi32, #tpu.memory_space<vmem>> -> memref<128xi32, #tpu.memory_space<vmem>>
        %dma_start3A_332 = tpu.memref_slice %arg2[%dma_start3A_322, %add3A_321] : memref<2x320000xi32, #tpu.memory_space<hbm>> -> memref<1x128xi32, #tpu.memory_space<hbm>>
        %dma_start3A_333 = tpu.memref_squeeze %dma_start3A_332 : memref<1x128xi32, #tpu.memory_space<hbm>> -> memref<128xi32, #tpu.memory_space<hbm>>
        tpu.enqueue_dma source(%dma_start3A_333 : memref<128xi32, #tpu.memory_space<hbm>>) target(%dma_start3A_331 : memref<128xi32, #tpu.memory_space<vmem>>) target_semaphore(%arg9 : memref<!tpu.dma_semaphore, #tpu.memory_space<semaphore_mem>>)
      } else {
      }
      %add3A_207 = arith.constant 2 : i32
      %add3A_208 = arith.addi %mul3A_154, %add3A_207 : i32
      %mul3A_209 = arith.constant 128 : i32
      %mul3A_210 = arith.muli %add3A_208, %mul3A_209 : i32
      %add3A_211 = arith.addi %mul3A_2, %mul3A_210 : i32
      %dma_wait3A_212 = arith.constant 1 : i32
      %dma_wait3A_213 = arith.constant 2 : i32
      %dma_wait3A_214 = arith.constant 0 : i32
      %dma_wait3A_215 = tpu.memref_slice %arg4[%dma_wait3A_213, %dma_wait3A_214] : memref<6x128xi32, #tpu.memory_space<vmem>> -> memref<1x128xi32, #tpu.memory_space<vmem>>
      %dma_wait3A_216 = tpu.memref_squeeze %dma_wait3A_215 : memref<1x128xi32, #tpu.memory_space<vmem>> -> memref<128xi32, #tpu.memory_space<vmem>>
      %dma_wait3A_217 = tpu.memref_slice %arg2[%dma_wait3A_212, %add3A_211] : memref<2x320000xi32, #tpu.memory_space<hbm>> -> memref<1x128xi32, #tpu.memory_space<hbm>>
      %dma_wait3A_218 = tpu.memref_squeeze %dma_wait3A_217 : memref<1x128xi32, #tpu.memory_space<hbm>> -> memref<128xi32, #tpu.memory_space<hbm>>
      %dma_wait3A_219 = arith.constant 0 : i32
      %dma_wait3A_220 = tpu.memref_slice %arg4[%dma_wait3A_213, %dma_wait3A_219] : memref<6x128xi32, #tpu.memory_space<vmem>> -> memref<1x128xi32, #tpu.memory_space<vmem>>
      %dma_wait3A_221 = tpu.memref_squeeze %dma_wait3A_220 : memref<1x128xi32, #tpu.memory_space<vmem>> -> memref<128xi32, #tpu.memory_space<vmem>>
      %dma_wait3A_222 = tpu.memref_slice %arg2[%dma_wait3A_212, %add3A_211] : memref<2x320000xi32, #tpu.memory_space<hbm>> -> memref<1x128xi32, #tpu.memory_space<hbm>>
      %dma_wait3A_223 = tpu.memref_squeeze %dma_wait3A_222 : memref<1x128xi32, #tpu.memory_space<hbm>> -> memref<128xi32, #tpu.memory_space<hbm>>
      tpu.wait_dma2 semaphore(%arg10 : memref<!tpu.dma_semaphore, #tpu.memory_space<semaphore_mem>>) src(%dma_wait3A_223 : memref<128xi32, #tpu.memory_space<hbm>>) dst(%dma_wait3A_221 : memref<128xi32, #tpu.memory_space<vmem>>)
      %run_scoped3A_224 = arith.constant 2 : i32
      "tpu.region"() ({
        %run_scoped3A_315 = tpu.sem_alloc : memref<!tpu.dma_semaphore, #tpu.memory_space<semaphore_mem>>
        %dma_start3A_316 = arith.constant 0 : i32
        %dma_start3A_317 = tpu.memref_slice %arg4[%run_scoped3A_224, %dma_start3A_316] : memref<6x128xi32, #tpu.memory_space<vmem>> -> memref<1x128xi32, #tpu.memory_space<vmem>>
        %dma_start3A_318 = tpu.memref_squeeze %dma_start3A_317 : memref<1x128xi32, #tpu.memory_space<vmem>> -> memref<128xi32, #tpu.memory_space<vmem>>
        %dma_start3A_319 = arith.constant 0 : i32
        %dma_start3A_320 = tpu.memref_slice %arg7[%dma_start3A_319] : memref<10240xf32, #tpu.memory_space<vmem_shared>> -> memref<10240xf32, #tpu.memory_space<vmem_shared>>
        tpu.enqueue_indirect_dma source(%arg5 : memref<128xf32, #tpu.memory_space<vmem>>) target(%dma_start3A_320 : memref<10240xf32, #tpu.memory_space<vmem_shared>>) offsets(%dma_start3A_318 : memref<128xi32, #tpu.memory_space<vmem>>) semaphore(%run_scoped3A_315 : memref<!tpu.dma_semaphore, #tpu.memory_space<semaphore_mem>>) {add = true}
        %dma_wait3A_321 = arith.constant 0 : i32
        %dma_wait3A_322 = tpu.memref_slice %arg4[%run_scoped3A_224, %dma_wait3A_321] : memref<6x128xi32, #tpu.memory_space<vmem>> -> memref<1x128xi32, #tpu.memory_space<vmem>>
        %dma_wait3A_323 = tpu.memref_squeeze %dma_wait3A_322 : memref<1x128xi32, #tpu.memory_space<vmem>> -> memref<128xi32, #tpu.memory_space<vmem>>
        %dma_wait3A_324 = arith.constant 0 : i32
        %dma_wait3A_325 = tpu.memref_slice %arg7[%dma_wait3A_324] : memref<10240xf32, #tpu.memory_space<vmem_shared>> -> memref<10240xf32, #tpu.memory_space<vmem_shared>>
        tpu.wait_indirect_dma semaphore(%run_scoped3A_315 : memref<!tpu.dma_semaphore, #tpu.memory_space<semaphore_mem>>) src(%arg5 : memref<128xf32, #tpu.memory_space<vmem>>) dst(%dma_wait3A_325 : memref<10240xf32, #tpu.memory_space<vmem_shared>>)
        tpu.yield
      }) : () -> ()
      %add3A_225 = arith.constant 2 : i32
      %add3A_226 = arith.addi %mul3A_154, %add3A_225 : i32
      %add3A_227 = arith.constant 6 : i32
      %add3A_228 = arith.addi %add3A_226, %add3A_227 : i32
      %lt3A_229 = arith.constant 78 : i32
      %lt3A_230 = arith.cmpi slt, %add3A_228, %lt3A_229 : i32
      %convert_element_type3A_231 = arith.extui %lt3A_230 : i1 to i32
      %cond3A_232 = arith.constant 0 : i32
      %cond3A_233 = arith.cmpi ne, %convert_element_type3A_231, %cond3A_232 : i32
      scf.if %cond3A_233 {
        %add3A_315 = arith.constant 2 : i32
        %add3A_316 = arith.addi %mul3A_154, %add3A_315 : i32
        %add3A_317 = arith.constant 6 : i32
        %add3A_318 = arith.addi %add3A_316, %add3A_317 : i32
        %mul3A_319 = arith.constant 128 : i32
        %mul3A_320 = arith.muli %add3A_318, %mul3A_319 : i32
        %add3A_321 = arith.addi %mul3A_2, %mul3A_320 : i32
        %dma_start3A_322 = arith.constant 1 : i32
        %dma_start3A_323 = arith.constant 2 : i32
        %dma_start3A_324 = arith.constant 0 : i32
        %dma_start3A_325 = tpu.memref_slice %arg4[%dma_start3A_323, %dma_start3A_324] : memref<6x128xi32, #tpu.memory_space<vmem>> -> memref<1x128xi32, #tpu.memory_space<vmem>>
        %dma_start3A_326 = tpu.memref_squeeze %dma_start3A_325 : memref<1x128xi32, #tpu.memory_space<vmem>> -> memref<128xi32, #tpu.memory_space<vmem>>
        %dma_start3A_327 = tpu.memref_slice %arg2[%dma_start3A_322, %add3A_321] : memref<2x320000xi32, #tpu.memory_space<hbm>> -> memref<1x128xi32, #tpu.memory_space<hbm>>
        %dma_start3A_328 = tpu.memref_squeeze %dma_start3A_327 : memref<1x128xi32, #tpu.memory_space<hbm>> -> memref<128xi32, #tpu.memory_space<hbm>>
        %dma_start3A_329 = arith.constant 0 : i32
        %dma_start3A_330 = tpu.memref_slice %arg4[%dma_start3A_323, %dma_start3A_329] : memref<6x128xi32, #tpu.memory_space<vmem>> -> memref<1x128xi32, #tpu.memory_space<vmem>>
        %dma_start3A_331 = tpu.memref_squeeze %dma_start3A_330 : memref<1x128xi32, #tpu.memory_space<vmem>> -> memref<128xi32, #tpu.memory_space<vmem>>
        %dma_start3A_332 = tpu.memref_slice %arg2[%dma_start3A_322, %add3A_321] : memref<2x320000xi32, #tpu.memory_space<hbm>> -> memref<1x128xi32, #tpu.memory_space<hbm>>
        %dma_start3A_333 = tpu.memref_squeeze %dma_start3A_332 : memref<1x128xi32, #tpu.memory_space<hbm>> -> memref<128xi32, #tpu.memory_space<hbm>>
        tpu.enqueue_dma source(%dma_start3A_333 : memref<128xi32, #tpu.memory_space<hbm>>) target(%dma_start3A_331 : memref<128xi32, #tpu.memory_space<vmem>>) target_semaphore(%arg10 : memref<!tpu.dma_semaphore, #tpu.memory_space<semaphore_mem>>)
      } else {
      }
      %add3A_234 = arith.constant 3 : i32
      %add3A_235 = arith.addi %mul3A_154, %add3A_234 : i32
      %mul3A_236 = arith.constant 128 : i32
      %mul3A_237 = arith.muli %add3A_235, %mul3A_236 : i32
      %add3A_238 = arith.addi %mul3A_2, %mul3A_237 : i32
      %dma_wait3A_239 = arith.constant 1 : i32
      %dma_wait3A_240 = arith.constant 3 : i32
      %dma_wait3A_241 = arith.constant 0 : i32
      %dma_wait3A_242 = tpu.memref_slice %arg4[%dma_wait3A_240, %dma_wait3A_241] : memref<6x128xi32, #tpu.memory_space<vmem>> -> memref<1x128xi32, #tpu.memory_space<vmem>>
      %dma_wait3A_243 = tpu.memref_squeeze %dma_wait3A_242 : memref<1x128xi32, #tpu.memory_space<vmem>> -> memref<128xi32, #tpu.memory_space<vmem>>
      %dma_wait3A_244 = tpu.memref_slice %arg2[%dma_wait3A_239, %add3A_238] : memref<2x320000xi32, #tpu.memory_space<hbm>> -> memref<1x128xi32, #tpu.memory_space<hbm>>
      %dma_wait3A_245 = tpu.memref_squeeze %dma_wait3A_244 : memref<1x128xi32, #tpu.memory_space<hbm>> -> memref<128xi32, #tpu.memory_space<hbm>>
      %dma_wait3A_246 = arith.constant 0 : i32
      %dma_wait3A_247 = tpu.memref_slice %arg4[%dma_wait3A_240, %dma_wait3A_246] : memref<6x128xi32, #tpu.memory_space<vmem>> -> memref<1x128xi32, #tpu.memory_space<vmem>>
      %dma_wait3A_248 = tpu.memref_squeeze %dma_wait3A_247 : memref<1x128xi32, #tpu.memory_space<vmem>> -> memref<128xi32, #tpu.memory_space<vmem>>
      %dma_wait3A_249 = tpu.memref_slice %arg2[%dma_wait3A_239, %add3A_238] : memref<2x320000xi32, #tpu.memory_space<hbm>> -> memref<1x128xi32, #tpu.memory_space<hbm>>
      %dma_wait3A_250 = tpu.memref_squeeze %dma_wait3A_249 : memref<1x128xi32, #tpu.memory_space<hbm>> -> memref<128xi32, #tpu.memory_space<hbm>>
      tpu.wait_dma2 semaphore(%arg11 : memref<!tpu.dma_semaphore, #tpu.memory_space<semaphore_mem>>) src(%dma_wait3A_250 : memref<128xi32, #tpu.memory_space<hbm>>) dst(%dma_wait3A_248 : memref<128xi32, #tpu.memory_space<vmem>>)
      %run_scoped3A_251 = arith.constant 3 : i32
      "tpu.region"() ({
        %run_scoped3A_315 = tpu.sem_alloc : memref<!tpu.dma_semaphore, #tpu.memory_space<semaphore_mem>>
        %dma_start3A_316 = arith.constant 0 : i32
        %dma_start3A_317 = tpu.memref_slice %arg4[%run_scoped3A_251, %dma_start3A_316] : memref<6x128xi32, #tpu.memory_space<vmem>> -> memref<1x128xi32, #tpu.memory_space<vmem>>
        %dma_start3A_318 = tpu.memref_squeeze %dma_start3A_317 : memref<1x128xi32, #tpu.memory_space<vmem>> -> memref<128xi32, #tpu.memory_space<vmem>>
        %dma_start3A_319 = arith.constant 0 : i32
        %dma_start3A_320 = tpu.memref_slice %arg7[%dma_start3A_319] : memref<10240xf32, #tpu.memory_space<vmem_shared>> -> memref<10240xf32, #tpu.memory_space<vmem_shared>>
        tpu.enqueue_indirect_dma source(%arg5 : memref<128xf32, #tpu.memory_space<vmem>>) target(%dma_start3A_320 : memref<10240xf32, #tpu.memory_space<vmem_shared>>) offsets(%dma_start3A_318 : memref<128xi32, #tpu.memory_space<vmem>>) semaphore(%run_scoped3A_315 : memref<!tpu.dma_semaphore, #tpu.memory_space<semaphore_mem>>) {add = true}
        %dma_wait3A_321 = arith.constant 0 : i32
        %dma_wait3A_322 = tpu.memref_slice %arg4[%run_scoped3A_251, %dma_wait3A_321] : memref<6x128xi32, #tpu.memory_space<vmem>> -> memref<1x128xi32, #tpu.memory_space<vmem>>
        %dma_wait3A_323 = tpu.memref_squeeze %dma_wait3A_322 : memref<1x128xi32, #tpu.memory_space<vmem>> -> memref<128xi32, #tpu.memory_space<vmem>>
        %dma_wait3A_324 = arith.constant 0 : i32
        %dma_wait3A_325 = tpu.memref_slice %arg7[%dma_wait3A_324] : memref<10240xf32, #tpu.memory_space<vmem_shared>> -> memref<10240xf32, #tpu.memory_space<vmem_shared>>
        tpu.wait_indirect_dma semaphore(%run_scoped3A_315 : memref<!tpu.dma_semaphore, #tpu.memory_space<semaphore_mem>>) src(%arg5 : memref<128xf32, #tpu.memory_space<vmem>>) dst(%dma_wait3A_325 : memref<10240xf32, #tpu.memory_space<vmem_shared>>)
        tpu.yield
      }) : () -> ()
      %add3A_252 = arith.constant 3 : i32
      %add3A_253 = arith.addi %mul3A_154, %add3A_252 : i32
      %add3A_254 = arith.constant 6 : i32
      %add3A_255 = arith.addi %add3A_253, %add3A_254 : i32
      %lt3A_256 = arith.constant 78 : i32
      %lt3A_257 = arith.cmpi slt, %add3A_255, %lt3A_256 : i32
      %convert_element_type3A_258 = arith.extui %lt3A_257 : i1 to i32
      %cond3A_259 = arith.constant 0 : i32
      %cond3A_260 = arith.cmpi ne, %convert_element_type3A_258, %cond3A_259 : i32
      scf.if %cond3A_260 {
        %add3A_315 = arith.constant 3 : i32
        %add3A_316 = arith.addi %mul3A_154, %add3A_315 : i32
        %add3A_317 = arith.constant 6 : i32
        %add3A_318 = arith.addi %add3A_316, %add3A_317 : i32
        %mul3A_319 = arith.constant 128 : i32
        %mul3A_320 = arith.muli %add3A_318, %mul3A_319 : i32
        %add3A_321 = arith.addi %mul3A_2, %mul3A_320 : i32
        %dma_start3A_322 = arith.constant 1 : i32
        %dma_start3A_323 = arith.constant 3 : i32
        %dma_start3A_324 = arith.constant 0 : i32
        %dma_start3A_325 = tpu.memref_slice %arg4[%dma_start3A_323, %dma_start3A_324] : memref<6x128xi32, #tpu.memory_space<vmem>> -> memref<1x128xi32, #tpu.memory_space<vmem>>
        %dma_start3A_326 = tpu.memref_squeeze %dma_start3A_325 : memref<1x128xi32, #tpu.memory_space<vmem>> -> memref<128xi32, #tpu.memory_space<vmem>>
        %dma_start3A_327 = tpu.memref_slice %arg2[%dma_start3A_322, %add3A_321] : memref<2x320000xi32, #tpu.memory_space<hbm>> -> memref<1x128xi32, #tpu.memory_space<hbm>>
        %dma_start3A_328 = tpu.memref_squeeze %dma_start3A_327 : memref<1x128xi32, #tpu.memory_space<hbm>> -> memref<128xi32, #tpu.memory_space<hbm>>
        %dma_start3A_329 = arith.constant 0 : i32
        %dma_start3A_330 = tpu.memref_slice %arg4[%dma_start3A_323, %dma_start3A_329] : memref<6x128xi32, #tpu.memory_space<vmem>> -> memref<1x128xi32, #tpu.memory_space<vmem>>
        %dma_start3A_331 = tpu.memref_squeeze %dma_start3A_330 : memref<1x128xi32, #tpu.memory_space<vmem>> -> memref<128xi32, #tpu.memory_space<vmem>>
        %dma_start3A_332 = tpu.memref_slice %arg2[%dma_start3A_322, %add3A_321] : memref<2x320000xi32, #tpu.memory_space<hbm>> -> memref<1x128xi32, #tpu.memory_space<hbm>>
        %dma_start3A_333 = tpu.memref_squeeze %dma_start3A_332 : memref<1x128xi32, #tpu.memory_space<hbm>> -> memref<128xi32, #tpu.memory_space<hbm>>
        tpu.enqueue_dma source(%dma_start3A_333 : memref<128xi32, #tpu.memory_space<hbm>>) target(%dma_start3A_331 : memref<128xi32, #tpu.memory_space<vmem>>) target_semaphore(%arg11 : memref<!tpu.dma_semaphore, #tpu.memory_space<semaphore_mem>>)
      } else {
      }
      %add3A_261 = arith.constant 4 : i32
      %add3A_262 = arith.addi %mul3A_154, %add3A_261 : i32
      %mul3A_263 = arith.constant 128 : i32
      %mul3A_264 = arith.muli %add3A_262, %mul3A_263 : i32
      %add3A_265 = arith.addi %mul3A_2, %mul3A_264 : i32
      %dma_wait3A_266 = arith.constant 1 : i32
      %dma_wait3A_267 = arith.constant 4 : i32
      %dma_wait3A_268 = arith.constant 0 : i32
      %dma_wait3A_269 = tpu.memref_slice %arg4[%dma_wait3A_267, %dma_wait3A_268] : memref<6x128xi32, #tpu.memory_space<vmem>> -> memref<1x128xi32, #tpu.memory_space<vmem>>
      %dma_wait3A_270 = tpu.memref_squeeze %dma_wait3A_269 : memref<1x128xi32, #tpu.memory_space<vmem>> -> memref<128xi32, #tpu.memory_space<vmem>>
      %dma_wait3A_271 = tpu.memref_slice %arg2[%dma_wait3A_266, %add3A_265] : memref<2x320000xi32, #tpu.memory_space<hbm>> -> memref<1x128xi32, #tpu.memory_space<hbm>>
      %dma_wait3A_272 = tpu.memref_squeeze %dma_wait3A_271 : memref<1x128xi32, #tpu.memory_space<hbm>> -> memref<128xi32, #tpu.memory_space<hbm>>
      %dma_wait3A_273 = arith.constant 0 : i32
      %dma_wait3A_274 = tpu.memref_slice %arg4[%dma_wait3A_267, %dma_wait3A_273] : memref<6x128xi32, #tpu.memory_space<vmem>> -> memref<1x128xi32, #tpu.memory_space<vmem>>
      %dma_wait3A_275 = tpu.memref_squeeze %dma_wait3A_274 : memref<1x128xi32, #tpu.memory_space<vmem>> -> memref<128xi32, #tpu.memory_space<vmem>>
      %dma_wait3A_276 = tpu.memref_slice %arg2[%dma_wait3A_266, %add3A_265] : memref<2x320000xi32, #tpu.memory_space<hbm>> -> memref<1x128xi32, #tpu.memory_space<hbm>>
      %dma_wait3A_277 = tpu.memref_squeeze %dma_wait3A_276 : memref<1x128xi32, #tpu.memory_space<hbm>> -> memref<128xi32, #tpu.memory_space<hbm>>
      tpu.wait_dma2 semaphore(%arg12 : memref<!tpu.dma_semaphore, #tpu.memory_space<semaphore_mem>>) src(%dma_wait3A_277 : memref<128xi32, #tpu.memory_space<hbm>>) dst(%dma_wait3A_275 : memref<128xi32, #tpu.memory_space<vmem>>)
      %run_scoped3A_278 = arith.constant 4 : i32
      "tpu.region"() ({
        %run_scoped3A_315 = tpu.sem_alloc : memref<!tpu.dma_semaphore, #tpu.memory_space<semaphore_mem>>
        %dma_start3A_316 = arith.constant 0 : i32
        %dma_start3A_317 = tpu.memref_slice %arg4[%run_scoped3A_278, %dma_start3A_316] : memref<6x128xi32, #tpu.memory_space<vmem>> -> memref<1x128xi32, #tpu.memory_space<vmem>>
        %dma_start3A_318 = tpu.memref_squeeze %dma_start3A_317 : memref<1x128xi32, #tpu.memory_space<vmem>> -> memref<128xi32, #tpu.memory_space<vmem>>
        %dma_start3A_319 = arith.constant 0 : i32
        %dma_start3A_320 = tpu.memref_slice %arg7[%dma_start3A_319] : memref<10240xf32, #tpu.memory_space<vmem_shared>> -> memref<10240xf32, #tpu.memory_space<vmem_shared>>
        tpu.enqueue_indirect_dma source(%arg5 : memref<128xf32, #tpu.memory_space<vmem>>) target(%dma_start3A_320 : memref<10240xf32, #tpu.memory_space<vmem_shared>>) offsets(%dma_start3A_318 : memref<128xi32, #tpu.memory_space<vmem>>) semaphore(%run_scoped3A_315 : memref<!tpu.dma_semaphore, #tpu.memory_space<semaphore_mem>>) {add = true}
        %dma_wait3A_321 = arith.constant 0 : i32
        %dma_wait3A_322 = tpu.memref_slice %arg4[%run_scoped3A_278, %dma_wait3A_321] : memref<6x128xi32, #tpu.memory_space<vmem>> -> memref<1x128xi32, #tpu.memory_space<vmem>>
        %dma_wait3A_323 = tpu.memref_squeeze %dma_wait3A_322 : memref<1x128xi32, #tpu.memory_space<vmem>> -> memref<128xi32, #tpu.memory_space<vmem>>
        %dma_wait3A_324 = arith.constant 0 : i32
        %dma_wait3A_325 = tpu.memref_slice %arg7[%dma_wait3A_324] : memref<10240xf32, #tpu.memory_space<vmem_shared>> -> memref<10240xf32, #tpu.memory_space<vmem_shared>>
        tpu.wait_indirect_dma semaphore(%run_scoped3A_315 : memref<!tpu.dma_semaphore, #tpu.memory_space<semaphore_mem>>) src(%arg5 : memref<128xf32, #tpu.memory_space<vmem>>) dst(%dma_wait3A_325 : memref<10240xf32, #tpu.memory_space<vmem_shared>>)
        tpu.yield
      }) : () -> ()
      %add3A_279 = arith.constant 4 : i32
      %add3A_280 = arith.addi %mul3A_154, %add3A_279 : i32
      %add3A_281 = arith.constant 6 : i32
      %add3A_282 = arith.addi %add3A_280, %add3A_281 : i32
      %lt3A_283 = arith.constant 78 : i32
      %lt3A_284 = arith.cmpi slt, %add3A_282, %lt3A_283 : i32
      %convert_element_type3A_285 = arith.extui %lt3A_284 : i1 to i32
      %cond3A_286 = arith.constant 0 : i32
      %cond3A_287 = arith.cmpi ne, %convert_element_type3A_285, %cond3A_286 : i32
      scf.if %cond3A_287 {
        %add3A_315 = arith.constant 4 : i32
        %add3A_316 = arith.addi %mul3A_154, %add3A_315 : i32
        %add3A_317 = arith.constant 6 : i32
        %add3A_318 = arith.addi %add3A_316, %add3A_317 : i32
        %mul3A_319 = arith.constant 128 : i32
        %mul3A_320 = arith.muli %add3A_318, %mul3A_319 : i32
        %add3A_321 = arith.addi %mul3A_2, %mul3A_320 : i32
        %dma_start3A_322 = arith.constant 1 : i32
        %dma_start3A_323 = arith.constant 4 : i32
        %dma_start3A_324 = arith.constant 0 : i32
        %dma_start3A_325 = tpu.memref_slice %arg4[%dma_start3A_323, %dma_start3A_324] : memref<6x128xi32, #tpu.memory_space<vmem>> -> memref<1x128xi32, #tpu.memory_space<vmem>>
        %dma_start3A_326 = tpu.memref_squeeze %dma_start3A_325 : memref<1x128xi32, #tpu.memory_space<vmem>> -> memref<128xi32, #tpu.memory_space<vmem>>
        %dma_start3A_327 = tpu.memref_slice %arg2[%dma_start3A_322, %add3A_321] : memref<2x320000xi32, #tpu.memory_space<hbm>> -> memref<1x128xi32, #tpu.memory_space<hbm>>
        %dma_start3A_328 = tpu.memref_squeeze %dma_start3A_327 : memref<1x128xi32, #tpu.memory_space<hbm>> -> memref<128xi32, #tpu.memory_space<hbm>>
        %dma_start3A_329 = arith.constant 0 : i32
        %dma_start3A_330 = tpu.memref_slice %arg4[%dma_start3A_323, %dma_start3A_329] : memref<6x128xi32, #tpu.memory_space<vmem>> -> memref<1x128xi32, #tpu.memory_space<vmem>>
        %dma_start3A_331 = tpu.memref_squeeze %dma_start3A_330 : memref<1x128xi32, #tpu.memory_space<vmem>> -> memref<128xi32, #tpu.memory_space<vmem>>
        %dma_start3A_332 = tpu.memref_slice %arg2[%dma_start3A_322, %add3A_321] : memref<2x320000xi32, #tpu.memory_space<hbm>> -> memref<1x128xi32, #tpu.memory_space<hbm>>
        %dma_start3A_333 = tpu.memref_squeeze %dma_start3A_332 : memref<1x128xi32, #tpu.memory_space<hbm>> -> memref<128xi32, #tpu.memory_space<hbm>>
        tpu.enqueue_dma source(%dma_start3A_333 : memref<128xi32, #tpu.memory_space<hbm>>) target(%dma_start3A_331 : memref<128xi32, #tpu.memory_space<vmem>>) target_semaphore(%arg12 : memref<!tpu.dma_semaphore, #tpu.memory_space<semaphore_mem>>)
      } else {
      }
      %add3A_288 = arith.constant 5 : i32
      %add3A_289 = arith.addi %mul3A_154, %add3A_288 : i32
      %mul3A_290 = arith.constant 128 : i32
      %mul3A_291 = arith.muli %add3A_289, %mul3A_290 : i32
      %add3A_292 = arith.addi %mul3A_2, %mul3A_291 : i32
      %dma_wait3A_293 = arith.constant 1 : i32
      %dma_wait3A_294 = arith.constant 5 : i32
      %dma_wait3A_295 = arith.constant 0 : i32
      %dma_wait3A_296 = tpu.memref_slice %arg4[%dma_wait3A_294, %dma_wait3A_295] : memref<6x128xi32, #tpu.memory_space<vmem>> -> memref<1x128xi32, #tpu.memory_space<vmem>>
      %dma_wait3A_297 = tpu.memref_squeeze %dma_wait3A_296 : memref<1x128xi32, #tpu.memory_space<vmem>> -> memref<128xi32, #tpu.memory_space<vmem>>
      %dma_wait3A_298 = tpu.memref_slice %arg2[%dma_wait3A_293, %add3A_292] : memref<2x320000xi32, #tpu.memory_space<hbm>> -> memref<1x128xi32, #tpu.memory_space<hbm>>
      %dma_wait3A_299 = tpu.memref_squeeze %dma_wait3A_298 : memref<1x128xi32, #tpu.memory_space<hbm>> -> memref<128xi32, #tpu.memory_space<hbm>>
      %dma_wait3A_300 = arith.constant 0 : i32
      %dma_wait3A_301 = tpu.memref_slice %arg4[%dma_wait3A_294, %dma_wait3A_300] : memref<6x128xi32, #tpu.memory_space<vmem>> -> memref<1x128xi32, #tpu.memory_space<vmem>>
      %dma_wait3A_302 = tpu.memref_squeeze %dma_wait3A_301 : memref<1x128xi32, #tpu.memory_space<vmem>> -> memref<128xi32, #tpu.memory_space<vmem>>
      %dma_wait3A_303 = tpu.memref_slice %arg2[%dma_wait3A_293, %add3A_292] : memref<2x320000xi32, #tpu.memory_space<hbm>> -> memref<1x128xi32, #tpu.memory_space<hbm>>
      %dma_wait3A_304 = tpu.memref_squeeze %dma_wait3A_303 : memref<1x128xi32, #tpu.memory_space<hbm>> -> memref<128xi32, #tpu.memory_space<hbm>>
      tpu.wait_dma2 semaphore(%arg13 : memref<!tpu.dma_semaphore, #tpu.memory_space<semaphore_mem>>) src(%dma_wait3A_304 : memref<128xi32, #tpu.memory_space<hbm>>) dst(%dma_wait3A_302 : memref<128xi32, #tpu.memory_space<vmem>>)
      %run_scoped3A_305 = arith.constant 5 : i32
      "tpu.region"() ({
        %run_scoped3A_315 = tpu.sem_alloc : memref<!tpu.dma_semaphore, #tpu.memory_space<semaphore_mem>>
        %dma_start3A_316 = arith.constant 0 : i32
        %dma_start3A_317 = tpu.memref_slice %arg4[%run_scoped3A_305, %dma_start3A_316] : memref<6x128xi32, #tpu.memory_space<vmem>> -> memref<1x128xi32, #tpu.memory_space<vmem>>
        %dma_start3A_318 = tpu.memref_squeeze %dma_start3A_317 : memref<1x128xi32, #tpu.memory_space<vmem>> -> memref<128xi32, #tpu.memory_space<vmem>>
        %dma_start3A_319 = arith.constant 0 : i32
        %dma_start3A_320 = tpu.memref_slice %arg7[%dma_start3A_319] : memref<10240xf32, #tpu.memory_space<vmem_shared>> -> memref<10240xf32, #tpu.memory_space<vmem_shared>>
        tpu.enqueue_indirect_dma source(%arg5 : memref<128xf32, #tpu.memory_space<vmem>>) target(%dma_start3A_320 : memref<10240xf32, #tpu.memory_space<vmem_shared>>) offsets(%dma_start3A_318 : memref<128xi32, #tpu.memory_space<vmem>>) semaphore(%run_scoped3A_315 : memref<!tpu.dma_semaphore, #tpu.memory_space<semaphore_mem>>) {add = true}
        %dma_wait3A_321 = arith.constant 0 : i32
        %dma_wait3A_322 = tpu.memref_slice %arg4[%run_scoped3A_305, %dma_wait3A_321] : memref<6x128xi32, #tpu.memory_space<vmem>> -> memref<1x128xi32, #tpu.memory_space<vmem>>
        %dma_wait3A_323 = tpu.memref_squeeze %dma_wait3A_322 : memref<1x128xi32, #tpu.memory_space<vmem>> -> memref<128xi32, #tpu.memory_space<vmem>>
        %dma_wait3A_324 = arith.constant 0 : i32
        %dma_wait3A_325 = tpu.memref_slice %arg7[%dma_wait3A_324] : memref<10240xf32, #tpu.memory_space<vmem_shared>> -> memref<10240xf32, #tpu.memory_space<vmem_shared>>
        tpu.wait_indirect_dma semaphore(%run_scoped3A_315 : memref<!tpu.dma_semaphore, #tpu.memory_space<semaphore_mem>>) src(%arg5 : memref<128xf32, #tpu.memory_space<vmem>>) dst(%dma_wait3A_325 : memref<10240xf32, #tpu.memory_space<vmem_shared>>)
        tpu.yield
      }) : () -> ()
      %add3A_306 = arith.constant 5 : i32
      %add3A_307 = arith.addi %mul3A_154, %add3A_306 : i32
      %add3A_308 = arith.constant 6 : i32
      %add3A_309 = arith.addi %add3A_307, %add3A_308 : i32
      %lt3A_310 = arith.constant 78 : i32
      %lt3A_311 = arith.cmpi slt, %add3A_309, %lt3A_310 : i32
      %convert_element_type3A_312 = arith.extui %lt3A_311 : i1 to i32
      %cond3A_313 = arith.constant 0 : i32
      %cond3A_314 = arith.cmpi ne, %convert_element_type3A_312, %cond3A_313 : i32
      scf.if %cond3A_314 {
        %add3A_315 = arith.constant 5 : i32
        %add3A_316 = arith.addi %mul3A_154, %add3A_315 : i32
        %add3A_317 = arith.constant 6 : i32
        %add3A_318 = arith.addi %add3A_316, %add3A_317 : i32
        %mul3A_319 = arith.constant 128 : i32
        %mul3A_320 = arith.muli %add3A_318, %mul3A_319 : i32
        %add3A_321 = arith.addi %mul3A_2, %mul3A_320 : i32
        %dma_start3A_322 = arith.constant 1 : i32
        %dma_start3A_323 = arith.constant 5 : i32
        %dma_start3A_324 = arith.constant 0 : i32
        %dma_start3A_325 = tpu.memref_slice %arg4[%dma_start3A_323, %dma_start3A_324] : memref<6x128xi32, #tpu.memory_space<vmem>> -> memref<1x128xi32, #tpu.memory_space<vmem>>
        %dma_start3A_326 = tpu.memref_squeeze %dma_start3A_325 : memref<1x128xi32, #tpu.memory_space<vmem>> -> memref<128xi32, #tpu.memory_space<vmem>>
        %dma_start3A_327 = tpu.memref_slice %arg2[%dma_start3A_322, %add3A_321] : memref<2x320000xi32, #tpu.memory_space<hbm>> -> memref<1x128xi32, #tpu.memory_space<hbm>>
        %dma_start3A_328 = tpu.memref_squeeze %dma_start3A_327 : memref<1x128xi32, #tpu.memory_space<hbm>> -> memref<128xi32, #tpu.memory_space<hbm>>
        %dma_start3A_329 = arith.constant 0 : i32
        %dma_start3A_330 = tpu.memref_slice %arg4[%dma_start3A_323, %dma_start3A_329] : memref<6x128xi32, #tpu.memory_space<vmem>> -> memref<1x128xi32, #tpu.memory_space<vmem>>
        %dma_start3A_331 = tpu.memref_squeeze %dma_start3A_330 : memref<1x128xi32, #tpu.memory_space<vmem>> -> memref<128xi32, #tpu.memory_space<vmem>>
        %dma_start3A_332 = tpu.memref_slice %arg2[%dma_start3A_322, %add3A_321] : memref<2x320000xi32, #tpu.memory_space<hbm>> -> memref<1x128xi32, #tpu.memory_space<hbm>>
        %dma_start3A_333 = tpu.memref_squeeze %dma_start3A_332 : memref<1x128xi32, #tpu.memory_space<hbm>> -> memref<128xi32, #tpu.memory_space<hbm>>
        tpu.enqueue_dma source(%dma_start3A_333 : memref<128xi32, #tpu.memory_space<hbm>>) target(%dma_start3A_331 : memref<128xi32, #tpu.memory_space<vmem>>) target_semaphore(%arg13 : memref<!tpu.dma_semaphore, #tpu.memory_space<semaphore_mem>>)
      } else {
      }
    }
    %scan3A_144 = arith.constant 13 : i32
    %lt3A = arith.constant 4 : i32
    %lt3A_145 = arith.cmpi slt, %add3A, %lt3A : i32
    %convert_element_type3A = arith.extui %lt3A_145 : i1 to i32
    %cond3A = arith.constant 0 : i32
    %cond3A_146 = arith.cmpi ne, %convert_element_type3A, %cond3A : i32
    scf.if %cond3A_146 {
      %add3A_152 = arith.constant 2496 : i32
      %add3A_153 = arith.addi %add3A_152, %add3A : i32
      %mul3A_154 = arith.constant 128 : i32
      %mul3A_155 = arith.muli %add3A_153, %mul3A_154 : i32
      %run_scoped3A = arith.constant 1 : i32
      %run_scoped3A_156 = arith.constant 0 : i32
      "tpu.region"() ({
        %run_scoped3A_158 = tpu.sem_alloc : memref<!tpu.dma_semaphore, #tpu.memory_space<semaphore_mem>>
        %dma_start3A_159 = arith.constant 0 : i32
        %dma_start3A_160 = tpu.memref_slice %arg4[%run_scoped3A_156, %dma_start3A_159] : memref<6x128xi32, #tpu.memory_space<vmem>> -> memref<1x128xi32, #tpu.memory_space<vmem>>
        %dma_start3A_161 = tpu.memref_squeeze %dma_start3A_160 : memref<1x128xi32, #tpu.memory_space<vmem>> -> memref<128xi32, #tpu.memory_space<vmem>>
        %dma_start3A_162 = tpu.memref_slice %arg2[%run_scoped3A, %mul3A_155] : memref<2x320000xi32, #tpu.memory_space<hbm>> -> memref<1x128xi32, #tpu.memory_space<hbm>>
        %dma_start3A_163 = tpu.memref_squeeze %dma_start3A_162 : memref<1x128xi32, #tpu.memory_space<hbm>> -> memref<128xi32, #tpu.memory_space<hbm>>
        %dma_start3A_164 = arith.constant 0 : i32
        %dma_start3A_165 = tpu.memref_slice %arg4[%run_scoped3A_156, %dma_start3A_164] : memref<6x128xi32, #tpu.memory_space<vmem>> -> memref<1x128xi32, #tpu.memory_space<vmem>>
        %dma_start3A_166 = tpu.memref_squeeze %dma_start3A_165 : memref<1x128xi32, #tpu.memory_space<vmem>> -> memref<128xi32, #tpu.memory_space<vmem>>
        %dma_start3A_167 = tpu.memref_slice %arg2[%run_scoped3A, %mul3A_155] : memref<2x320000xi32, #tpu.memory_space<hbm>> -> memref<1x128xi32, #tpu.memory_space<hbm>>
        %dma_start3A_168 = tpu.memref_squeeze %dma_start3A_167 : memref<1x128xi32, #tpu.memory_space<hbm>> -> memref<128xi32, #tpu.memory_space<hbm>>
        tpu.enqueue_dma source(%dma_start3A_168 : memref<128xi32, #tpu.memory_space<hbm>>) target(%dma_start3A_166 : memref<128xi32, #tpu.memory_space<vmem>>) target_semaphore(%run_scoped3A_158 : memref<!tpu.dma_semaphore, #tpu.memory_space<semaphore_mem>>)
        %dma_wait3A = arith.constant 0 : i32
        %dma_wait3A_169 = tpu.memref_slice %arg4[%run_scoped3A_156, %dma_wait3A] : memref<6x128xi32, #tpu.memory_space<vmem>> -> memref<1x128xi32, #tpu.memory_space<vmem>>
        %dma_wait3A_170 = tpu.memref_squeeze %dma_wait3A_169 : memref<1x128xi32, #tpu.memory_space<vmem>> -> memref<128xi32, #tpu.memory_space<vmem>>
        %dma_wait3A_171 = tpu.memref_slice %arg2[%run_scoped3A, %mul3A_155] : memref<2x320000xi32, #tpu.memory_space<hbm>> -> memref<1x128xi32, #tpu.memory_space<hbm>>
        %dma_wait3A_172 = tpu.memref_squeeze %dma_wait3A_171 : memref<1x128xi32, #tpu.memory_space<hbm>> -> memref<128xi32, #tpu.memory_space<hbm>>
        %dma_wait3A_173 = arith.constant 0 : i32
        %dma_wait3A_174 = tpu.memref_slice %arg4[%run_scoped3A_156, %dma_wait3A_173] : memref<6x128xi32, #tpu.memory_space<vmem>> -> memref<1x128xi32, #tpu.memory_space<vmem>>
        %dma_wait3A_175 = tpu.memref_squeeze %dma_wait3A_174 : memref<1x128xi32, #tpu.memory_space<vmem>> -> memref<128xi32, #tpu.memory_space<vmem>>
        %dma_wait3A_176 = tpu.memref_slice %arg2[%run_scoped3A, %mul3A_155] : memref<2x320000xi32, #tpu.memory_space<hbm>> -> memref<1x128xi32, #tpu.memory_space<hbm>>
        %dma_wait3A_177 = tpu.memref_squeeze %dma_wait3A_176 : memref<1x128xi32, #tpu.memory_space<hbm>> -> memref<128xi32, #tpu.memory_space<hbm>>
        tpu.wait_dma2 semaphore(%run_scoped3A_158 : memref<!tpu.dma_semaphore, #tpu.memory_space<semaphore_mem>>) src(%dma_wait3A_177 : memref<128xi32, #tpu.memory_space<hbm>>) dst(%dma_wait3A_175 : memref<128xi32, #tpu.memory_space<vmem>>)
        tpu.yield
      }) : () -> ()
      %run_scoped3A_157 = arith.constant 0 : i32
      "tpu.region"() ({
        %run_scoped3A_158 = tpu.sem_alloc : memref<!tpu.dma_semaphore, #tpu.memory_space<semaphore_mem>>
        %dma_start3A_159 = arith.constant 0 : i32
        %dma_start3A_160 = tpu.memref_slice %arg4[%run_scoped3A_157, %dma_start3A_159] : memref<6x128xi32, #tpu.memory_space<vmem>> -> memref<1x128xi32, #tpu.memory_space<vmem>>
        %dma_start3A_161 = tpu.memref_squeeze %dma_start3A_160 : memref<1x128xi32, #tpu.memory_space<vmem>> -> memref<128xi32, #tpu.memory_space<vmem>>
        %dma_start3A_162 = arith.constant 0 : i32
        %dma_start3A_163 = tpu.memref_slice %arg7[%dma_start3A_162] : memref<10240xf32, #tpu.memory_space<vmem_shared>> -> memref<10240xf32, #tpu.memory_space<vmem_shared>>
        tpu.enqueue_indirect_dma source(%arg5 : memref<128xf32, #tpu.memory_space<vmem>>) target(%dma_start3A_163 : memref<10240xf32, #tpu.memory_space<vmem_shared>>) offsets(%dma_start3A_161 : memref<128xi32, #tpu.memory_space<vmem>>) semaphore(%run_scoped3A_158 : memref<!tpu.dma_semaphore, #tpu.memory_space<semaphore_mem>>) {add = true}
        %dma_wait3A = arith.constant 0 : i32
        %dma_wait3A_164 = tpu.memref_slice %arg4[%run_scoped3A_157, %dma_wait3A] : memref<6x128xi32, #tpu.memory_space<vmem>> -> memref<1x128xi32, #tpu.memory_space<vmem>>
        %dma_wait3A_165 = tpu.memref_squeeze %dma_wait3A_164 : memref<1x128xi32, #tpu.memory_space<vmem>> -> memref<128xi32, #tpu.memory_space<vmem>>
        %dma_wait3A_166 = arith.constant 0 : i32
        %dma_wait3A_167 = tpu.memref_slice %arg7[%dma_wait3A_166] : memref<10240xf32, #tpu.memory_space<vmem_shared>> -> memref<10240xf32, #tpu.memory_space<vmem_shared>>
        tpu.wait_indirect_dma semaphore(%run_scoped3A_158 : memref<!tpu.dma_semaphore, #tpu.memory_space<semaphore_mem>>) src(%arg5 : memref<128xf32, #tpu.memory_space<vmem>>) dst(%dma_wait3A_167 : memref<10240xf32, #tpu.memory_space<vmem_shared>>)
        tpu.yield
      }) : () -> ()
    } else {
    }
    %barrier3A_147 = arith.constant 0 : index
    tpu.barrier barrier_id(%barrier3A_147)
    %mul3A_148 = arith.constant 640 : i32
    %mul3A_149 = arith.muli %arg1, %mul3A_148 : i32
    %mul3A_150 = arith.constant 640 : i32
    %mul3A_151 = arith.muli %arg1, %mul3A_150 : i32
    "tpu.region"() ({
      %run_scoped3A = tpu.sem_alloc : memref<!tpu.dma_semaphore, #tpu.memory_space<semaphore_mem>>
      %dma_start3A_152 = tpu.memref_slice %arg3[%arg0, %mul3A_151] : memref<2x10240xf32, #tpu.memory_space<hbm>> -> memref<1x640xf32, #tpu.memory_space<hbm>>
      %dma_start3A_153 = tpu.memref_squeeze %dma_start3A_152 : memref<1x640xf32, #tpu.memory_space<hbm>> -> memref<640xf32, #tpu.memory_space<hbm>>
      %dma_start3A_154 = tpu.memref_slice %arg7[%mul3A_149] : memref<10240xf32, #tpu.memory_space<vmem_shared>> -> memref<640xf32, #tpu.memory_space<vmem_shared>>
      tpu.enqueue_dma source(%dma_start3A_154 : memref<640xf32, #tpu.memory_space<vmem_shared>>) target(%dma_start3A_153 : memref<640xf32, #tpu.memory_space<hbm>>) target_semaphore(%run_scoped3A : memref<!tpu.dma_semaphore, #tpu.memory_space<semaphore_mem>>)
      %dma_wait3A = tpu.memref_slice %arg3[%arg0, %mul3A_151] : memref<2x10240xf32, #tpu.memory_space<hbm>> -> memref<1x640xf32, #tpu.memory_space<hbm>>
      %dma_wait3A_155 = tpu.memref_squeeze %dma_wait3A : memref<1x640xf32, #tpu.memory_space<hbm>> -> memref<640xf32, #tpu.memory_space<hbm>>
      %dma_wait3A_156 = tpu.memref_slice %arg7[%mul3A_149] : memref<10240xf32, #tpu.memory_space<vmem_shared>> -> memref<640xf32, #tpu.memory_space<vmem_shared>>
      tpu.wait_dma2 semaphore(%run_scoped3A : memref<!tpu.dma_semaphore, #tpu.memory_space<semaphore_mem>>) src(%dma_wait3A_156 : memref<640xf32, #tpu.memory_space<vmem_shared>>) dst(%dma_wait3A_155 : memref<640xf32, #tpu.memory_space<hbm>>)
      tpu.yield
    }) : () -> ()
    return
  }
}

#map = affine_map<(d0, d1) -> (0, 0)>
#map1 = affine_map<(d0, d1) -> (0, 0, 0)>
module attributes {stable_mosaic.version = 14 : i64} {
  func.func @_spmm_kernel(%arg0: i32, %arg1: i32, %arg2: memref<10240x128xf32, #tpu.memory_space<hbm>>, %arg3: memref<2x320000xi32, #tpu.memory_space<hbm>>, %arg4: memref<2x10240x128xf32, #tpu.memory_space<hbm>>, %arg5: memref<10112xi32, #tpu.memory_space<vmem>>, %arg6: memref<2x128xi32, #tpu.memory_space<vmem>>, %arg7: memref<128x128xf32, #tpu.memory_space<vmem>>, %arg8: memref<128x128xf32, #tpu.memory_space<vmem>>, %arg9: memref<10240x128xf32, #tpu.memory_space<vmem_shared>>, %arg10: memref<!tpu.dma_semaphore, #tpu.memory_space<semaphore_mem>>, %arg11: memref<!tpu.dma_semaphore, #tpu.memory_space<semaphore_mem>>, %arg12: memref<!tpu.dma_semaphore, #tpu.memory_space<semaphore_mem>>, %arg13: memref<!tpu.dma_semaphore, #tpu.memory_space<semaphore_mem>>) attributes {dimension_semantics = [#tpu.dimension_semantics<core_parallel>, #tpu.dimension_semantics<subcore_parallel>], iteration_bounds = array<i64: 2, 16>, scalar_prefetch = 0 : i64, scratch_operands = 9 : i64, tpu.core_type = #tpu.core_type<sc_vector_subcore>, window_params = [{transform_indices = #map}, {transform_indices = #map}, {transform_indices = #map1}]} {
    %mul3A = arith.constant 2 : i32
    %mul3A_0 = arith.muli %arg1, %mul3A : i32
    %add3A = arith.addi %mul3A_0, %arg0 : i32
    %mul3A_1 = arith.constant 9984 : i32
    %mul3A_2 = arith.muli %add3A, %mul3A_1 : i32
    %broadcast_in_dim3A = arith.constant 0.000000e+00 : f32
    %broadcast_in_dim3A_3 = vector.broadcast %broadcast_in_dim3A : f32 to vector<16xf32>
    %scan3A = arith.constant 0 : i32
    %scan3A_4 = arith.constant 0 : i32
    %scan3A_5 = arith.constant 128 : i32
    %scan3A_6 = arith.addi %scan3A_4, %scan3A_5 : i32
    %scan3A_7 = arith.constant 1 : i32
    scf.for %scan3A_63 = %scan3A_4 to %scan3A_6 step %scan3A_7  : i32 {
      %swap3A = arith.index_cast %scan3A_63 : i32 to index
      %swap3A_64 = arith.constant 0 : index
      %swap3A_65 = tpu.vector_load %arg7[%swap3A, %swap3A_64] {strides = array<i32>} : memref<128x128xf32, #tpu.memory_space<vmem>>, vector<1x16xf32>,
      %swap3A_66 = vector.shape_cast %swap3A_65 : vector<1x16xf32> to vector<16xf32>
      %swap3A_67 = vector.shape_cast %broadcast_in_dim3A_3 : vector<16xf32> to vector<1x16xf32>
      tpu.vector_store %arg7[%swap3A, %swap3A_64], %swap3A_67 {strides = array<i32>} : memref<128x128xf32, #tpu.memory_space<vmem>>, vector<1x16xf32>,
      %swap3A_68 = arith.index_cast %scan3A_63 : i32 to index
      %swap3A_69 = arith.constant 16 : index
      %swap3A_70 = tpu.vector_load %arg7[%swap3A_68, %swap3A_69] {strides = array<i32>} : memref<128x128xf32, #tpu.memory_space<vmem>>, vector<1x16xf32>,
      %swap3A_71 = vector.shape_cast %swap3A_70 : vector<1x16xf32> to vector<16xf32>
      %swap3A_72 = vector.shape_cast %broadcast_in_dim3A_3 : vector<16xf32> to vector<1x16xf32>
      tpu.vector_store %arg7[%swap3A_68, %swap3A_69], %swap3A_72 {strides = array<i32>} : memref<128x128xf32, #tpu.memory_space<vmem>>, vector<1x16xf32>,
      %swap3A_73 = arith.index_cast %scan3A_63 : i32 to index
      %swap3A_74 = arith.constant 32 : index
      %swap3A_75 = tpu.vector_load %arg7[%swap3A_73, %swap3A_74] {strides = array<i32>} : memref<128x128xf32, #tpu.memory_space<vmem>>, vector<1x16xf32>,
      %swap3A_76 = vector.shape_cast %swap3A_75 : vector<1x16xf32> to vector<16xf32>
      %swap3A_77 = vector.shape_cast %broadcast_in_dim3A_3 : vector<16xf32> to vector<1x16xf32>
      tpu.vector_store %arg7[%swap3A_73, %swap3A_74], %swap3A_77 {strides = array<i32>} : memref<128x128xf32, #tpu.memory_space<vmem>>, vector<1x16xf32>,
      %swap3A_78 = arith.index_cast %scan3A_63 : i32 to index
      %swap3A_79 = arith.constant 48 : index
      %swap3A_80 = tpu.vector_load %arg7[%swap3A_78, %swap3A_79] {strides = array<i32>} : memref<128x128xf32, #tpu.memory_space<vmem>>, vector<1x16xf32>,
      %swap3A_81 = vector.shape_cast %swap3A_80 : vector<1x16xf32> to vector<16xf32>
      %swap3A_82 = vector.shape_cast %broadcast_in_dim3A_3 : vector<16xf32> to vector<1x16xf32>
      tpu.vector_store %arg7[%swap3A_78, %swap3A_79], %swap3A_82 {strides = array<i32>} : memref<128x128xf32, #tpu.memory_space<vmem>>, vector<1x16xf32>,
      %swap3A_83 = arith.index_cast %scan3A_63 : i32 to index
      %swap3A_84 = arith.constant 64 : index
      %swap3A_85 = tpu.vector_load %arg7[%swap3A_83, %swap3A_84] {strides = array<i32>} : memref<128x128xf32, #tpu.memory_space<vmem>>, vector<1x16xf32>,
      %swap3A_86 = vector.shape_cast %swap3A_85 : vector<1x16xf32> to vector<16xf32>
      %swap3A_87 = vector.shape_cast %broadcast_in_dim3A_3 : vector<16xf32> to vector<1x16xf32>
      tpu.vector_store %arg7[%swap3A_83, %swap3A_84], %swap3A_87 {strides = array<i32>} : memref<128x128xf32, #tpu.memory_space<vmem>>, vector<1x16xf32>,
      %swap3A_88 = arith.index_cast %scan3A_63 : i32 to index
      %swap3A_89 = arith.constant 80 : index
      %swap3A_90 = tpu.vector_load %arg7[%swap3A_88, %swap3A_89] {strides = array<i32>} : memref<128x128xf32, #tpu.memory_space<vmem>>, vector<1x16xf32>,
      %swap3A_91 = vector.shape_cast %swap3A_90 : vector<1x16xf32> to vector<16xf32>
      %swap3A_92 = vector.shape_cast %broadcast_in_dim3A_3 : vector<16xf32> to vector<1x16xf32>
      tpu.vector_store %arg7[%swap3A_88, %swap3A_89], %swap3A_92 {strides = array<i32>} : memref<128x128xf32, #tpu.memory_space<vmem>>, vector<1x16xf32>,
      %swap3A_93 = arith.index_cast %scan3A_63 : i32 to index
      %swap3A_94 = arith.constant 96 : index
      %swap3A_95 = tpu.vector_load %arg7[%swap3A_93, %swap3A_94] {strides = array<i32>} : memref<128x128xf32, #tpu.memory_space<vmem>>, vector<1x16xf32>,
      %swap3A_96 = vector.shape_cast %swap3A_95 : vector<1x16xf32> to vector<16xf32>
      %swap3A_97 = vector.shape_cast %broadcast_in_dim3A_3 : vector<16xf32> to vector<1x16xf32>
      tpu.vector_store %arg7[%swap3A_93, %swap3A_94], %swap3A_97 {strides = array<i32>} : memref<128x128xf32, #tpu.memory_space<vmem>>, vector<1x16xf32>,
      %swap3A_98 = arith.index_cast %scan3A_63 : i32 to index
      %swap3A_99 = arith.constant 112 : index
      %swap3A_100 = tpu.vector_load %arg7[%swap3A_98, %swap3A_99] {strides = array<i32>} : memref<128x128xf32, #tpu.memory_space<vmem>>, vector<1x16xf32>,
      %swap3A_101 = vector.shape_cast %swap3A_100 : vector<1x16xf32> to vector<16xf32>
      %swap3A_102 = vector.shape_cast %broadcast_in_dim3A_3 : vector<16xf32> to vector<1x16xf32>
      tpu.vector_store %arg7[%swap3A_98, %swap3A_99], %swap3A_102 {strides = array<i32>} : memref<128x128xf32, #tpu.memory_space<vmem>>, vector<1x16xf32>,
    }
    %scan3A_8 = arith.constant 128 : i32
    %scan3A_9 = arith.constant 0 : i32
    %scan3A_10 = arith.constant 0 : i32
    %scan3A_11 = arith.constant 5 : i32
    %scan3A_12 = arith.addi %scan3A_10, %scan3A_11 : i32
    %scan3A_13 = arith.constant 1 : i32
    scf.for %scan3A_63 = %scan3A_10 to %scan3A_12 step %scan3A_13  : i32 {
      %mul3A_64 = arith.constant 640 : i32
      %mul3A_65 = arith.muli %arg1, %mul3A_64 : i32
      %mul3A_66 = arith.constant 128 : i32
      %mul3A_67 = arith.muli %scan3A_63, %mul3A_66 : i32
      %add3A_68 = arith.addi %mul3A_65, %mul3A_67 : i32
      "tpu.region"() ({
        %run_scoped3A_69 = tpu.sem_alloc : memref<!tpu.dma_semaphore, #tpu.memory_space<semaphore_mem>>
        %dma_start3A_70 = arith.constant 0 : i32
        %dma_start3A_71 = tpu.memref_slice %arg9[%add3A_68, %dma_start3A_70] : memref<10240x128xf32, #tpu.memory_space<vmem_shared>> -> memref<128x128xf32, #tpu.memory_space<vmem_shared>>
        %dma_start3A_72 = arith.constant 0 : i32
        %dma_start3A_73 = tpu.memref_slice %arg9[%add3A_68, %dma_start3A_72] : memref<10240x128xf32, #tpu.memory_space<vmem_shared>> -> memref<128x128xf32, #tpu.memory_space<vmem_shared>>
        tpu.enqueue_dma source(%arg7 : memref<128x128xf32, #tpu.memory_space<vmem>>) target(%dma_start3A_73 : memref<128x128xf32, #tpu.memory_space<vmem_shared>>) target_semaphore(%run_scoped3A_69 : memref<!tpu.dma_semaphore, #tpu.memory_space<semaphore_mem>>)
        %dma_wait3A = arith.constant 0 : i32
        %dma_wait3A_74 = tpu.memref_slice %arg9[%add3A_68, %dma_wait3A] : memref<10240x128xf32, #tpu.memory_space<vmem_shared>> -> memref<128x128xf32, #tpu.memory_space<vmem_shared>>
        %dma_wait3A_75 = arith.constant 0 : i32
        %dma_wait3A_76 = tpu.memref_slice %arg9[%add3A_68, %dma_wait3A_75] : memref<10240x128xf32, #tpu.memory_space<vmem_shared>> -> memref<128x128xf32, #tpu.memory_space<vmem_shared>>
        tpu.wait_dma2 semaphore(%run_scoped3A_69 : memref<!tpu.dma_semaphore, #tpu.memory_space<semaphore_mem>>) src(%arg7 : memref<128x128xf32, #tpu.memory_space<vmem>>) dst(%dma_wait3A_76 : memref<128x128xf32, #tpu.memory_space<vmem_shared>>)
        tpu.yield
      }) : () -> ()
    }
    %scan3A_14 = arith.constant 5 : i32
    %run_scoped3A = arith.constant 1 : i32
    "tpu.region"() ({
      %run_scoped3A_63 = tpu.sem_alloc : memref<!tpu.dma_semaphore, #tpu.memory_space<semaphore_mem>>
      %dma_start3A_64 = arith.constant 0 : i32
      %dma_start3A_65 = tpu.memref_slice %arg5[%dma_start3A_64] : memref<10112xi32, #tpu.memory_space<vmem>> -> memref<9984xi32, #tpu.memory_space<vmem>>
      %dma_start3A_66 = tpu.memref_slice %arg3[%run_scoped3A, %mul3A_2] : memref<2x320000xi32, #tpu.memory_space<hbm>> -> memref<1x9984xi32, #tpu.memory_space<hbm>>
      %dma_start3A_67 = tpu.memref_squeeze %dma_start3A_66 : memref<1x9984xi32, #tpu.memory_space<hbm>> -> memref<9984xi32, #tpu.memory_space<hbm>>
      %dma_start3A_68 = arith.constant 0 : i32
      %dma_start3A_69 = tpu.memref_slice %arg5[%dma_start3A_68] : memref<10112xi32, #tpu.memory_space<vmem>> -> memref<9984xi32, #tpu.memory_space<vmem>>
      %dma_start3A_70 = tpu.memref_slice %arg3[%run_scoped3A, %mul3A_2] : memref<2x320000xi32, #tpu.memory_space<hbm>> -> memref<1x9984xi32, #tpu.memory_space<hbm>>
      %dma_start3A_71 = tpu.memref_squeeze %dma_start3A_70 : memref<1x9984xi32, #tpu.memory_space<hbm>> -> memref<9984xi32, #tpu.memory_space<hbm>>
      tpu.enqueue_dma source(%dma_start3A_71 : memref<9984xi32, #tpu.memory_space<hbm>>) target(%dma_start3A_69 : memref<9984xi32, #tpu.memory_space<vmem>>) target_semaphore(%run_scoped3A_63 : memref<!tpu.dma_semaphore, #tpu.memory_space<semaphore_mem>>)
      %dma_wait3A = arith.constant 0 : i32
      %dma_wait3A_72 = tpu.memref_slice %arg5[%dma_wait3A] : memref<10112xi32, #tpu.memory_space<vmem>> -> memref<9984xi32, #tpu.memory_space<vmem>>
      %dma_wait3A_73 = tpu.memref_slice %arg3[%run_scoped3A, %mul3A_2] : memref<2x320000xi32, #tpu.memory_space<hbm>> -> memref<1x9984xi32, #tpu.memory_space<hbm>>
      %dma_wait3A_74 = tpu.memref_squeeze %dma_wait3A_73 : memref<1x9984xi32, #tpu.memory_space<hbm>> -> memref<9984xi32, #tpu.memory_space<hbm>>
      %dma_wait3A_75 = arith.constant 0 : i32
      %dma_wait3A_76 = tpu.memref_slice %arg5[%dma_wait3A_75] : memref<10112xi32, #tpu.memory_space<vmem>> -> memref<9984xi32, #tpu.memory_space<vmem>>
      %dma_wait3A_77 = tpu.memref_slice %arg3[%run_scoped3A, %mul3A_2] : memref<2x320000xi32, #tpu.memory_space<hbm>> -> memref<1x9984xi32, #tpu.memory_space<hbm>>
      %dma_wait3A_78 = tpu.memref_squeeze %dma_wait3A_77 : memref<1x9984xi32, #tpu.memory_space<hbm>> -> memref<9984xi32, #tpu.memory_space<hbm>>
      tpu.wait_dma2 semaphore(%run_scoped3A_63 : memref<!tpu.dma_semaphore, #tpu.memory_space<semaphore_mem>>) src(%dma_wait3A_78 : memref<9984xi32, #tpu.memory_space<hbm>>) dst(%dma_wait3A_76 : memref<9984xi32, #tpu.memory_space<vmem>>)
      tpu.yield
    }) : () -> ()
    %barrier3A = arith.constant 0 : index
    tpu.barrier barrier_id(%barrier3A)
    %lt3A = arith.constant 4 : i32
    %lt3A_15 = arith.cmpi slt, %add3A, %lt3A : i32
    %convert_element_type3A = arith.extui %lt3A_15 : i1 to i32
    %cond3A = arith.constant 0 : i32
    %cond3A_16 = arith.cmpi ne, %convert_element_type3A, %cond3A : i32
    scf.if %cond3A_16 {
      %add3A_63 = arith.constant 2496 : i32
      %add3A_64 = arith.addi %add3A_63, %add3A : i32
      %mul3A_65 = arith.constant 128 : i32
      %mul3A_66 = arith.muli %add3A_64, %mul3A_65 : i32
      %run_scoped3A_67 = arith.constant 1 : i32
      "tpu.region"() ({
        %run_scoped3A_80 = tpu.sem_alloc : memref<!tpu.dma_semaphore, #tpu.memory_space<semaphore_mem>>
        %dma_start3A_81 = arith.constant 9984 : i32
        %dma_start3A_82 = tpu.memref_slice %arg5[%dma_start3A_81] : memref<10112xi32, #tpu.memory_space<vmem>> -> memref<128xi32, #tpu.memory_space<vmem>>
        %dma_start3A_83 = tpu.memref_slice %arg3[%run_scoped3A_67, %mul3A_66] : memref<2x320000xi32, #tpu.memory_space<hbm>> -> memref<1x128xi32, #tpu.memory_space<hbm>>
        %dma_start3A_84 = tpu.memref_squeeze %dma_start3A_83 : memref<1x128xi32, #tpu.memory_space<hbm>> -> memref<128xi32, #tpu.memory_space<hbm>>
        %dma_start3A_85 = arith.constant 9984 : i32
        %dma_start3A_86 = tpu.memref_slice %arg5[%dma_start3A_85] : memref<10112xi32, #tpu.memory_space<vmem>> -> memref<128xi32, #tpu.memory_space<vmem>>
        %dma_start3A_87 = tpu.memref_slice %arg3[%run_scoped3A_67, %mul3A_66] : memref<2x320000xi32, #tpu.memory_space<hbm>> -> memref<1x128xi32, #tpu.memory_space<hbm>>
        %dma_start3A_88 = tpu.memref_squeeze %dma_start3A_87 : memref<1x128xi32, #tpu.memory_space<hbm>> -> memref<128xi32, #tpu.memory_space<hbm>>
        tpu.enqueue_dma source(%dma_start3A_88 : memref<128xi32, #tpu.memory_space<hbm>>) target(%dma_start3A_86 : memref<128xi32, #tpu.memory_space<vmem>>) target_semaphore(%run_scoped3A_80 : memref<!tpu.dma_semaphore, #tpu.memory_space<semaphore_mem>>)
        %dma_wait3A_89 = arith.constant 9984 : i32
        %dma_wait3A_90 = tpu.memref_slice %arg5[%dma_wait3A_89] : memref<10112xi32, #tpu.memory_space<vmem>> -> memref<128xi32, #tpu.memory_space<vmem>>
        %dma_wait3A_91 = tpu.memref_slice %arg3[%run_scoped3A_67, %mul3A_66] : memref<2x320000xi32, #tpu.memory_space<hbm>> -> memref<1x128xi32, #tpu.memory_space<hbm>>
        %dma_wait3A_92 = tpu.memref_squeeze %dma_wait3A_91 : memref<1x128xi32, #tpu.memory_space<hbm>> -> memref<128xi32, #tpu.memory_space<hbm>>
        %dma_wait3A_93 = arith.constant 9984 : i32
        %dma_wait3A_94 = tpu.memref_slice %arg5[%dma_wait3A_93] : memref<10112xi32, #tpu.memory_space<vmem>> -> memref<128xi32, #tpu.memory_space<vmem>>
        %dma_wait3A_95 = tpu.memref_slice %arg3[%run_scoped3A_67, %mul3A_66] : memref<2x320000xi32, #tpu.memory_space<hbm>> -> memref<1x128xi32, #tpu.memory_space<hbm>>
        %dma_wait3A_96 = tpu.memref_squeeze %dma_wait3A_95 : memref<1x128xi32, #tpu.memory_space<hbm>> -> memref<128xi32, #tpu.memory_space<hbm>>
        tpu.wait_dma2 semaphore(%run_scoped3A_80 : memref<!tpu.dma_semaphore, #tpu.memory_space<semaphore_mem>>) src(%dma_wait3A_96 : memref<128xi32, #tpu.memory_space<hbm>>) dst(%dma_wait3A_94 : memref<128xi32, #tpu.memory_space<vmem>>)
        tpu.yield
      }) : () -> ()
      %run_scoped3A_68 = arith.constant 0 : i32
      %run_scoped3A_69 = arith.constant 0 : i32
      "tpu.region"() ({
        %run_scoped3A_80 = tpu.sem_alloc : memref<!tpu.dma_semaphore, #tpu.memory_space<semaphore_mem>>
        %dma_start3A_81 = arith.constant 0 : i32
        %dma_start3A_82 = tpu.memref_slice %arg6[%run_scoped3A_69, %dma_start3A_81] : memref<2x128xi32, #tpu.memory_space<vmem>> -> memref<1x128xi32, #tpu.memory_space<vmem>>
        %dma_start3A_83 = tpu.memref_squeeze %dma_start3A_82 : memref<1x128xi32, #tpu.memory_space<vmem>> -> memref<128xi32, #tpu.memory_space<vmem>>
        %dma_start3A_84 = tpu.memref_slice %arg3[%run_scoped3A_68, %mul3A_66] : memref<2x320000xi32, #tpu.memory_space<hbm>> -> memref<1x128xi32, #tpu.memory_space<hbm>>
        %dma_start3A_85 = tpu.memref_squeeze %dma_start3A_84 : memref<1x128xi32, #tpu.memory_space<hbm>> -> memref<128xi32, #tpu.memory_space<hbm>>
        %dma_start3A_86 = arith.constant 0 : i32
        %dma_start3A_87 = tpu.memref_slice %arg6[%run_scoped3A_69, %dma_start3A_86] : memref<2x128xi32, #tpu.memory_space<vmem>> -> memref<1x128xi32, #tpu.memory_space<vmem>>
        %dma_start3A_88 = tpu.memref_squeeze %dma_start3A_87 : memref<1x128xi32, #tpu.memory_space<vmem>> -> memref<128xi32, #tpu.memory_space<vmem>>
        %dma_start3A_89 = tpu.memref_slice %arg3[%run_scoped3A_68, %mul3A_66] : memref<2x320000xi32, #tpu.memory_space<hbm>> -> memref<1x128xi32, #tpu.memory_space<hbm>>
        %dma_start3A_90 = tpu.memref_squeeze %dma_start3A_89 : memref<1x128xi32, #tpu.memory_space<hbm>> -> memref<128xi32, #tpu.memory_space<hbm>>
        tpu.enqueue_dma source(%dma_start3A_90 : memref<128xi32, #tpu.memory_space<hbm>>) target(%dma_start3A_88 : memref<128xi32, #tpu.memory_space<vmem>>) target_semaphore(%run_scoped3A_80 : memref<!tpu.dma_semaphore, #tpu.memory_space<semaphore_mem>>)
        %dma_wait3A_91 = arith.constant 0 : i32
        %dma_wait3A_92 = tpu.memref_slice %arg6[%run_scoped3A_69, %dma_wait3A_91] : memref<2x128xi32, #tpu.memory_space<vmem>> -> memref<1x128xi32, #tpu.memory_space<vmem>>
        %dma_wait3A_93 = tpu.memref_squeeze %dma_wait3A_92 : memref<1x128xi32, #tpu.memory_space<vmem>> -> memref<128xi32, #tpu.memory_space<vmem>>
        %dma_wait3A_94 = tpu.memref_slice %arg3[%run_scoped3A_68, %mul3A_66] : memref<2x320000xi32, #tpu.memory_space<hbm>> -> memref<1x128xi32, #tpu.memory_space<hbm>>
        %dma_wait3A_95 = tpu.memref_squeeze %dma_wait3A_94 : memref<1x128xi32, #tpu.memory_space<hbm>> -> memref<128xi32, #tpu.memory_space<hbm>>
        %dma_wait3A_96 = arith.constant 0 : i32
        %dma_wait3A_97 = tpu.memref_slice %arg6[%run_scoped3A_69, %dma_wait3A_96] : memref<2x128xi32, #tpu.memory_space<vmem>> -> memref<1x128xi32, #tpu.memory_space<vmem>>
        %dma_wait3A_98 = tpu.memref_squeeze %dma_wait3A_97 : memref<1x128xi32, #tpu.memory_space<vmem>> -> memref<128xi32, #tpu.memory_space<vmem>>
        %dma_wait3A_99 = tpu.memref_slice %arg3[%run_scoped3A_68, %mul3A_66] : memref<2x320000xi32, #tpu.memory_space<hbm>> -> memref<1x128xi32, #tpu.memory_space<hbm>>
        %dma_wait3A_100 = tpu.memref_squeeze %dma_wait3A_99 : memref<1x128xi32, #tpu.memory_space<hbm>> -> memref<128xi32, #tpu.memory_space<hbm>>
        tpu.wait_dma2 semaphore(%run_scoped3A_80 : memref<!tpu.dma_semaphore, #tpu.memory_space<semaphore_mem>>) src(%dma_wait3A_100 : memref<128xi32, #tpu.memory_space<hbm>>) dst(%dma_wait3A_98 : memref<128xi32, #tpu.memory_space<vmem>>)
        tpu.yield
      }) : () -> ()
      %dma_start3A_70 = arith.constant 9984 : i32
      %dma_start3A_71 = tpu.memref_slice %arg5[%dma_start3A_70] : memref<10112xi32, #tpu.memory_space<vmem>> -> memref<128xi32, #tpu.memory_space<vmem>>
      %dma_start3A_72 = arith.constant 0 : i32
      %dma_start3A_73 = arith.constant 0 : i32
      %dma_start3A_74 = tpu.memref_slice %arg2[%dma_start3A_72, %dma_start3A_73] : memref<10240x128xf32, #tpu.memory_space<hbm>> -> memref<10240x128xf32, #tpu.memory_space<hbm>>
      tpu.enqueue_indirect_dma source(%dma_start3A_74 : memref<10240x128xf32, #tpu.memory_space<hbm>>) target(%arg7 : memref<128x128xf32, #tpu.memory_space<vmem>>) offsets(%dma_start3A_71 : memref<128xi32, #tpu.memory_space<vmem>>) semaphore(%arg10 : memref<!tpu.dma_semaphore, #tpu.memory_space<semaphore_mem>>)
      %dma_wait3A = arith.constant 9984 : i32
      %dma_wait3A_75 = tpu.memref_slice %arg5[%dma_wait3A] : memref<10112xi32, #tpu.memory_space<vmem>> -> memref<128xi32, #tpu.memory_space<vmem>>
      %dma_wait3A_76 = arith.constant 0 : i32
      %dma_wait3A_77 = arith.constant 0 : i32
      %dma_wait3A_78 = tpu.memref_slice %arg2[%dma_wait3A_76, %dma_wait3A_77] : memref<10240x128xf32, #tpu.memory_space<hbm>> -> memref<10240x128xf32, #tpu.memory_space<hbm>>
      tpu.wait_indirect_dma semaphore(%arg10 : memref<!tpu.dma_semaphore, #tpu.memory_space<semaphore_mem>>) src(%dma_wait3A_78 : memref<10240x128xf32, #tpu.memory_space<hbm>>) dst(%arg7 : memref<128x128xf32, #tpu.memory_space<vmem>>)
      %run_scoped3A_79 = arith.constant 0 : i32
      "tpu.region"() ({
        %run_scoped3A_80 = tpu.sem_alloc : memref<!tpu.dma_semaphore, #tpu.memory_space<semaphore_mem>>
        %dma_start3A_81 = arith.constant 0 : i32
        %dma_start3A_82 = tpu.memref_slice %arg6[%run_scoped3A_79, %dma_start3A_81] : memref<2x128xi32, #tpu.memory_space<vmem>> -> memref<1x128xi32, #tpu.memory_space<vmem>>
        %dma_start3A_83 = tpu.memref_squeeze %dma_start3A_82 : memref<1x128xi32, #tpu.memory_space<vmem>> -> memref<128xi32, #tpu.memory_space<vmem>>
        %dma_start3A_84 = arith.constant 0 : i32
        %dma_start3A_85 = arith.constant 0 : i32
        %dma_start3A_86 = tpu.memref_slice %arg9[%dma_start3A_84, %dma_start3A_85] : memref<10240x128xf32, #tpu.memory_space<vmem_shared>> -> memref<10240x128xf32, #tpu.memory_space<vmem_shared>>
        tpu.enqueue_indirect_dma source(%arg7 : memref<128x128xf32, #tpu.memory_space<vmem>>) target(%dma_start3A_86 : memref<10240x128xf32, #tpu.memory_space<vmem_shared>>) offsets(%dma_start3A_83 : memref<128xi32, #tpu.memory_space<vmem>>) semaphore(%run_scoped3A_80 : memref<!tpu.dma_semaphore, #tpu.memory_space<semaphore_mem>>) {add = true}
        %dma_wait3A_87 = arith.constant 0 : i32
        %dma_wait3A_88 = tpu.memref_slice %arg6[%run_scoped3A_79, %dma_wait3A_87] : memref<2x128xi32, #tpu.memory_space<vmem>> -> memref<1x128xi32, #tpu.memory_space<vmem>>
        %dma_wait3A_89 = tpu.memref_squeeze %dma_wait3A_88 : memref<1x128xi32, #tpu.memory_space<vmem>> -> memref<128xi32, #tpu.memory_space<vmem>>
        %dma_wait3A_90 = arith.constant 0 : i32
        %dma_wait3A_91 = arith.constant 0 : i32
        %dma_wait3A_92 = tpu.memref_slice %arg9[%dma_wait3A_90, %dma_wait3A_91] : memref<10240x128xf32, #tpu.memory_space<vmem_shared>> -> memref<10240x128xf32, #tpu.memory_space<vmem_shared>>
        tpu.wait_indirect_dma semaphore(%run_scoped3A_80 : memref<!tpu.dma_semaphore, #tpu.memory_space<semaphore_mem>>) src(%arg7 : memref<128x128xf32, #tpu.memory_space<vmem>>) dst(%dma_wait3A_92 : memref<10240x128xf32, #tpu.memory_space<vmem_shared>>)
        tpu.yield
      }) : () -> ()
    } else {
    }
    %dma_start3A = arith.constant 0 : i32
    %dma_start3A_17 = arith.constant 0 : i32
    %dma_start3A_18 = arith.constant 0 : i32
    %dma_start3A_19 = tpu.memref_slice %arg6[%dma_start3A_17, %dma_start3A_18] : memref<2x128xi32, #tpu.memory_space<vmem>> -> memref<1x128xi32, #tpu.memory_space<vmem>>
    %dma_start3A_20 = tpu.memref_squeeze %dma_start3A_19 : memref<1x128xi32, #tpu.memory_space<vmem>> -> memref<128xi32, #tpu.memory_space<vmem>>
    %dma_start3A_21 = tpu.memref_slice %arg3[%dma_start3A, %mul3A_2] : memref<2x320000xi32, #tpu.memory_space<hbm>> -> memref<1x128xi32, #tpu.memory_space<hbm>>
    %dma_start3A_22 = tpu.memref_squeeze %dma_start3A_21 : memref<1x128xi32, #tpu.memory_space<hbm>> -> memref<128xi32, #tpu.memory_space<hbm>>
    %dma_start3A_23 = arith.constant 0 : i32
    %dma_start3A_24 = tpu.memref_slice %arg6[%dma_start3A_17, %dma_start3A_23] : memref<2x128xi32, #tpu.memory_space<vmem>> -> memref<1x128xi32, #tpu.memory_space<vmem>>
    %dma_start3A_25 = tpu.memref_squeeze %dma_start3A_24 : memref<1x128xi32, #tpu.memory_space<vmem>> -> memref<128xi32, #tpu.memory_space<vmem>>
    %dma_start3A_26 = tpu.memref_slice %arg3[%dma_start3A, %mul3A_2] : memref<2x320000xi32, #tpu.memory_space<hbm>> -> memref<1x128xi32, #tpu.memory_space<hbm>>
    %dma_start3A_27 = tpu.memref_squeeze %dma_start3A_26 : memref<1x128xi32, #tpu.memory_space<hbm>> -> memref<128xi32, #tpu.memory_space<hbm>>
    tpu.enqueue_dma source(%dma_start3A_27 : memref<128xi32, #tpu.memory_space<hbm>>) target(%dma_start3A_25 : memref<128xi32, #tpu.memory_space<vmem>>) target_semaphore(%arg12 : memref<!tpu.dma_semaphore, #tpu.memory_space<semaphore_mem>>)
    %add3A_28 = arith.constant 128 : i32
    %add3A_29 = arith.addi %mul3A_2, %add3A_28 : i32
    %dma_start3A_30 = arith.constant 0 : i32
    %dma_start3A_31 = arith.constant 1 : i32
    %dma_start3A_32 = arith.constant 0 : i32
    %dma_start3A_33 = tpu.memref_slice %arg6[%dma_start3A_31, %dma_start3A_32] : memref<2x128xi32, #tpu.memory_space<vmem>> -> memref<1x128xi32, #tpu.memory_space<vmem>>
    %dma_start3A_34 = tpu.memref_squeeze %dma_start3A_33 : memref<1x128xi32, #tpu.memory_space<vmem>> -> memref<128xi32, #tpu.memory_space<vmem>>
    %dma_start3A_35 = tpu.memref_slice %arg3[%dma_start3A_30, %add3A_29] : memref<2x320000xi32, #tpu.memory_space<hbm>> -> memref<1x128xi32, #tpu.memory_space<hbm>>
    %dma_start3A_36 = tpu.memref_squeeze %dma_start3A_35 : memref<1x128xi32, #tpu.memory_space<hbm>> -> memref<128xi32, #tpu.memory_space<hbm>>
    %dma_start3A_37 = arith.constant 0 : i32
    %dma_start3A_38 = tpu.memref_slice %arg6[%dma_start3A_31, %dma_start3A_37] : memref<2x128xi32, #tpu.memory_space<vmem>> -> memref<1x128xi32, #tpu.memory_space<vmem>>
    %dma_start3A_39 = tpu.memref_squeeze %dma_start3A_38 : memref<1x128xi32, #tpu.memory_space<vmem>> -> memref<128xi32, #tpu.memory_space<vmem>>
    %dma_start3A_40 = tpu.memref_slice %arg3[%dma_start3A_30, %add3A_29] : memref<2x320000xi32, #tpu.memory_space<hbm>> -> memref<1x128xi32, #tpu.memory_space<hbm>>
    %dma_start3A_41 = tpu.memref_squeeze %dma_start3A_40 : memref<1x128xi32, #tpu.memory_space<hbm>> -> memref<128xi32, #tpu.memory_space<hbm>>
    tpu.enqueue_dma source(%dma_start3A_41 : memref<128xi32, #tpu.memory_space<hbm>>) target(%dma_start3A_39 : memref<128xi32, #tpu.memory_space<vmem>>) target_semaphore(%arg13 : memref<!tpu.dma_semaphore, #tpu.memory_space<semaphore_mem>>)
    %dma_start3A_42 = arith.constant 0 : i32
    %dma_start3A_43 = tpu.memref_slice %arg5[%dma_start3A_42] : memref<10112xi32, #tpu.memory_space<vmem>> -> memref<128xi32, #tpu.memory_space<vmem>>
    %dma_start3A_44 = arith.constant 0 : i32
    %dma_start3A_45 = arith.constant 0 : i32
    %dma_start3A_46 = tpu.memref_slice %arg2[%dma_start3A_44, %dma_start3A_45] : memref<10240x128xf32, #tpu.memory_space<hbm>> -> memref<10240x128xf32, #tpu.memory_space<hbm>>
    tpu.enqueue_indirect_dma source(%dma_start3A_46 : memref<10240x128xf32, #tpu.memory_space<hbm>>) target(%arg7 : memref<128x128xf32, #tpu.memory_space<vmem>>) offsets(%dma_start3A_43 : memref<128xi32, #tpu.memory_space<vmem>>) semaphore(%arg10 : memref<!tpu.dma_semaphore, #tpu.memory_space<semaphore_mem>>)
    %dma_start3A_47 = arith.constant 128 : i32
    %dma_start3A_48 = tpu.memref_slice %arg5[%dma_start3A_47] : memref<10112xi32, #tpu.memory_space<vmem>> -> memref<128xi32, #tpu.memory_space<vmem>>
    %dma_start3A_49 = arith.constant 0 : i32
    %dma_start3A_50 = arith.constant 0 : i32
    %dma_start3A_51 = tpu.memref_slice %arg2[%dma_start3A_49, %dma_start3A_50] : memref<10240x128xf32, #tpu.memory_space<hbm>> -> memref<10240x128xf32, #tpu.memory_space<hbm>>
    tpu.enqueue_indirect_dma source(%dma_start3A_51 : memref<10240x128xf32, #tpu.memory_space<hbm>>) target(%arg8 : memref<128x128xf32, #tpu.memory_space<vmem>>) offsets(%dma_start3A_48 : memref<128xi32, #tpu.memory_space<vmem>>) semaphore(%arg11 : memref<!tpu.dma_semaphore, #tpu.memory_space<semaphore_mem>>)
    %scan3A_52 = arith.constant 0 : i32
    %scan3A_53 = arith.constant 0 : i32
    %scan3A_54 = arith.constant 39 : i32
    %scan3A_55 = arith.addi %scan3A_53, %scan3A_54 : i32
    %scan3A_56 = arith.constant 1 : i32
    scf.for %scan3A_63 = %scan3A_53 to %scan3A_55 step %scan3A_56  : i32 {
      %mul3A_64 = arith.constant 2 : i32
      %mul3A_65 = arith.muli %mul3A_64, %scan3A_63 : i32
      %mul3A_66 = arith.constant 128 : i32
      %mul3A_67 = arith.muli %mul3A_65, %mul3A_66 : i32
      %dma_wait3A = tpu.memref_slice %arg5[%mul3A_67] : memref<10112xi32, #tpu.memory_space<vmem>> -> memref<128xi32, #tpu.memory_space<vmem>>
      %dma_wait3A_68 = arith.constant 0 : i32
      %dma_wait3A_69 = arith.constant 0 : i32
      %dma_wait3A_70 = tpu.memref_slice %arg2[%dma_wait3A_68, %dma_wait3A_69] : memref<10240x128xf32, #tpu.memory_space<hbm>> -> memref<10240x128xf32, #tpu.memory_space<hbm>>
      tpu.wait_indirect_dma semaphore(%arg10 : memref<!tpu.dma_semaphore, #tpu.memory_space<semaphore_mem>>) src(%dma_wait3A_70 : memref<10240x128xf32, #tpu.memory_space<hbm>>) dst(%arg7 : memref<128x128xf32, #tpu.memory_space<vmem>>)
      %mul3A_71 = arith.constant 128 : i32
      %mul3A_72 = arith.muli %mul3A_65, %mul3A_71 : i32
      %add3A_73 = arith.addi %mul3A_2, %mul3A_72 : i32
      %dma_wait3A_74 = arith.constant 0 : i32
      %dma_wait3A_75 = arith.constant 0 : i32
      %dma_wait3A_76 = arith.constant 0 : i32
      %dma_wait3A_77 = tpu.memref_slice %arg6[%dma_wait3A_75, %dma_wait3A_76] : memref<2x128xi32, #tpu.memory_space<vmem>> -> memref<1x128xi32, #tpu.memory_space<vmem>>
      %dma_wait3A_78 = tpu.memref_squeeze %dma_wait3A_77 : memref<1x128xi32, #tpu.memory_space<vmem>> -> memref<128xi32, #tpu.memory_space<vmem>>
      %dma_wait3A_79 = tpu.memref_slice %arg3[%dma_wait3A_74, %add3A_73] : memref<2x320000xi32, #tpu.memory_space<hbm>> -> memref<1x128xi32, #tpu.memory_space<hbm>>
      %dma_wait3A_80 = tpu.memref_squeeze %dma_wait3A_79 : memref<1x128xi32, #tpu.memory_space<hbm>> -> memref<128xi32, #tpu.memory_space<hbm>>
      %dma_wait3A_81 = arith.constant 0 : i32
      %dma_wait3A_82 = tpu.memref_slice %arg6[%dma_wait3A_75, %dma_wait3A_81] : memref<2x128xi32, #tpu.memory_space<vmem>> -> memref<1x128xi32, #tpu.memory_space<vmem>>
      %dma_wait3A_83 = tpu.memref_squeeze %dma_wait3A_82 : memref<1x128xi32, #tpu.memory_space<vmem>> -> memref<128xi32, #tpu.memory_space<vmem>>
      %dma_wait3A_84 = tpu.memref_slice %arg3[%dma_wait3A_74, %add3A_73] : memref<2x320000xi32, #tpu.memory_space<hbm>> -> memref<1x128xi32, #tpu.memory_space<hbm>>
      %dma_wait3A_85 = tpu.memref_squeeze %dma_wait3A_84 : memref<1x128xi32, #tpu.memory_space<hbm>> -> memref<128xi32, #tpu.memory_space<hbm>>
      tpu.wait_dma2 semaphore(%arg12 : memref<!tpu.dma_semaphore, #tpu.memory_space<semaphore_mem>>) src(%dma_wait3A_85 : memref<128xi32, #tpu.memory_space<hbm>>) dst(%dma_wait3A_83 : memref<128xi32, #tpu.memory_space<vmem>>)
      %run_scoped3A_86 = arith.constant 0 : i32
      "tpu.region"() ({
        %run_scoped3A_123 = tpu.sem_alloc : memref<!tpu.dma_semaphore, #tpu.memory_space<semaphore_mem>>
        %dma_start3A_124 = arith.constant 0 : i32
        %dma_start3A_125 = tpu.memref_slice %arg6[%run_scoped3A_86, %dma_start3A_124] : memref<2x128xi32, #tpu.memory_space<vmem>> -> memref<1x128xi32, #tpu.memory_space<vmem>>
        %dma_start3A_126 = tpu.memref_squeeze %dma_start3A_125 : memref<1x128xi32, #tpu.memory_space<vmem>> -> memref<128xi32, #tpu.memory_space<vmem>>
        %dma_start3A_127 = arith.constant 0 : i32
        %dma_start3A_128 = arith.constant 0 : i32
        %dma_start3A_129 = tpu.memref_slice %arg9[%dma_start3A_127, %dma_start3A_128] : memref<10240x128xf32, #tpu.memory_space<vmem_shared>> -> memref<10240x128xf32, #tpu.memory_space<vmem_shared>>
        tpu.enqueue_indirect_dma source(%arg7 : memref<128x128xf32, #tpu.memory_space<vmem>>) target(%dma_start3A_129 : memref<10240x128xf32, #tpu.memory_space<vmem_shared>>) offsets(%dma_start3A_126 : memref<128xi32, #tpu.memory_space<vmem>>) semaphore(%run_scoped3A_123 : memref<!tpu.dma_semaphore, #tpu.memory_space<semaphore_mem>>) {add = true}
        %dma_wait3A_130 = arith.constant 0 : i32
        %dma_wait3A_131 = tpu.memref_slice %arg6[%run_scoped3A_86, %dma_wait3A_130] : memref<2x128xi32, #tpu.memory_space<vmem>> -> memref<1x128xi32, #tpu.memory_space<vmem>>
        %dma_wait3A_132 = tpu.memref_squeeze %dma_wait3A_131 : memref<1x128xi32, #tpu.memory_space<vmem>> -> memref<128xi32, #tpu.memory_space<vmem>>
        %dma_wait3A_133 = arith.constant 0 : i32
        %dma_wait3A_134 = arith.constant 0 : i32
        %dma_wait3A_135 = tpu.memref_slice %arg9[%dma_wait3A_133, %dma_wait3A_134] : memref<10240x128xf32, #tpu.memory_space<vmem_shared>> -> memref<10240x128xf32, #tpu.memory_space<vmem_shared>>
        tpu.wait_indirect_dma semaphore(%run_scoped3A_123 : memref<!tpu.dma_semaphore, #tpu.memory_space<semaphore_mem>>) src(%arg7 : memref<128x128xf32, #tpu.memory_space<vmem>>) dst(%dma_wait3A_135 : memref<10240x128xf32, #tpu.memory_space<vmem_shared>>)
        tpu.yield
      }) : () -> ()
      %lt3A_87 = arith.constant 38 : i32
      %lt3A_88 = arith.cmpi slt, %scan3A_63, %lt3A_87 : i32
      %convert_element_type3A_89 = arith.extui %lt3A_88 : i1 to i32
      %cond3A_90 = arith.constant 0 : i32
      %cond3A_91 = arith.cmpi ne, %convert_element_type3A_89, %cond3A_90 : i32
      scf.if %cond3A_91 {
        %add3A_123 = arith.constant 2 : i32
        %add3A_124 = arith.addi %mul3A_65, %add3A_123 : i32
        %mul3A_125 = arith.constant 128 : i32
        %mul3A_126 = arith.muli %add3A_124, %mul3A_125 : i32
        %add3A_127 = arith.addi %mul3A_2, %mul3A_126 : i32
        %dma_start3A_128 = arith.constant 0 : i32
        %dma_start3A_129 = arith.constant 0 : i32
        %dma_start3A_130 = arith.constant 0 : i32
        %dma_start3A_131 = tpu.memref_slice %arg6[%dma_start3A_129, %dma_start3A_130] : memref<2x128xi32, #tpu.memory_space<vmem>> -> memref<1x128xi32, #tpu.memory_space<vmem>>
        %dma_start3A_132 = tpu.memref_squeeze %dma_start3A_131 : memref<1x128xi32, #tpu.memory_space<vmem>> -> memref<128xi32, #tpu.memory_space<vmem>>
        %dma_start3A_133 = tpu.memref_slice %arg3[%dma_start3A_128, %add3A_127] : memref<2x320000xi32, #tpu.memory_space<hbm>> -> memref<1x128xi32, #tpu.memory_space<hbm>>
        %dma_start3A_134 = tpu.memref_squeeze %dma_start3A_133 : memref<1x128xi32, #tpu.memory_space<hbm>> -> memref<128xi32, #tpu.memory_space<hbm>>
        %dma_start3A_135 = arith.constant 0 : i32
        %dma_start3A_136 = tpu.memref_slice %arg6[%dma_start3A_129, %dma_start3A_135] : memref<2x128xi32, #tpu.memory_space<vmem>> -> memref<1x128xi32, #tpu.memory_space<vmem>>
        %dma_start3A_137 = tpu.memref_squeeze %dma_start3A_136 : memref<1x128xi32, #tpu.memory_space<vmem>> -> memref<128xi32, #tpu.memory_space<vmem>>
        %dma_start3A_138 = tpu.memref_slice %arg3[%dma_start3A_128, %add3A_127] : memref<2x320000xi32, #tpu.memory_space<hbm>> -> memref<1x128xi32, #tpu.memory_space<hbm>>
        %dma_start3A_139 = tpu.memref_squeeze %dma_start3A_138 : memref<1x128xi32, #tpu.memory_space<hbm>> -> memref<128xi32, #tpu.memory_space<hbm>>
        tpu.enqueue_dma source(%dma_start3A_139 : memref<128xi32, #tpu.memory_space<hbm>>) target(%dma_start3A_137 : memref<128xi32, #tpu.memory_space<vmem>>) target_semaphore(%arg12 : memref<!tpu.dma_semaphore, #tpu.memory_space<semaphore_mem>>)
        %add3A_140 = arith.constant 2 : i32
        %add3A_141 = arith.addi %mul3A_65, %add3A_140 : i32
        %mul3A_142 = arith.constant 128 : i32
        %mul3A_143 = arith.muli %add3A_141, %mul3A_142 : i32
        %dma_start3A_144 = tpu.memref_slice %arg5[%mul3A_143] : memref<10112xi32, #tpu.memory_space<vmem>> -> memref<128xi32, #tpu.memory_space<vmem>>
        %dma_start3A_145 = arith.constant 0 : i32
        %dma_start3A_146 = arith.constant 0 : i32
        %dma_start3A_147 = tpu.memref_slice %arg2[%dma_start3A_145, %dma_start3A_146] : memref<10240x128xf32, #tpu.memory_space<hbm>> -> memref<10240x128xf32, #tpu.memory_space<hbm>>
        tpu.enqueue_indirect_dma source(%dma_start3A_147 : memref<10240x128xf32, #tpu.memory_space<hbm>>) target(%arg7 : memref<128x128xf32, #tpu.memory_space<vmem>>) offsets(%dma_start3A_144 : memref<128xi32, #tpu.memory_space<vmem>>) semaphore(%arg10 : memref<!tpu.dma_semaphore, #tpu.memory_space<semaphore_mem>>)
      } else {
      }
      %add3A_92 = arith.constant 1 : i32
      %add3A_93 = arith.addi %mul3A_65, %add3A_92 : i32
      %mul3A_94 = arith.constant 128 : i32
      %mul3A_95 = arith.muli %add3A_93, %mul3A_94 : i32
      %dma_wait3A_96 = tpu.memref_slice %arg5[%mul3A_95] : memref<10112xi32, #tpu.memory_space<vmem>> -> memref<128xi32, #tpu.memory_space<vmem>>
      %dma_wait3A_97 = arith.constant 0 : i32
      %dma_wait3A_98 = arith.constant 0 : i32
      %dma_wait3A_99 = tpu.memref_slice %arg2[%dma_wait3A_97, %dma_wait3A_98] : memref<10240x128xf32, #tpu.memory_space<hbm>> -> memref<10240x128xf32, #tpu.memory_space<hbm>>
      tpu.wait_indirect_dma semaphore(%arg11 : memref<!tpu.dma_semaphore, #tpu.memory_space<semaphore_mem>>) src(%dma_wait3A_99 : memref<10240x128xf32, #tpu.memory_space<hbm>>) dst(%arg8 : memref<128x128xf32, #tpu.memory_space<vmem>>)
      %add3A_100 = arith.constant 1 : i32
      %add3A_101 = arith.addi %mul3A_65, %add3A_100 : i32
      %mul3A_102 = arith.constant 128 : i32
      %mul3A_103 = arith.muli %add3A_101, %mul3A_102 : i32
      %add3A_104 = arith.addi %mul3A_2, %mul3A_103 : i32
      %dma_wait3A_105 = arith.constant 0 : i32
      %dma_wait3A_106 = arith.constant 1 : i32
      %dma_wait3A_107 = arith.constant 0 : i32
      %dma_wait3A_108 = tpu.memref_slice %arg6[%dma_wait3A_106, %dma_wait3A_107] : memref<2x128xi32, #tpu.memory_space<vmem>> -> memref<1x128xi32, #tpu.memory_space<vmem>>
      %dma_wait3A_109 = tpu.memref_squeeze %dma_wait3A_108 : memref<1x128xi32, #tpu.memory_space<vmem>> -> memref<128xi32, #tpu.memory_space<vmem>>
      %dma_wait3A_110 = tpu.memref_slice %arg3[%dma_wait3A_105, %add3A_104] : memref<2x320000xi32, #tpu.memory_space<hbm>> -> memref<1x128xi32, #tpu.memory_space<hbm>>
      %dma_wait3A_111 = tpu.memref_squeeze %dma_wait3A_110 : memref<1x128xi32, #tpu.memory_space<hbm>> -> memref<128xi32, #tpu.memory_space<hbm>>
      %dma_wait3A_112 = arith.constant 0 : i32
      %dma_wait3A_113 = tpu.memref_slice %arg6[%dma_wait3A_106, %dma_wait3A_112] : memref<2x128xi32, #tpu.memory_space<vmem>> -> memref<1x128xi32, #tpu.memory_space<vmem>>
      %dma_wait3A_114 = tpu.memref_squeeze %dma_wait3A_113 : memref<1x128xi32, #tpu.memory_space<vmem>> -> memref<128xi32, #tpu.memory_space<vmem>>
      %dma_wait3A_115 = tpu.memref_slice %arg3[%dma_wait3A_105, %add3A_104] : memref<2x320000xi32, #tpu.memory_space<hbm>> -> memref<1x128xi32, #tpu.memory_space<hbm>>
      %dma_wait3A_116 = tpu.memref_squeeze %dma_wait3A_115 : memref<1x128xi32, #tpu.memory_space<hbm>> -> memref<128xi32, #tpu.memory_space<hbm>>
      tpu.wait_dma2 semaphore(%arg13 : memref<!tpu.dma_semaphore, #tpu.memory_space<semaphore_mem>>) src(%dma_wait3A_116 : memref<128xi32, #tpu.memory_space<hbm>>) dst(%dma_wait3A_114 : memref<128xi32, #tpu.memory_space<vmem>>)
      %run_scoped3A_117 = arith.constant 1 : i32
      "tpu.region"() ({
        %run_scoped3A_123 = tpu.sem_alloc : memref<!tpu.dma_semaphore, #tpu.memory_space<semaphore_mem>>
        %dma_start3A_124 = arith.constant 0 : i32
        %dma_start3A_125 = tpu.memref_slice %arg6[%run_scoped3A_117, %dma_start3A_124] : memref<2x128xi32, #tpu.memory_space<vmem>> -> memref<1x128xi32, #tpu.memory_space<vmem>>
        %dma_start3A_126 = tpu.memref_squeeze %dma_start3A_125 : memref<1x128xi32, #tpu.memory_space<vmem>> -> memref<128xi32, #tpu.memory_space<vmem>>
        %dma_start3A_127 = arith.constant 0 : i32
        %dma_start3A_128 = arith.constant 0 : i32
        %dma_start3A_129 = tpu.memref_slice %arg9[%dma_start3A_127, %dma_start3A_128] : memref<10240x128xf32, #tpu.memory_space<vmem_shared>> -> memref<10240x128xf32, #tpu.memory_space<vmem_shared>>
        tpu.enqueue_indirect_dma source(%arg8 : memref<128x128xf32, #tpu.memory_space<vmem>>) target(%dma_start3A_129 : memref<10240x128xf32, #tpu.memory_space<vmem_shared>>) offsets(%dma_start3A_126 : memref<128xi32, #tpu.memory_space<vmem>>) semaphore(%run_scoped3A_123 : memref<!tpu.dma_semaphore, #tpu.memory_space<semaphore_mem>>) {add = true}
        %dma_wait3A_130 = arith.constant 0 : i32
        %dma_wait3A_131 = tpu.memref_slice %arg6[%run_scoped3A_117, %dma_wait3A_130] : memref<2x128xi32, #tpu.memory_space<vmem>> -> memref<1x128xi32, #tpu.memory_space<vmem>>
        %dma_wait3A_132 = tpu.memref_squeeze %dma_wait3A_131 : memref<1x128xi32, #tpu.memory_space<vmem>> -> memref<128xi32, #tpu.memory_space<vmem>>
        %dma_wait3A_133 = arith.constant 0 : i32
        %dma_wait3A_134 = arith.constant 0 : i32
        %dma_wait3A_135 = tpu.memref_slice %arg9[%dma_wait3A_133, %dma_wait3A_134] : memref<10240x128xf32, #tpu.memory_space<vmem_shared>> -> memref<10240x128xf32, #tpu.memory_space<vmem_shared>>
        tpu.wait_indirect_dma semaphore(%run_scoped3A_123 : memref<!tpu.dma_semaphore, #tpu.memory_space<semaphore_mem>>) src(%arg8 : memref<128x128xf32, #tpu.memory_space<vmem>>) dst(%dma_wait3A_135 : memref<10240x128xf32, #tpu.memory_space<vmem_shared>>)
        tpu.yield
      }) : () -> ()
      %lt3A_118 = arith.constant 38 : i32
      %lt3A_119 = arith.cmpi slt, %scan3A_63, %lt3A_118 : i32
      %convert_element_type3A_120 = arith.extui %lt3A_119 : i1 to i32
      %cond3A_121 = arith.constant 0 : i32
      %cond3A_122 = arith.cmpi ne, %convert_element_type3A_120, %cond3A_121 : i32
      scf.if %cond3A_122 {
        %add3A_123 = arith.constant 3 : i32
        %add3A_124 = arith.addi %mul3A_65, %add3A_123 : i32
        %mul3A_125 = arith.constant 128 : i32
        %mul3A_126 = arith.muli %add3A_124, %mul3A_125 : i32
        %add3A_127 = arith.addi %mul3A_2, %mul3A_126 : i32
        %dma_start3A_128 = arith.constant 0 : i32
        %dma_start3A_129 = arith.constant 1 : i32
        %dma_start3A_130 = arith.constant 0 : i32
        %dma_start3A_131 = tpu.memref_slice %arg6[%dma_start3A_129, %dma_start3A_130] : memref<2x128xi32, #tpu.memory_space<vmem>> -> memref<1x128xi32, #tpu.memory_space<vmem>>
        %dma_start3A_132 = tpu.memref_squeeze %dma_start3A_131 : memref<1x128xi32, #tpu.memory_space<vmem>> -> memref<128xi32, #tpu.memory_space<vmem>>
        %dma_start3A_133 = tpu.memref_slice %arg3[%dma_start3A_128, %add3A_127] : memref<2x320000xi32, #tpu.memory_space<hbm>> -> memref<1x128xi32, #tpu.memory_space<hbm>>
        %dma_start3A_134 = tpu.memref_squeeze %dma_start3A_133 : memref<1x128xi32, #tpu.memory_space<hbm>> -> memref<128xi32, #tpu.memory_space<hbm>>
        %dma_start3A_135 = arith.constant 0 : i32
        %dma_start3A_136 = tpu.memref_slice %arg6[%dma_start3A_129, %dma_start3A_135] : memref<2x128xi32, #tpu.memory_space<vmem>> -> memref<1x128xi32, #tpu.memory_space<vmem>>
        %dma_start3A_137 = tpu.memref_squeeze %dma_start3A_136 : memref<1x128xi32, #tpu.memory_space<vmem>> -> memref<128xi32, #tpu.memory_space<vmem>>
        %dma_start3A_138 = tpu.memref_slice %arg3[%dma_start3A_128, %add3A_127] : memref<2x320000xi32, #tpu.memory_space<hbm>> -> memref<1x128xi32, #tpu.memory_space<hbm>>
        %dma_start3A_139 = tpu.memref_squeeze %dma_start3A_138 : memref<1x128xi32, #tpu.memory_space<hbm>> -> memref<128xi32, #tpu.memory_space<hbm>>
        tpu.enqueue_dma source(%dma_start3A_139 : memref<128xi32, #tpu.memory_space<hbm>>) target(%dma_start3A_137 : memref<128xi32, #tpu.memory_space<vmem>>) target_semaphore(%arg13 : memref<!tpu.dma_semaphore, #tpu.memory_space<semaphore_mem>>)
        %add3A_140 = arith.constant 3 : i32
        %add3A_141 = arith.addi %mul3A_65, %add3A_140 : i32
        %mul3A_142 = arith.constant 128 : i32
        %mul3A_143 = arith.muli %add3A_141, %mul3A_142 : i32
        %dma_start3A_144 = tpu.memref_slice %arg5[%mul3A_143] : memref<10112xi32, #tpu.memory_space<vmem>> -> memref<128xi32, #tpu.memory_space<vmem>>
        %dma_start3A_145 = arith.constant 0 : i32
        %dma_start3A_146 = arith.constant 0 : i32
        %dma_start3A_147 = tpu.memref_slice %arg2[%dma_start3A_145, %dma_start3A_146] : memref<10240x128xf32, #tpu.memory_space<hbm>> -> memref<10240x128xf32, #tpu.memory_space<hbm>>
        tpu.enqueue_indirect_dma source(%dma_start3A_147 : memref<10240x128xf32, #tpu.memory_space<hbm>>) target(%arg8 : memref<128x128xf32, #tpu.memory_space<vmem>>) offsets(%dma_start3A_144 : memref<128xi32, #tpu.memory_space<vmem>>) semaphore(%arg11 : memref<!tpu.dma_semaphore, #tpu.memory_space<semaphore_mem>>)
      } else {
      }
    }
    %scan3A_57 = arith.constant 39 : i32
    %barrier3A_58 = arith.constant 0 : index
    tpu.barrier barrier_id(%barrier3A_58)
    %mul3A_59 = arith.constant 640 : i32
    %mul3A_60 = arith.muli %arg1, %mul3A_59 : i32
    %mul3A_61 = arith.constant 640 : i32
    %mul3A_62 = arith.muli %arg1, %mul3A_61 : i32
    "tpu.region"() ({
      %run_scoped3A_63 = tpu.sem_alloc : memref<!tpu.dma_semaphore, #tpu.memory_space<semaphore_mem>>
      %dma_start3A_64 = arith.constant 0 : i32
      %dma_start3A_65 = tpu.memref_slice %arg4[%arg0, %mul3A_62, %dma_start3A_64] : memref<2x10240x128xf32, #tpu.memory_space<hbm>> -> memref<1x640x128xf32, #tpu.memory_space<hbm>>
      %dma_start3A_66 = tpu.memref_squeeze %dma_start3A_65 : memref<1x640x128xf32, #tpu.memory_space<hbm>> -> memref<640x128xf32, #tpu.memory_space<hbm>>
      %dma_start3A_67 = arith.constant 0 : i32
      %dma_start3A_68 = tpu.memref_slice %arg9[%mul3A_60, %dma_start3A_67] : memref<10240x128xf32, #tpu.memory_space<vmem_shared>> -> memref<640x128xf32, #tpu.memory_space<vmem_shared>>
      tpu.enqueue_dma source(%dma_start3A_68 : memref<640x128xf32, #tpu.memory_space<vmem_shared>>) target(%dma_start3A_66 : memref<640x128xf32, #tpu.memory_space<hbm>>) target_semaphore(%run_scoped3A_63 : memref<!tpu.dma_semaphore, #tpu.memory_space<semaphore_mem>>)
      %dma_wait3A = arith.constant 0 : i32
      %dma_wait3A_69 = tpu.memref_slice %arg4[%arg0, %mul3A_62, %dma_wait3A] : memref<2x10240x128xf32, #tpu.memory_space<hbm>> -> memref<1x640x128xf32, #tpu.memory_space<hbm>>
      %dma_wait3A_70 = tpu.memref_squeeze %dma_wait3A_69 : memref<1x640x128xf32, #tpu.memory_space<hbm>> -> memref<640x128xf32, #tpu.memory_space<hbm>>
      %dma_wait3A_71 = arith.constant 0 : i32
      %dma_wait3A_72 = tpu.memref_slice %arg9[%mul3A_60, %dma_wait3A_71] : memref<10240x128xf32, #tpu.memory_space<vmem_shared>> -> memref<640x128xf32, #tpu.memory_space<vmem_shared>>
      tpu.wait_dma2 semaphore(%run_scoped3A_63 : memref<!tpu.dma_semaphore, #tpu.memory_space<semaphore_mem>>) src(%dma_wait3A_72 : memref<640x128xf32, #tpu.memory_space<vmem_shared>>) dst(%dma_wait3A_70 : memref<640x128xf32, #tpu.memory_space<hbm>>)
      tpu.yield
    }) : () -> ()
    return
  }
}

#map = affine_map<(d0, d1) -> (0, 0)>
#map1 = affine_map<(d0, d1) -> (0, 0, 0)>
module attributes {stable_mosaic.version = 14 : i64} {
  func.func @_spmm_kernel(%arg0: i32, %arg1: i32, %arg2: memref<10240x128xf32, #tpu.memory_space<hbm>>, %arg3: memref<2x320000xi32, #tpu.memory_space<hbm>>, %arg4: memref<2x10240x128xf32, #tpu.memory_space<hbm>>, %arg5: memref<10112xi32, #tpu.memory_space<vmem>>, %arg6: memref<2x128xi32, #tpu.memory_space<vmem>>, %arg7: memref<128x128xf32, #tpu.memory_space<vmem>>, %arg8: memref<128x128xf32, #tpu.memory_space<vmem>>, %arg9: memref<10240x128xf32, #tpu.memory_space<vmem_shared>>, %arg10: memref<!tpu.dma_semaphore, #tpu.memory_space<semaphore_mem>>, %arg11: memref<!tpu.dma_semaphore, #tpu.memory_space<semaphore_mem>>, %arg12: memref<!tpu.dma_semaphore, #tpu.memory_space<semaphore_mem>>, %arg13: memref<!tpu.dma_semaphore, #tpu.memory_space<semaphore_mem>>) attributes {dimension_semantics = [#tpu.dimension_semantics<core_parallel>, #tpu.dimension_semantics<subcore_parallel>], iteration_bounds = array<i64: 2, 16>, scalar_prefetch = 0 : i64, scratch_operands = 9 : i64, tpu.core_type = #tpu.core_type<sc_vector_subcore>, window_params = [{transform_indices = #map}, {transform_indices = #map}, {transform_indices = #map1}]} {
    %mul3A = arith.constant 2 : i32
    %mul3A_0 = arith.muli %arg1, %mul3A : i32
    %add3A = arith.addi %mul3A_0, %arg0 : i32
    %mul3A_1 = arith.constant 9984 : i32
    %mul3A_2 = arith.muli %add3A, %mul3A_1 : i32
    %broadcast_in_dim3A = arith.constant 0.000000e+00 : f32
    %broadcast_in_dim3A_3 = vector.broadcast %broadcast_in_dim3A : f32 to vector<16xf32>
    %scan3A = arith.constant 0 : i32
    %scan3A_4 = arith.constant 0 : i32
    %scan3A_5 = arith.constant 128 : i32
    %scan3A_6 = arith.addi %scan3A_4, %scan3A_5 : i32
    %scan3A_7 = arith.constant 1 : i32
    scf.for %scan3A_63 = %scan3A_4 to %scan3A_6 step %scan3A_7  : i32 {
      %swap3A = arith.index_cast %scan3A_63 : i32 to index
      %swap3A_64 = arith.constant 0 : index
      %swap3A_65 = tpu.vector_load %arg7[%swap3A, %swap3A_64] {strides = array<i32>} : memref<128x128xf32, #tpu.memory_space<vmem>>, vector<1x16xf32>,
      %swap3A_66 = vector.shape_cast %swap3A_65 : vector<1x16xf32> to vector<16xf32>
      %swap3A_67 = vector.shape_cast %broadcast_in_dim3A_3 : vector<16xf32> to vector<1x16xf32>
      tpu.vector_store %arg7[%swap3A, %swap3A_64], %swap3A_67 {strides = array<i32>} : memref<128x128xf32, #tpu.memory_space<vmem>>, vector<1x16xf32>,
      %swap3A_68 = arith.index_cast %scan3A_63 : i32 to index
      %swap3A_69 = arith.constant 16 : index
      %swap3A_70 = tpu.vector_load %arg7[%swap3A_68, %swap3A_69] {strides = array<i32>} : memref<128x128xf32, #tpu.memory_space<vmem>>, vector<1x16xf32>,
      %swap3A_71 = vector.shape_cast %swap3A_70 : vector<1x16xf32> to vector<16xf32>
      %swap3A_72 = vector.shape_cast %broadcast_in_dim3A_3 : vector<16xf32> to vector<1x16xf32>
      tpu.vector_store %arg7[%swap3A_68, %swap3A_69], %swap3A_72 {strides = array<i32>} : memref<128x128xf32, #tpu.memory_space<vmem>>, vector<1x16xf32>,
      %swap3A_73 = arith.index_cast %scan3A_63 : i32 to index
      %swap3A_74 = arith.constant 32 : index
      %swap3A_75 = tpu.vector_load %arg7[%swap3A_73, %swap3A_74] {strides = array<i32>} : memref<128x128xf32, #tpu.memory_space<vmem>>, vector<1x16xf32>,
      %swap3A_76 = vector.shape_cast %swap3A_75 : vector<1x16xf32> to vector<16xf32>
      %swap3A_77 = vector.shape_cast %broadcast_in_dim3A_3 : vector<16xf32> to vector<1x16xf32>
      tpu.vector_store %arg7[%swap3A_73, %swap3A_74], %swap3A_77 {strides = array<i32>} : memref<128x128xf32, #tpu.memory_space<vmem>>, vector<1x16xf32>,
      %swap3A_78 = arith.index_cast %scan3A_63 : i32 to index
      %swap3A_79 = arith.constant 48 : index
      %swap3A_80 = tpu.vector_load %arg7[%swap3A_78, %swap3A_79] {strides = array<i32>} : memref<128x128xf32, #tpu.memory_space<vmem>>, vector<1x16xf32>,
      %swap3A_81 = vector.shape_cast %swap3A_80 : vector<1x16xf32> to vector<16xf32>
      %swap3A_82 = vector.shape_cast %broadcast_in_dim3A_3 : vector<16xf32> to vector<1x16xf32>
      tpu.vector_store %arg7[%swap3A_78, %swap3A_79], %swap3A_82 {strides = array<i32>} : memref<128x128xf32, #tpu.memory_space<vmem>>, vector<1x16xf32>,
      %swap3A_83 = arith.index_cast %scan3A_63 : i32 to index
      %swap3A_84 = arith.constant 64 : index
      %swap3A_85 = tpu.vector_load %arg7[%swap3A_83, %swap3A_84] {strides = array<i32>} : memref<128x128xf32, #tpu.memory_space<vmem>>, vector<1x16xf32>,
      %swap3A_86 = vector.shape_cast %swap3A_85 : vector<1x16xf32> to vector<16xf32>
      %swap3A_87 = vector.shape_cast %broadcast_in_dim3A_3 : vector<16xf32> to vector<1x16xf32>
      tpu.vector_store %arg7[%swap3A_83, %swap3A_84], %swap3A_87 {strides = array<i32>} : memref<128x128xf32, #tpu.memory_space<vmem>>, vector<1x16xf32>,
      %swap3A_88 = arith.index_cast %scan3A_63 : i32 to index
      %swap3A_89 = arith.constant 80 : index
      %swap3A_90 = tpu.vector_load %arg7[%swap3A_88, %swap3A_89] {strides = array<i32>} : memref<128x128xf32, #tpu.memory_space<vmem>>, vector<1x16xf32>,
      %swap3A_91 = vector.shape_cast %swap3A_90 : vector<1x16xf32> to vector<16xf32>
      %swap3A_92 = vector.shape_cast %broadcast_in_dim3A_3 : vector<16xf32> to vector<1x16xf32>
      tpu.vector_store %arg7[%swap3A_88, %swap3A_89], %swap3A_92 {strides = array<i32>} : memref<128x128xf32, #tpu.memory_space<vmem>>, vector<1x16xf32>,
      %swap3A_93 = arith.index_cast %scan3A_63 : i32 to index
      %swap3A_94 = arith.constant 96 : index
      %swap3A_95 = tpu.vector_load %arg7[%swap3A_93, %swap3A_94] {strides = array<i32>} : memref<128x128xf32, #tpu.memory_space<vmem>>, vector<1x16xf32>,
      %swap3A_96 = vector.shape_cast %swap3A_95 : vector<1x16xf32> to vector<16xf32>
      %swap3A_97 = vector.shape_cast %broadcast_in_dim3A_3 : vector<16xf32> to vector<1x16xf32>
      tpu.vector_store %arg7[%swap3A_93, %swap3A_94], %swap3A_97 {strides = array<i32>} : memref<128x128xf32, #tpu.memory_space<vmem>>, vector<1x16xf32>,
      %swap3A_98 = arith.index_cast %scan3A_63 : i32 to index
      %swap3A_99 = arith.constant 112 : index
      %swap3A_100 = tpu.vector_load %arg7[%swap3A_98, %swap3A_99] {strides = array<i32>} : memref<128x128xf32, #tpu.memory_space<vmem>>, vector<1x16xf32>,
      %swap3A_101 = vector.shape_cast %swap3A_100 : vector<1x16xf32> to vector<16xf32>
      %swap3A_102 = vector.shape_cast %broadcast_in_dim3A_3 : vector<16xf32> to vector<1x16xf32>
      tpu.vector_store %arg7[%swap3A_98, %swap3A_99], %swap3A_102 {strides = array<i32>} : memref<128x128xf32, #tpu.memory_space<vmem>>, vector<1x16xf32>,
    }
    %scan3A_8 = arith.constant 128 : i32
    %scan3A_9 = arith.constant 0 : i32
    %scan3A_10 = arith.constant 0 : i32
    %scan3A_11 = arith.constant 5 : i32
    %scan3A_12 = arith.addi %scan3A_10, %scan3A_11 : i32
    %scan3A_13 = arith.constant 1 : i32
    scf.for %scan3A_63 = %scan3A_10 to %scan3A_12 step %scan3A_13  : i32 {
      %mul3A_64 = arith.constant 640 : i32
      %mul3A_65 = arith.muli %arg1, %mul3A_64 : i32
      %mul3A_66 = arith.constant 128 : i32
      %mul3A_67 = arith.muli %scan3A_63, %mul3A_66 : i32
      %add3A_68 = arith.addi %mul3A_65, %mul3A_67 : i32
      "tpu.region"() ({
        %run_scoped3A_69 = tpu.sem_alloc : memref<!tpu.dma_semaphore, #tpu.memory_space<semaphore_mem>>
        %dma_start3A_70 = arith.constant 0 : i32
        %dma_start3A_71 = tpu.memref_slice %arg9[%add3A_68, %dma_start3A_70] : memref<10240x128xf32, #tpu.memory_space<vmem_shared>> -> memref<128x128xf32, #tpu.memory_space<vmem_shared>>
        %dma_start3A_72 = arith.constant 0 : i32
        %dma_start3A_73 = tpu.memref_slice %arg9[%add3A_68, %dma_start3A_72] : memref<10240x128xf32, #tpu.memory_space<vmem_shared>> -> memref<128x128xf32, #tpu.memory_space<vmem_shared>>
        tpu.enqueue_dma source(%arg7 : memref<128x128xf32, #tpu.memory_space<vmem>>) target(%dma_start3A_73 : memref<128x128xf32, #tpu.memory_space<vmem_shared>>) target_semaphore(%run_scoped3A_69 : memref<!tpu.dma_semaphore, #tpu.memory_space<semaphore_mem>>)
        %dma_wait3A = arith.constant 0 : i32
        %dma_wait3A_74 = tpu.memref_slice %arg9[%add3A_68, %dma_wait3A] : memref<10240x128xf32, #tpu.memory_space<vmem_shared>> -> memref<128x128xf32, #tpu.memory_space<vmem_shared>>
        %dma_wait3A_75 = arith.constant 0 : i32
        %dma_wait3A_76 = tpu.memref_slice %arg9[%add3A_68, %dma_wait3A_75] : memref<10240x128xf32, #tpu.memory_space<vmem_shared>> -> memref<128x128xf32, #tpu.memory_space<vmem_shared>>
        tpu.wait_dma2 semaphore(%run_scoped3A_69 : memref<!tpu.dma_semaphore, #tpu.memory_space<semaphore_mem>>) src(%arg7 : memref<128x128xf32, #tpu.memory_space<vmem>>) dst(%dma_wait3A_76 : memref<128x128xf32, #tpu.memory_space<vmem_shared>>)
        tpu.yield
      }) : () -> ()
    }
    %scan3A_14 = arith.constant 5 : i32
    %run_scoped3A = arith.constant 1 : i32
    "tpu.region"() ({
      %run_scoped3A_63 = tpu.sem_alloc : memref<!tpu.dma_semaphore, #tpu.memory_space<semaphore_mem>>
      %dma_start3A_64 = arith.constant 0 : i32
      %dma_start3A_65 = tpu.memref_slice %arg5[%dma_start3A_64] : memref<10112xi32, #tpu.memory_space<vmem>> -> memref<9984xi32, #tpu.memory_space<vmem>>
      %dma_start3A_66 = tpu.memref_slice %arg3[%run_scoped3A, %mul3A_2] : memref<2x320000xi32, #tpu.memory_space<hbm>> -> memref<1x9984xi32, #tpu.memory_space<hbm>>
      %dma_start3A_67 = tpu.memref_squeeze %dma_start3A_66 : memref<1x9984xi32, #tpu.memory_space<hbm>> -> memref<9984xi32, #tpu.memory_space<hbm>>
      %dma_start3A_68 = arith.constant 0 : i32
      %dma_start3A_69 = tpu.memref_slice %arg5[%dma_start3A_68] : memref<10112xi32, #tpu.memory_space<vmem>> -> memref<9984xi32, #tpu.memory_space<vmem>>
      %dma_start3A_70 = tpu.memref_slice %arg3[%run_scoped3A, %mul3A_2] : memref<2x320000xi32, #tpu.memory_space<hbm>> -> memref<1x9984xi32, #tpu.memory_space<hbm>>
      %dma_start3A_71 = tpu.memref_squeeze %dma_start3A_70 : memref<1x9984xi32, #tpu.memory_space<hbm>> -> memref<9984xi32, #tpu.memory_space<hbm>>
      tpu.enqueue_dma source(%dma_start3A_71 : memref<9984xi32, #tpu.memory_space<hbm>>) target(%dma_start3A_69 : memref<9984xi32, #tpu.memory_space<vmem>>) target_semaphore(%run_scoped3A_63 : memref<!tpu.dma_semaphore, #tpu.memory_space<semaphore_mem>>)
      %dma_wait3A = arith.constant 0 : i32
      %dma_wait3A_72 = tpu.memref_slice %arg5[%dma_wait3A] : memref<10112xi32, #tpu.memory_space<vmem>> -> memref<9984xi32, #tpu.memory_space<vmem>>
      %dma_wait3A_73 = tpu.memref_slice %arg3[%run_scoped3A, %mul3A_2] : memref<2x320000xi32, #tpu.memory_space<hbm>> -> memref<1x9984xi32, #tpu.memory_space<hbm>>
      %dma_wait3A_74 = tpu.memref_squeeze %dma_wait3A_73 : memref<1x9984xi32, #tpu.memory_space<hbm>> -> memref<9984xi32, #tpu.memory_space<hbm>>
      %dma_wait3A_75 = arith.constant 0 : i32
      %dma_wait3A_76 = tpu.memref_slice %arg5[%dma_wait3A_75] : memref<10112xi32, #tpu.memory_space<vmem>> -> memref<9984xi32, #tpu.memory_space<vmem>>
      %dma_wait3A_77 = tpu.memref_slice %arg3[%run_scoped3A, %mul3A_2] : memref<2x320000xi32, #tpu.memory_space<hbm>> -> memref<1x9984xi32, #tpu.memory_space<hbm>>
      %dma_wait3A_78 = tpu.memref_squeeze %dma_wait3A_77 : memref<1x9984xi32, #tpu.memory_space<hbm>> -> memref<9984xi32, #tpu.memory_space<hbm>>
      tpu.wait_dma2 semaphore(%run_scoped3A_63 : memref<!tpu.dma_semaphore, #tpu.memory_space<semaphore_mem>>) src(%dma_wait3A_78 : memref<9984xi32, #tpu.memory_space<hbm>>) dst(%dma_wait3A_76 : memref<9984xi32, #tpu.memory_space<vmem>>)
      tpu.yield
    }) : () -> ()
    %barrier3A = arith.constant 0 : index
    tpu.barrier barrier_id(%barrier3A)
    %lt3A = arith.constant 4 : i32
    %lt3A_15 = arith.cmpi slt, %add3A, %lt3A : i32
    %convert_element_type3A = arith.extui %lt3A_15 : i1 to i32
    %cond3A = arith.constant 0 : i32
    %cond3A_16 = arith.cmpi ne, %convert_element_type3A, %cond3A : i32
    scf.if %cond3A_16 {
      %add3A_63 = arith.constant 2496 : i32
      %add3A_64 = arith.addi %add3A_63, %add3A : i32
      %mul3A_65 = arith.constant 128 : i32
      %mul3A_66 = arith.muli %add3A_64, %mul3A_65 : i32
      %run_scoped3A_67 = arith.constant 1 : i32
      "tpu.region"() ({
        %run_scoped3A_80 = tpu.sem_alloc : memref<!tpu.dma_semaphore, #tpu.memory_space<semaphore_mem>>
        %dma_start3A_81 = arith.constant 9984 : i32
        %dma_start3A_82 = tpu.memref_slice %arg5[%dma_start3A_81] : memref<10112xi32, #tpu.memory_space<vmem>> -> memref<128xi32, #tpu.memory_space<vmem>>
        %dma_start3A_83 = tpu.memref_slice %arg3[%run_scoped3A_67, %mul3A_66] : memref<2x320000xi32, #tpu.memory_space<hbm>> -> memref<1x128xi32, #tpu.memory_space<hbm>>
        %dma_start3A_84 = tpu.memref_squeeze %dma_start3A_83 : memref<1x128xi32, #tpu.memory_space<hbm>> -> memref<128xi32, #tpu.memory_space<hbm>>
        %dma_start3A_85 = arith.constant 9984 : i32
        %dma_start3A_86 = tpu.memref_slice %arg5[%dma_start3A_85] : memref<10112xi32, #tpu.memory_space<vmem>> -> memref<128xi32, #tpu.memory_space<vmem>>
        %dma_start3A_87 = tpu.memref_slice %arg3[%run_scoped3A_67, %mul3A_66] : memref<2x320000xi32, #tpu.memory_space<hbm>> -> memref<1x128xi32, #tpu.memory_space<hbm>>
        %dma_start3A_88 = tpu.memref_squeeze %dma_start3A_87 : memref<1x128xi32, #tpu.memory_space<hbm>> -> memref<128xi32, #tpu.memory_space<hbm>>
        tpu.enqueue_dma source(%dma_start3A_88 : memref<128xi32, #tpu.memory_space<hbm>>) target(%dma_start3A_86 : memref<128xi32, #tpu.memory_space<vmem>>) target_semaphore(%run_scoped3A_80 : memref<!tpu.dma_semaphore, #tpu.memory_space<semaphore_mem>>)
        %dma_wait3A_89 = arith.constant 9984 : i32
        %dma_wait3A_90 = tpu.memref_slice %arg5[%dma_wait3A_89] : memref<10112xi32, #tpu.memory_space<vmem>> -> memref<128xi32, #tpu.memory_space<vmem>>
        %dma_wait3A_91 = tpu.memref_slice %arg3[%run_scoped3A_67, %mul3A_66] : memref<2x320000xi32, #tpu.memory_space<hbm>> -> memref<1x128xi32, #tpu.memory_space<hbm>>
        %dma_wait3A_92 = tpu.memref_squeeze %dma_wait3A_91 : memref<1x128xi32, #tpu.memory_space<hbm>> -> memref<128xi32, #tpu.memory_space<hbm>>
        %dma_wait3A_93 = arith.constant 9984 : i32
        %dma_wait3A_94 = tpu.memref_slice %arg5[%dma_wait3A_93] : memref<10112xi32, #tpu.memory_space<vmem>> -> memref<128xi32, #tpu.memory_space<vmem>>
        %dma_wait3A_95 = tpu.memref_slice %arg3[%run_scoped3A_67, %mul3A_66] : memref<2x320000xi32, #tpu.memory_space<hbm>> -> memref<1x128xi32, #tpu.memory_space<hbm>>
        %dma_wait3A_96 = tpu.memref_squeeze %dma_wait3A_95 : memref<1x128xi32, #tpu.memory_space<hbm>> -> memref<128xi32, #tpu.memory_space<hbm>>
        tpu.wait_dma2 semaphore(%run_scoped3A_80 : memref<!tpu.dma_semaphore, #tpu.memory_space<semaphore_mem>>) src(%dma_wait3A_96 : memref<128xi32, #tpu.memory_space<hbm>>) dst(%dma_wait3A_94 : memref<128xi32, #tpu.memory_space<vmem>>)
        tpu.yield
      }) : () -> ()
      %run_scoped3A_68 = arith.constant 0 : i32
      %run_scoped3A_69 = arith.constant 0 : i32
      "tpu.region"() ({
        %run_scoped3A_80 = tpu.sem_alloc : memref<!tpu.dma_semaphore, #tpu.memory_space<semaphore_mem>>
        %dma_start3A_81 = arith.constant 0 : i32
        %dma_start3A_82 = tpu.memref_slice %arg6[%run_scoped3A_69, %dma_start3A_81] : memref<2x128xi32, #tpu.memory_space<vmem>> -> memref<1x128xi32, #tpu.memory_space<vmem>>
        %dma_start3A_83 = tpu.memref_squeeze %dma_start3A_82 : memref<1x128xi32, #tpu.memory_space<vmem>> -> memref<128xi32, #tpu.memory_space<vmem>>
        %dma_start3A_84 = tpu.memref_slice %arg3[%run_scoped3A_68, %mul3A_66] : memref<2x320000xi32, #tpu.memory_space<hbm>> -> memref<1x128xi32, #tpu.memory_space<hbm>>
        %dma_start3A_85 = tpu.memref_squeeze %dma_start3A_84 : memref<1x128xi32, #tpu.memory_space<hbm>> -> memref<128xi32, #tpu.memory_space<hbm>>
        %dma_start3A_86 = arith.constant 0 : i32
        %dma_start3A_87 = tpu.memref_slice %arg6[%run_scoped3A_69, %dma_start3A_86] : memref<2x128xi32, #tpu.memory_space<vmem>> -> memref<1x128xi32, #tpu.memory_space<vmem>>
        %dma_start3A_88 = tpu.memref_squeeze %dma_start3A_87 : memref<1x128xi32, #tpu.memory_space<vmem>> -> memref<128xi32, #tpu.memory_space<vmem>>
        %dma_start3A_89 = tpu.memref_slice %arg3[%run_scoped3A_68, %mul3A_66] : memref<2x320000xi32, #tpu.memory_space<hbm>> -> memref<1x128xi32, #tpu.memory_space<hbm>>
        %dma_start3A_90 = tpu.memref_squeeze %dma_start3A_89 : memref<1x128xi32, #tpu.memory_space<hbm>> -> memref<128xi32, #tpu.memory_space<hbm>>
        tpu.enqueue_dma source(%dma_start3A_90 : memref<128xi32, #tpu.memory_space<hbm>>) target(%dma_start3A_88 : memref<128xi32, #tpu.memory_space<vmem>>) target_semaphore(%run_scoped3A_80 : memref<!tpu.dma_semaphore, #tpu.memory_space<semaphore_mem>>)
        %dma_wait3A_91 = arith.constant 0 : i32
        %dma_wait3A_92 = tpu.memref_slice %arg6[%run_scoped3A_69, %dma_wait3A_91] : memref<2x128xi32, #tpu.memory_space<vmem>> -> memref<1x128xi32, #tpu.memory_space<vmem>>
        %dma_wait3A_93 = tpu.memref_squeeze %dma_wait3A_92 : memref<1x128xi32, #tpu.memory_space<vmem>> -> memref<128xi32, #tpu.memory_space<vmem>>
        %dma_wait3A_94 = tpu.memref_slice %arg3[%run_scoped3A_68, %mul3A_66] : memref<2x320000xi32, #tpu.memory_space<hbm>> -> memref<1x128xi32, #tpu.memory_space<hbm>>
        %dma_wait3A_95 = tpu.memref_squeeze %dma_wait3A_94 : memref<1x128xi32, #tpu.memory_space<hbm>> -> memref<128xi32, #tpu.memory_space<hbm>>
        %dma_wait3A_96 = arith.constant 0 : i32
        %dma_wait3A_97 = tpu.memref_slice %arg6[%run_scoped3A_69, %dma_wait3A_96] : memref<2x128xi32, #tpu.memory_space<vmem>> -> memref<1x128xi32, #tpu.memory_space<vmem>>
        %dma_wait3A_98 = tpu.memref_squeeze %dma_wait3A_97 : memref<1x128xi32, #tpu.memory_space<vmem>> -> memref<128xi32, #tpu.memory_space<vmem>>
        %dma_wait3A_99 = tpu.memref_slice %arg3[%run_scoped3A_68, %mul3A_66] : memref<2x320000xi32, #tpu.memory_space<hbm>> -> memref<1x128xi32, #tpu.memory_space<hbm>>
        %dma_wait3A_100 = tpu.memref_squeeze %dma_wait3A_99 : memref<1x128xi32, #tpu.memory_space<hbm>> -> memref<128xi32, #tpu.memory_space<hbm>>
        tpu.wait_dma2 semaphore(%run_scoped3A_80 : memref<!tpu.dma_semaphore, #tpu.memory_space<semaphore_mem>>) src(%dma_wait3A_100 : memref<128xi32, #tpu.memory_space<hbm>>) dst(%dma_wait3A_98 : memref<128xi32, #tpu.memory_space<vmem>>)
        tpu.yield
      }) : () -> ()
      %dma_start3A_70 = arith.constant 9984 : i32
      %dma_start3A_71 = tpu.memref_slice %arg5[%dma_start3A_70] : memref<10112xi32, #tpu.memory_space<vmem>> -> memref<128xi32, #tpu.memory_space<vmem>>
      %dma_start3A_72 = arith.constant 0 : i32
      %dma_start3A_73 = arith.constant 0 : i32
      %dma_start3A_74 = tpu.memref_slice %arg2[%dma_start3A_72, %dma_start3A_73] : memref<10240x128xf32, #tpu.memory_space<hbm>> -> memref<10240x128xf32, #tpu.memory_space<hbm>>
      tpu.enqueue_indirect_dma source(%dma_start3A_74 : memref<10240x128xf32, #tpu.memory_space<hbm>>) target(%arg7 : memref<128x128xf32, #tpu.memory_space<vmem>>) offsets(%dma_start3A_71 : memref<128xi32, #tpu.memory_space<vmem>>) semaphore(%arg10 : memref<!tpu.dma_semaphore, #tpu.memory_space<semaphore_mem>>)
      %dma_wait3A = arith.constant 9984 : i32
      %dma_wait3A_75 = tpu.memref_slice %arg5[%dma_wait3A] : memref<10112xi32, #tpu.memory_space<vmem>> -> memref<128xi32, #tpu.memory_space<vmem>>
      %dma_wait3A_76 = arith.constant 0 : i32
      %dma_wait3A_77 = arith.constant 0 : i32
      %dma_wait3A_78 = tpu.memref_slice %arg2[%dma_wait3A_76, %dma_wait3A_77] : memref<10240x128xf32, #tpu.memory_space<hbm>> -> memref<10240x128xf32, #tpu.memory_space<hbm>>
      tpu.wait_indirect_dma semaphore(%arg10 : memref<!tpu.dma_semaphore, #tpu.memory_space<semaphore_mem>>) src(%dma_wait3A_78 : memref<10240x128xf32, #tpu.memory_space<hbm>>) dst(%arg7 : memref<128x128xf32, #tpu.memory_space<vmem>>)
      %run_scoped3A_79 = arith.constant 0 : i32
      "tpu.region"() ({
        %run_scoped3A_80 = tpu.sem_alloc : memref<!tpu.dma_semaphore, #tpu.memory_space<semaphore_mem>>
        %dma_start3A_81 = arith.constant 0 : i32
        %dma_start3A_82 = tpu.memref_slice %arg6[%run_scoped3A_79, %dma_start3A_81] : memref<2x128xi32, #tpu.memory_space<vmem>> -> memref<1x128xi32, #tpu.memory_space<vmem>>
        %dma_start3A_83 = tpu.memref_squeeze %dma_start3A_82 : memref<1x128xi32, #tpu.memory_space<vmem>> -> memref<128xi32, #tpu.memory_space<vmem>>
        %dma_start3A_84 = arith.constant 0 : i32
        %dma_start3A_85 = arith.constant 0 : i32
        %dma_start3A_86 = tpu.memref_slice %arg9[%dma_start3A_84, %dma_start3A_85] : memref<10240x128xf32, #tpu.memory_space<vmem_shared>> -> memref<10240x128xf32, #tpu.memory_space<vmem_shared>>
        tpu.enqueue_indirect_dma source(%arg7 : memref<128x128xf32, #tpu.memory_space<vmem>>) target(%dma_start3A_86 : memref<10240x128xf32, #tpu.memory_space<vmem_shared>>) offsets(%dma_start3A_83 : memref<128xi32, #tpu.memory_space<vmem>>) semaphore(%run_scoped3A_80 : memref<!tpu.dma_semaphore, #tpu.memory_space<semaphore_mem>>) {add = true}
        %dma_wait3A_87 = arith.constant 0 : i32
        %dma_wait3A_88 = tpu.memref_slice %arg6[%run_scoped3A_79, %dma_wait3A_87] : memref<2x128xi32, #tpu.memory_space<vmem>> -> memref<1x128xi32, #tpu.memory_space<vmem>>
        %dma_wait3A_89 = tpu.memref_squeeze %dma_wait3A_88 : memref<1x128xi32, #tpu.memory_space<vmem>> -> memref<128xi32, #tpu.memory_space<vmem>>
        %dma_wait3A_90 = arith.constant 0 : i32
        %dma_wait3A_91 = arith.constant 0 : i32
        %dma_wait3A_92 = tpu.memref_slice %arg9[%dma_wait3A_90, %dma_wait3A_91] : memref<10240x128xf32, #tpu.memory_space<vmem_shared>> -> memref<10240x128xf32, #tpu.memory_space<vmem_shared>>
        tpu.wait_indirect_dma semaphore(%run_scoped3A_80 : memref<!tpu.dma_semaphore, #tpu.memory_space<semaphore_mem>>) src(%arg7 : memref<128x128xf32, #tpu.memory_space<vmem>>) dst(%dma_wait3A_92 : memref<10240x128xf32, #tpu.memory_space<vmem_shared>>)
        tpu.yield
      }) : () -> ()
    } else {
    }
    %dma_start3A = arith.constant 0 : i32
    %dma_start3A_17 = arith.constant 0 : i32
    %dma_start3A_18 = arith.constant 0 : i32
    %dma_start3A_19 = tpu.memref_slice %arg6[%dma_start3A_17, %dma_start3A_18] : memref<2x128xi32, #tpu.memory_space<vmem>> -> memref<1x128xi32, #tpu.memory_space<vmem>>
    %dma_start3A_20 = tpu.memref_squeeze %dma_start3A_19 : memref<1x128xi32, #tpu.memory_space<vmem>> -> memref<128xi32, #tpu.memory_space<vmem>>
    %dma_start3A_21 = tpu.memref_slice %arg3[%dma_start3A, %mul3A_2] : memref<2x320000xi32, #tpu.memory_space<hbm>> -> memref<1x128xi32, #tpu.memory_space<hbm>>
    %dma_start3A_22 = tpu.memref_squeeze %dma_start3A_21 : memref<1x128xi32, #tpu.memory_space<hbm>> -> memref<128xi32, #tpu.memory_space<hbm>>
    %dma_start3A_23 = arith.constant 0 : i32
    %dma_start3A_24 = tpu.memref_slice %arg6[%dma_start3A_17, %dma_start3A_23] : memref<2x128xi32, #tpu.memory_space<vmem>> -> memref<1x128xi32, #tpu.memory_space<vmem>>
    %dma_start3A_25 = tpu.memref_squeeze %dma_start3A_24 : memref<1x128xi32, #tpu.memory_space<vmem>> -> memref<128xi32, #tpu.memory_space<vmem>>
    %dma_start3A_26 = tpu.memref_slice %arg3[%dma_start3A, %mul3A_2] : memref<2x320000xi32, #tpu.memory_space<hbm>> -> memref<1x128xi32, #tpu.memory_space<hbm>>
    %dma_start3A_27 = tpu.memref_squeeze %dma_start3A_26 : memref<1x128xi32, #tpu.memory_space<hbm>> -> memref<128xi32, #tpu.memory_space<hbm>>
    tpu.enqueue_dma source(%dma_start3A_27 : memref<128xi32, #tpu.memory_space<hbm>>) target(%dma_start3A_25 : memref<128xi32, #tpu.memory_space<vmem>>) target_semaphore(%arg12 : memref<!tpu.dma_semaphore, #tpu.memory_space<semaphore_mem>>)
    %add3A_28 = arith.constant 128 : i32
    %add3A_29 = arith.addi %mul3A_2, %add3A_28 : i32
    %dma_start3A_30 = arith.constant 0 : i32
    %dma_start3A_31 = arith.constant 1 : i32
    %dma_start3A_32 = arith.constant 0 : i32
    %dma_start3A_33 = tpu.memref_slice %arg6[%dma_start3A_31, %dma_start3A_32] : memref<2x128xi32, #tpu.memory_space<vmem>> -> memref<1x128xi32, #tpu.memory_space<vmem>>
    %dma_start3A_34 = tpu.memref_squeeze %dma_start3A_33 : memref<1x128xi32, #tpu.memory_space<vmem>> -> memref<128xi32, #tpu.memory_space<vmem>>
    %dma_start3A_35 = tpu.memref_slice %arg3[%dma_start3A_30, %add3A_29] : memref<2x320000xi32, #tpu.memory_space<hbm>> -> memref<1x128xi32, #tpu.memory_space<hbm>>
    %dma_start3A_36 = tpu.memref_squeeze %dma_start3A_35 : memref<1x128xi32, #tpu.memory_space<hbm>> -> memref<128xi32, #tpu.memory_space<hbm>>
    %dma_start3A_37 = arith.constant 0 : i32
    %dma_start3A_38 = tpu.memref_slice %arg6[%dma_start3A_31, %dma_start3A_37] : memref<2x128xi32, #tpu.memory_space<vmem>> -> memref<1x128xi32, #tpu.memory_space<vmem>>
    %dma_start3A_39 = tpu.memref_squeeze %dma_start3A_38 : memref<1x128xi32, #tpu.memory_space<vmem>> -> memref<128xi32, #tpu.memory_space<vmem>>
    %dma_start3A_40 = tpu.memref_slice %arg3[%dma_start3A_30, %add3A_29] : memref<2x320000xi32, #tpu.memory_space<hbm>> -> memref<1x128xi32, #tpu.memory_space<hbm>>
    %dma_start3A_41 = tpu.memref_squeeze %dma_start3A_40 : memref<1x128xi32, #tpu.memory_space<hbm>> -> memref<128xi32, #tpu.memory_space<hbm>>
    tpu.enqueue_dma source(%dma_start3A_41 : memref<128xi32, #tpu.memory_space<hbm>>) target(%dma_start3A_39 : memref<128xi32, #tpu.memory_space<vmem>>) target_semaphore(%arg13 : memref<!tpu.dma_semaphore, #tpu.memory_space<semaphore_mem>>)
    %dma_start3A_42 = arith.constant 0 : i32
    %dma_start3A_43 = tpu.memref_slice %arg5[%dma_start3A_42] : memref<10112xi32, #tpu.memory_space<vmem>> -> memref<128xi32, #tpu.memory_space<vmem>>
    %dma_start3A_44 = arith.constant 0 : i32
    %dma_start3A_45 = arith.constant 0 : i32
    %dma_start3A_46 = tpu.memref_slice %arg2[%dma_start3A_44, %dma_start3A_45] : memref<10240x128xf32, #tpu.memory_space<hbm>> -> memref<10240x128xf32, #tpu.memory_space<hbm>>
    tpu.enqueue_indirect_dma source(%dma_start3A_46 : memref<10240x128xf32, #tpu.memory_space<hbm>>) target(%arg7 : memref<128x128xf32, #tpu.memory_space<vmem>>) offsets(%dma_start3A_43 : memref<128xi32, #tpu.memory_space<vmem>>) semaphore(%arg10 : memref<!tpu.dma_semaphore, #tpu.memory_space<semaphore_mem>>)
    %dma_start3A_47 = arith.constant 128 : i32
    %dma_start3A_48 = tpu.memref_slice %arg5[%dma_start3A_47] : memref<10112xi32, #tpu.memory_space<vmem>> -> memref<128xi32, #tpu.memory_space<vmem>>
    %dma_start3A_49 = arith.constant 0 : i32
    %dma_start3A_50 = arith.constant 0 : i32
    %dma_start3A_51 = tpu.memref_slice %arg2[%dma_start3A_49, %dma_start3A_50] : memref<10240x128xf32, #tpu.memory_space<hbm>> -> memref<10240x128xf32, #tpu.memory_space<hbm>>
    tpu.enqueue_indirect_dma source(%dma_start3A_51 : memref<10240x128xf32, #tpu.memory_space<hbm>>) target(%arg8 : memref<128x128xf32, #tpu.memory_space<vmem>>) offsets(%dma_start3A_48 : memref<128xi32, #tpu.memory_space<vmem>>) semaphore(%arg11 : memref<!tpu.dma_semaphore, #tpu.memory_space<semaphore_mem>>)
    %scan3A_52 = arith.constant 0 : i32
    %scan3A_53 = arith.constant 0 : i32
    %scan3A_54 = arith.constant 39 : i32
    %scan3A_55 = arith.addi %scan3A_53, %scan3A_54 : i32
    %scan3A_56 = arith.constant 1 : i32
    scf.for %scan3A_63 = %scan3A_53 to %scan3A_55 step %scan3A_56  : i32 {
      %mul3A_64 = arith.constant 2 : i32
      %mul3A_65 = arith.muli %mul3A_64, %scan3A_63 : i32
      %mul3A_66 = arith.constant 128 : i32
      %mul3A_67 = arith.muli %mul3A_65, %mul3A_66 : i32
      %dma_wait3A = tpu.memref_slice %arg5[%mul3A_67] : memref<10112xi32, #tpu.memory_space<vmem>> -> memref<128xi32, #tpu.memory_space<vmem>>
      %dma_wait3A_68 = arith.constant 0 : i32
      %dma_wait3A_69 = arith.constant 0 : i32
      %dma_wait3A_70 = tpu.memref_slice %arg2[%dma_wait3A_68, %dma_wait3A_69] : memref<10240x128xf32, #tpu.memory_space<hbm>> -> memref<10240x128xf32, #tpu.memory_space<hbm>>
      tpu.wait_indirect_dma semaphore(%arg10 : memref<!tpu.dma_semaphore, #tpu.memory_space<semaphore_mem>>) src(%dma_wait3A_70 : memref<10240x128xf32, #tpu.memory_space<hbm>>) dst(%arg7 : memref<128x128xf32, #tpu.memory_space<vmem>>)
      %mul3A_71 = arith.constant 128 : i32
      %mul3A_72 = arith.muli %mul3A_65, %mul3A_71 : i32
      %add3A_73 = arith.addi %mul3A_2, %mul3A_72 : i32
      %dma_wait3A_74 = arith.constant 0 : i32
      %dma_wait3A_75 = arith.constant 0 : i32
      %dma_wait3A_76 = arith.constant 0 : i32
      %dma_wait3A_77 = tpu.memref_slice %arg6[%dma_wait3A_75, %dma_wait3A_76] : memref<2x128xi32, #tpu.memory_space<vmem>> -> memref<1x128xi32, #tpu.memory_space<vmem>>
      %dma_wait3A_78 = tpu.memref_squeeze %dma_wait3A_77 : memref<1x128xi32, #tpu.memory_space<vmem>> -> memref<128xi32, #tpu.memory_space<vmem>>
      %dma_wait3A_79 = tpu.memref_slice %arg3[%dma_wait3A_74, %add3A_73] : memref<2x320000xi32, #tpu.memory_space<hbm>> -> memref<1x128xi32, #tpu.memory_space<hbm>>
      %dma_wait3A_80 = tpu.memref_squeeze %dma_wait3A_79 : memref<1x128xi32, #tpu.memory_space<hbm>> -> memref<128xi32, #tpu.memory_space<hbm>>
      %dma_wait3A_81 = arith.constant 0 : i32
      %dma_wait3A_82 = tpu.memref_slice %arg6[%dma_wait3A_75, %dma_wait3A_81] : memref<2x128xi32, #tpu.memory_space<vmem>> -> memref<1x128xi32, #tpu.memory_space<vmem>>
      %dma_wait3A_83 = tpu.memref_squeeze %dma_wait3A_82 : memref<1x128xi32, #tpu.memory_space<vmem>> -> memref<128xi32, #tpu.memory_space<vmem>>
      %dma_wait3A_84 = tpu.memref_slice %arg3[%dma_wait3A_74, %add3A_73] : memref<2x320000xi32, #tpu.memory_space<hbm>> -> memref<1x128xi32, #tpu.memory_space<hbm>>
      %dma_wait3A_85 = tpu.memref_squeeze %dma_wait3A_84 : memref<1x128xi32, #tpu.memory_space<hbm>> -> memref<128xi32, #tpu.memory_space<hbm>>
      tpu.wait_dma2 semaphore(%arg12 : memref<!tpu.dma_semaphore, #tpu.memory_space<semaphore_mem>>) src(%dma_wait3A_85 : memref<128xi32, #tpu.memory_space<hbm>>) dst(%dma_wait3A_83 : memref<128xi32, #tpu.memory_space<vmem>>)
      %run_scoped3A_86 = arith.constant 0 : i32
      "tpu.region"() ({
        %run_scoped3A_123 = tpu.sem_alloc : memref<!tpu.dma_semaphore, #tpu.memory_space<semaphore_mem>>
        %dma_start3A_124 = arith.constant 0 : i32
        %dma_start3A_125 = tpu.memref_slice %arg6[%run_scoped3A_86, %dma_start3A_124] : memref<2x128xi32, #tpu.memory_space<vmem>> -> memref<1x128xi32, #tpu.memory_space<vmem>>
        %dma_start3A_126 = tpu.memref_squeeze %dma_start3A_125 : memref<1x128xi32, #tpu.memory_space<vmem>> -> memref<128xi32, #tpu.memory_space<vmem>>
        %dma_start3A_127 = arith.constant 0 : i32
        %dma_start3A_128 = arith.constant 0 : i32
        %dma_start3A_129 = tpu.memref_slice %arg9[%dma_start3A_127, %dma_start3A_128] : memref<10240x128xf32, #tpu.memory_space<vmem_shared>> -> memref<10240x128xf32, #tpu.memory_space<vmem_shared>>
        tpu.enqueue_indirect_dma source(%arg7 : memref<128x128xf32, #tpu.memory_space<vmem>>) target(%dma_start3A_129 : memref<10240x128xf32, #tpu.memory_space<vmem_shared>>) offsets(%dma_start3A_126 : memref<128xi32, #tpu.memory_space<vmem>>) semaphore(%run_scoped3A_123 : memref<!tpu.dma_semaphore, #tpu.memory_space<semaphore_mem>>) {add = true}
        %dma_wait3A_130 = arith.constant 0 : i32
        %dma_wait3A_131 = tpu.memref_slice %arg6[%run_scoped3A_86, %dma_wait3A_130] : memref<2x128xi32, #tpu.memory_space<vmem>> -> memref<1x128xi32, #tpu.memory_space<vmem>>
        %dma_wait3A_132 = tpu.memref_squeeze %dma_wait3A_131 : memref<1x128xi32, #tpu.memory_space<vmem>> -> memref<128xi32, #tpu.memory_space<vmem>>
        %dma_wait3A_133 = arith.constant 0 : i32
        %dma_wait3A_134 = arith.constant 0 : i32
        %dma_wait3A_135 = tpu.memref_slice %arg9[%dma_wait3A_133, %dma_wait3A_134] : memref<10240x128xf32, #tpu.memory_space<vmem_shared>> -> memref<10240x128xf32, #tpu.memory_space<vmem_shared>>
        tpu.wait_indirect_dma semaphore(%run_scoped3A_123 : memref<!tpu.dma_semaphore, #tpu.memory_space<semaphore_mem>>) src(%arg7 : memref<128x128xf32, #tpu.memory_space<vmem>>) dst(%dma_wait3A_135 : memref<10240x128xf32, #tpu.memory_space<vmem_shared>>)
        tpu.yield
      }) : () -> ()
      %lt3A_87 = arith.constant 38 : i32
      %lt3A_88 = arith.cmpi slt, %scan3A_63, %lt3A_87 : i32
      %convert_element_type3A_89 = arith.extui %lt3A_88 : i1 to i32
      %cond3A_90 = arith.constant 0 : i32
      %cond3A_91 = arith.cmpi ne, %convert_element_type3A_89, %cond3A_90 : i32
      scf.if %cond3A_91 {
        %add3A_123 = arith.constant 2 : i32
        %add3A_124 = arith.addi %mul3A_65, %add3A_123 : i32
        %mul3A_125 = arith.constant 128 : i32
        %mul3A_126 = arith.muli %add3A_124, %mul3A_125 : i32
        %add3A_127 = arith.addi %mul3A_2, %mul3A_126 : i32
        %dma_start3A_128 = arith.constant 0 : i32
        %dma_start3A_129 = arith.constant 0 : i32
        %dma_start3A_130 = arith.constant 0 : i32
        %dma_start3A_131 = tpu.memref_slice %arg6[%dma_start3A_129, %dma_start3A_130] : memref<2x128xi32, #tpu.memory_space<vmem>> -> memref<1x128xi32, #tpu.memory_space<vmem>>
        %dma_start3A_132 = tpu.memref_squeeze %dma_start3A_131 : memref<1x128xi32, #tpu.memory_space<vmem>> -> memref<128xi32, #tpu.memory_space<vmem>>
        %dma_start3A_133 = tpu.memref_slice %arg3[%dma_start3A_128, %add3A_127] : memref<2x320000xi32, #tpu.memory_space<hbm>> -> memref<1x128xi32, #tpu.memory_space<hbm>>
        %dma_start3A_134 = tpu.memref_squeeze %dma_start3A_133 : memref<1x128xi32, #tpu.memory_space<hbm>> -> memref<128xi32, #tpu.memory_space<hbm>>
        %dma_start3A_135 = arith.constant 0 : i32
        %dma_start3A_136 = tpu.memref_slice %arg6[%dma_start3A_129, %dma_start3A_135] : memref<2x128xi32, #tpu.memory_space<vmem>> -> memref<1x128xi32, #tpu.memory_space<vmem>>
        %dma_start3A_137 = tpu.memref_squeeze %dma_start3A_136 : memref<1x128xi32, #tpu.memory_space<vmem>> -> memref<128xi32, #tpu.memory_space<vmem>>
        %dma_start3A_138 = tpu.memref_slice %arg3[%dma_start3A_128, %add3A_127] : memref<2x320000xi32, #tpu.memory_space<hbm>> -> memref<1x128xi32, #tpu.memory_space<hbm>>
        %dma_start3A_139 = tpu.memref_squeeze %dma_start3A_138 : memref<1x128xi32, #tpu.memory_space<hbm>> -> memref<128xi32, #tpu.memory_space<hbm>>
        tpu.enqueue_dma source(%dma_start3A_139 : memref<128xi32, #tpu.memory_space<hbm>>) target(%dma_start3A_137 : memref<128xi32, #tpu.memory_space<vmem>>) target_semaphore(%arg12 : memref<!tpu.dma_semaphore, #tpu.memory_space<semaphore_mem>>)
        %add3A_140 = arith.constant 2 : i32
        %add3A_141 = arith.addi %mul3A_65, %add3A_140 : i32
        %mul3A_142 = arith.constant 128 : i32
        %mul3A_143 = arith.muli %add3A_141, %mul3A_142 : i32
        %dma_start3A_144 = tpu.memref_slice %arg5[%mul3A_143] : memref<10112xi32, #tpu.memory_space<vmem>> -> memref<128xi32, #tpu.memory_space<vmem>>
        %dma_start3A_145 = arith.constant 0 : i32
        %dma_start3A_146 = arith.constant 0 : i32
        %dma_start3A_147 = tpu.memref_slice %arg2[%dma_start3A_145, %dma_start3A_146] : memref<10240x128xf32, #tpu.memory_space<hbm>> -> memref<10240x128xf32, #tpu.memory_space<hbm>>
        tpu.enqueue_indirect_dma source(%dma_start3A_147 : memref<10240x128xf32, #tpu.memory_space<hbm>>) target(%arg7 : memref<128x128xf32, #tpu.memory_space<vmem>>) offsets(%dma_start3A_144 : memref<128xi32, #tpu.memory_space<vmem>>) semaphore(%arg10 : memref<!tpu.dma_semaphore, #tpu.memory_space<semaphore_mem>>)
      } else {
      }
      %add3A_92 = arith.constant 1 : i32
      %add3A_93 = arith.addi %mul3A_65, %add3A_92 : i32
      %mul3A_94 = arith.constant 128 : i32
      %mul3A_95 = arith.muli %add3A_93, %mul3A_94 : i32
      %dma_wait3A_96 = tpu.memref_slice %arg5[%mul3A_95] : memref<10112xi32, #tpu.memory_space<vmem>> -> memref<128xi32, #tpu.memory_space<vmem>>
      %dma_wait3A_97 = arith.constant 0 : i32
      %dma_wait3A_98 = arith.constant 0 : i32
      %dma_wait3A_99 = tpu.memref_slice %arg2[%dma_wait3A_97, %dma_wait3A_98] : memref<10240x128xf32, #tpu.memory_space<hbm>> -> memref<10240x128xf32, #tpu.memory_space<hbm>>
      tpu.wait_indirect_dma semaphore(%arg11 : memref<!tpu.dma_semaphore, #tpu.memory_space<semaphore_mem>>) src(%dma_wait3A_99 : memref<10240x128xf32, #tpu.memory_space<hbm>>) dst(%arg8 : memref<128x128xf32, #tpu.memory_space<vmem>>)
      %add3A_100 = arith.constant 1 : i32
      %add3A_101 = arith.addi %mul3A_65, %add3A_100 : i32
      %mul3A_102 = arith.constant 128 : i32
      %mul3A_103 = arith.muli %add3A_101, %mul3A_102 : i32
      %add3A_104 = arith.addi %mul3A_2, %mul3A_103 : i32
      %dma_wait3A_105 = arith.constant 0 : i32
      %dma_wait3A_106 = arith.constant 1 : i32
      %dma_wait3A_107 = arith.constant 0 : i32
      %dma_wait3A_108 = tpu.memref_slice %arg6[%dma_wait3A_106, %dma_wait3A_107] : memref<2x128xi32, #tpu.memory_space<vmem>> -> memref<1x128xi32, #tpu.memory_space<vmem>>
      %dma_wait3A_109 = tpu.memref_squeeze %dma_wait3A_108 : memref<1x128xi32, #tpu.memory_space<vmem>> -> memref<128xi32, #tpu.memory_space<vmem>>
      %dma_wait3A_110 = tpu.memref_slice %arg3[%dma_wait3A_105, %add3A_104] : memref<2x320000xi32, #tpu.memory_space<hbm>> -> memref<1x128xi32, #tpu.memory_space<hbm>>
      %dma_wait3A_111 = tpu.memref_squeeze %dma_wait3A_110 : memref<1x128xi32, #tpu.memory_space<hbm>> -> memref<128xi32, #tpu.memory_space<hbm>>
      %dma_wait3A_112 = arith.constant 0 : i32
      %dma_wait3A_113 = tpu.memref_slice %arg6[%dma_wait3A_106, %dma_wait3A_112] : memref<2x128xi32, #tpu.memory_space<vmem>> -> memref<1x128xi32, #tpu.memory_space<vmem>>
      %dma_wait3A_114 = tpu.memref_squeeze %dma_wait3A_113 : memref<1x128xi32, #tpu.memory_space<vmem>> -> memref<128xi32, #tpu.memory_space<vmem>>
      %dma_wait3A_115 = tpu.memref_slice %arg3[%dma_wait3A_105, %add3A_104] : memref<2x320000xi32, #tpu.memory_space<hbm>> -> memref<1x128xi32, #tpu.memory_space<hbm>>
      %dma_wait3A_116 = tpu.memref_squeeze %dma_wait3A_115 : memref<1x128xi32, #tpu.memory_space<hbm>> -> memref<128xi32, #tpu.memory_space<hbm>>
      tpu.wait_dma2 semaphore(%arg13 : memref<!tpu.dma_semaphore, #tpu.memory_space<semaphore_mem>>) src(%dma_wait3A_116 : memref<128xi32, #tpu.memory_space<hbm>>) dst(%dma_wait3A_114 : memref<128xi32, #tpu.memory_space<vmem>>)
      %run_scoped3A_117 = arith.constant 1 : i32
      "tpu.region"() ({
        %run_scoped3A_123 = tpu.sem_alloc : memref<!tpu.dma_semaphore, #tpu.memory_space<semaphore_mem>>
        %dma_start3A_124 = arith.constant 0 : i32
        %dma_start3A_125 = tpu.memref_slice %arg6[%run_scoped3A_117, %dma_start3A_124] : memref<2x128xi32, #tpu.memory_space<vmem>> -> memref<1x128xi32, #tpu.memory_space<vmem>>
        %dma_start3A_126 = tpu.memref_squeeze %dma_start3A_125 : memref<1x128xi32, #tpu.memory_space<vmem>> -> memref<128xi32, #tpu.memory_space<vmem>>
        %dma_start3A_127 = arith.constant 0 : i32
        %dma_start3A_128 = arith.constant 0 : i32
        %dma_start3A_129 = tpu.memref_slice %arg9[%dma_start3A_127, %dma_start3A_128] : memref<10240x128xf32, #tpu.memory_space<vmem_shared>> -> memref<10240x128xf32, #tpu.memory_space<vmem_shared>>
        tpu.enqueue_indirect_dma source(%arg8 : memref<128x128xf32, #tpu.memory_space<vmem>>) target(%dma_start3A_129 : memref<10240x128xf32, #tpu.memory_space<vmem_shared>>) offsets(%dma_start3A_126 : memref<128xi32, #tpu.memory_space<vmem>>) semaphore(%run_scoped3A_123 : memref<!tpu.dma_semaphore, #tpu.memory_space<semaphore_mem>>) {add = true}
        %dma_wait3A_130 = arith.constant 0 : i32
        %dma_wait3A_131 = tpu.memref_slice %arg6[%run_scoped3A_117, %dma_wait3A_130] : memref<2x128xi32, #tpu.memory_space<vmem>> -> memref<1x128xi32, #tpu.memory_space<vmem>>
        %dma_wait3A_132 = tpu.memref_squeeze %dma_wait3A_131 : memref<1x128xi32, #tpu.memory_space<vmem>> -> memref<128xi32, #tpu.memory_space<vmem>>
        %dma_wait3A_133 = arith.constant 0 : i32
        %dma_wait3A_134 = arith.constant 0 : i32
        %dma_wait3A_135 = tpu.memref_slice %arg9[%dma_wait3A_133, %dma_wait3A_134] : memref<10240x128xf32, #tpu.memory_space<vmem_shared>> -> memref<10240x128xf32, #tpu.memory_space<vmem_shared>>
        tpu.wait_indirect_dma semaphore(%run_scoped3A_123 : memref<!tpu.dma_semaphore, #tpu.memory_space<semaphore_mem>>) src(%arg8 : memref<128x128xf32, #tpu.memory_space<vmem>>) dst(%dma_wait3A_135 : memref<10240x128xf32, #tpu.memory_space<vmem_shared>>)
        tpu.yield
      }) : () -> ()
      %lt3A_118 = arith.constant 38 : i32
      %lt3A_119 = arith.cmpi slt, %scan3A_63, %lt3A_118 : i32
      %convert_element_type3A_120 = arith.extui %lt3A_119 : i1 to i32
      %cond3A_121 = arith.constant 0 : i32
      %cond3A_122 = arith.cmpi ne, %convert_element_type3A_120, %cond3A_121 : i32
      scf.if %cond3A_122 {
        %add3A_123 = arith.constant 3 : i32
        %add3A_124 = arith.addi %mul3A_65, %add3A_123 : i32
        %mul3A_125 = arith.constant 128 : i32
        %mul3A_126 = arith.muli %add3A_124, %mul3A_125 : i32
        %add3A_127 = arith.addi %mul3A_2, %mul3A_126 : i32
        %dma_start3A_128 = arith.constant 0 : i32
        %dma_start3A_129 = arith.constant 1 : i32
        %dma_start3A_130 = arith.constant 0 : i32
        %dma_start3A_131 = tpu.memref_slice %arg6[%dma_start3A_129, %dma_start3A_130] : memref<2x128xi32, #tpu.memory_space<vmem>> -> memref<1x128xi32, #tpu.memory_space<vmem>>
        %dma_start3A_132 = tpu.memref_squeeze %dma_start3A_131 : memref<1x128xi32, #tpu.memory_space<vmem>> -> memref<128xi32, #tpu.memory_space<vmem>>
        %dma_start3A_133 = tpu.memref_slice %arg3[%dma_start3A_128, %add3A_127] : memref<2x320000xi32, #tpu.memory_space<hbm>> -> memref<1x128xi32, #tpu.memory_space<hbm>>
        %dma_start3A_134 = tpu.memref_squeeze %dma_start3A_133 : memref<1x128xi32, #tpu.memory_space<hbm>> -> memref<128xi32, #tpu.memory_space<hbm>>
        %dma_start3A_135 = arith.constant 0 : i32
        %dma_start3A_136 = tpu.memref_slice %arg6[%dma_start3A_129, %dma_start3A_135] : memref<2x128xi32, #tpu.memory_space<vmem>> -> memref<1x128xi32, #tpu.memory_space<vmem>>
        %dma_start3A_137 = tpu.memref_squeeze %dma_start3A_136 : memref<1x128xi32, #tpu.memory_space<vmem>> -> memref<128xi32, #tpu.memory_space<vmem>>
        %dma_start3A_138 = tpu.memref_slice %arg3[%dma_start3A_128, %add3A_127] : memref<2x320000xi32, #tpu.memory_space<hbm>> -> memref<1x128xi32, #tpu.memory_space<hbm>>
        %dma_start3A_139 = tpu.memref_squeeze %dma_start3A_138 : memref<1x128xi32, #tpu.memory_space<hbm>> -> memref<128xi32, #tpu.memory_space<hbm>>
        tpu.enqueue_dma source(%dma_start3A_139 : memref<128xi32, #tpu.memory_space<hbm>>) target(%dma_start3A_137 : memref<128xi32, #tpu.memory_space<vmem>>) target_semaphore(%arg13 : memref<!tpu.dma_semaphore, #tpu.memory_space<semaphore_mem>>)
        %add3A_140 = arith.constant 3 : i32
        %add3A_141 = arith.addi %mul3A_65, %add3A_140 : i32
        %mul3A_142 = arith.constant 128 : i32
        %mul3A_143 = arith.muli %add3A_141, %mul3A_142 : i32
        %dma_start3A_144 = tpu.memref_slice %arg5[%mul3A_143] : memref<10112xi32, #tpu.memory_space<vmem>> -> memref<128xi32, #tpu.memory_space<vmem>>
        %dma_start3A_145 = arith.constant 0 : i32
        %dma_start3A_146 = arith.constant 0 : i32
        %dma_start3A_147 = tpu.memref_slice %arg2[%dma_start3A_145, %dma_start3A_146] : memref<10240x128xf32, #tpu.memory_space<hbm>> -> memref<10240x128xf32, #tpu.memory_space<hbm>>
        tpu.enqueue_indirect_dma source(%dma_start3A_147 : memref<10240x128xf32, #tpu.memory_space<hbm>>) target(%arg8 : memref<128x128xf32, #tpu.memory_space<vmem>>) offsets(%dma_start3A_144 : memref<128xi32, #tpu.memory_space<vmem>>) semaphore(%arg11 : memref<!tpu.dma_semaphore, #tpu.memory_space<semaphore_mem>>)
      } else {
      }
    }
    %scan3A_57 = arith.constant 39 : i32
    %barrier3A_58 = arith.constant 0 : index
    tpu.barrier barrier_id(%barrier3A_58)
    %mul3A_59 = arith.constant 640 : i32
    %mul3A_60 = arith.muli %arg1, %mul3A_59 : i32
    %mul3A_61 = arith.constant 640 : i32
    %mul3A_62 = arith.muli %arg1, %mul3A_61 : i32
    "tpu.region"() ({
      %run_scoped3A_63 = tpu.sem_alloc : memref<!tpu.dma_semaphore, #tpu.memory_space<semaphore_mem>>
      %dma_start3A_64 = arith.constant 0 : i32
      %dma_start3A_65 = tpu.memref_slice %arg4[%arg0, %mul3A_62, %dma_start3A_64] : memref<2x10240x128xf32, #tpu.memory_space<hbm>> -> memref<1x640x128xf32, #tpu.memory_space<hbm>>
      %dma_start3A_66 = tpu.memref_squeeze %dma_start3A_65 : memref<1x640x128xf32, #tpu.memory_space<hbm>> -> memref<640x128xf32, #tpu.memory_space<hbm>>
      %dma_start3A_67 = arith.constant 0 : i32
      %dma_start3A_68 = tpu.memref_slice %arg9[%mul3A_60, %dma_start3A_67] : memref<10240x128xf32, #tpu.memory_space<vmem_shared>> -> memref<640x128xf32, #tpu.memory_space<vmem_shared>>
      tpu.enqueue_dma source(%dma_start3A_68 : memref<640x128xf32, #tpu.memory_space<vmem_shared>>) target(%dma_start3A_66 : memref<640x128xf32, #tpu.memory_space<hbm>>) target_semaphore(%run_scoped3A_63 : memref<!tpu.dma_semaphore, #tpu.memory_space<semaphore_mem>>)
      %dma_wait3A = arith.constant 0 : i32
      %dma_wait3A_69 = tpu.memref_slice %arg4[%arg0, %mul3A_62, %dma_wait3A] : memref<2x10240x128xf32, #tpu.memory_space<hbm>> -> memref<1x640x128xf32, #tpu.memory_space<hbm>>
      %dma_wait3A_70 = tpu.memref_squeeze %dma_wait3A_69 : memref<1x640x128xf32, #tpu.memory_space<hbm>> -> memref<640x128xf32, #tpu.memory_space<hbm>>
      %dma_wait3A_71 = arith.constant 0 : i32
      %dma_wait3A_72 = tpu.memref_slice %arg9[%mul3A_60, %dma_wait3A_71] : memref<10240x128xf32, #tpu.memory_space<vmem_shared>> -> memref<640x128xf32, #tpu.memory_space<vmem_shared>>
      tpu.wait_dma2 semaphore(%run_scoped3A_63 : memref<!tpu.dma_semaphore, #tpu.memory_space<semaphore_mem>>) src(%dma_wait3A_72 : memref<640x128xf32, #tpu.memory_space<vmem_shared>>) dst(%dma_wait3A_70 : memref<640x128xf32, #tpu.memory_space<hbm>>)
      tpu.yield
    }) : () -> ()
    return
  }
}

module attributes {stable_mosaic.version = 14 : i64} {
  func.func @_combine_body(%arg0: memref<10240x1xf32, #tpu.memory_space<vmem>>, %arg1: memref<2x10240x128xf32, #tpu.memory_space<vmem>>, %arg2: memref<10240x128xf32, #tpu.memory_space<vmem>>, %arg3: memref<10240x128xf32, #tpu.memory_space<vmem>>) attributes {dimension_semantics = [], scalar_prefetch = 0 : i64, scratch_operands = 0 : i64, tpu.core_type = #tpu.core_type<tc>} {
    %get3A = arith.constant 0 : index
    %get3A_0 = arith.constant 0 : index
    %get3A_1 = vector.load %arg0[%get3A, %get3A_0] : memref<10240x1xf32, #tpu.memory_space<vmem>>, vector<10240x1xf32>
    %get3A_2 = arith.constant 0 : index
    %get3A_3 = arith.constant 0 : index
    %get3A_4 = arith.constant 0 : index
    %get3A_5 = vector.load %arg1[%get3A_2, %get3A_3, %get3A_4] : memref<2x10240x128xf32, #tpu.memory_space<vmem>>, vector<1x10240x128xf32>
    %get3A_6 = vector.shape_cast %get3A_5 : vector<1x10240x128xf32> to vector<10240x128xf32>
    %get3A_7 = arith.constant 1 : index
    %get3A_8 = arith.constant 0 : index
    %get3A_9 = arith.constant 0 : index
    %get3A_10 = vector.load %arg1[%get3A_7, %get3A_8, %get3A_9] : memref<2x10240x128xf32, #tpu.memory_space<vmem>>, vector<1x10240x128xf32>
    %get3A_11 = vector.shape_cast %get3A_10 : vector<1x10240x128xf32> to vector<10240x128xf32>
    %add3A = arith.addf %get3A_6, %get3A_11 : vector<10240x128xf32>
    %get3A_12 = arith.constant 0 : index
    %get3A_13 = arith.constant 0 : index
    %get3A_14 = vector.load %arg2[%get3A_12, %get3A_13] : memref<10240x128xf32, #tpu.memory_space<vmem>>, vector<10240x128xf32>
    %add3A_15 = arith.addf %add3A, %get3A_14 : vector<10240x128xf32>
    %mul3A = vector.broadcast %get3A_1 : vector<10240x1xf32> to vector<10240x128xf32>
    %mul3A_16 = arith.mulf %mul3A, %add3A_15 : vector<10240x128xf32>
    %swap3A = arith.constant 0 : index
    %swap3A_17 = arith.constant 0 : index
    %swap3A_18 = vector.load %arg3[%swap3A, %swap3A_17] : memref<10240x128xf32, #tpu.memory_space<vmem>>, vector<10240x128xf32>
    tpu.vector_store %arg3[%swap3A, %swap3A_17], %mul3A_16 {strides = array<i32>} : memref<10240x128xf32, #tpu.memory_space<vmem>>, vector<10240x128xf32>,
    return
  }
}

module attributes {stable_mosaic.version = 14 : i64} {
  func.func @_t1_body(%arg0: memref<10240x1xf32, #tpu.memory_space<vmem>>, %arg1: memref<10240x1xf32, #tpu.memory_space<vmem>>, %arg2: memref<10000x128xf32, #tpu.memory_space<vmem>>, %arg3: memref<10240x1xf32, #tpu.memory_space<vmem>>, %arg4: memref<10240x1xf32, #tpu.memory_space<vmem>>, %arg5: memref<10240x128xf32, #tpu.memory_space<vmem>>) attributes {dimension_semantics = [], scalar_prefetch = 0 : i64, scratch_operands = 0 : i64, tpu.core_type = #tpu.core_type<tc>} {
    %get3A = arith.constant 0 : index
    %get3A_0 = arith.constant 0 : index
    %get3A_1 = vector.load %arg0[%get3A, %get3A_0] : memref<10240x1xf32, #tpu.memory_space<vmem>>, vector<10240x1xf32>
    %get3A_2 = arith.constant 0 : index
    %get3A_3 = arith.constant 0 : index
    %get3A_4 = vector.load %arg1[%get3A_2, %get3A_3] : memref<10240x1xf32, #tpu.memory_space<vmem>>, vector<10240x1xf32>
    %add3A = arith.addf %get3A_1, %get3A_4 : vector<10240x1xf32>
    %add3A_5 = arith.constant 1.000000e+00 : f32
    %add3A_6 = vector.broadcast %add3A_5 : f32 to vector<10240x1xf32>
    %add3A_7 = arith.addf %add3A, %add3A_6 : vector<10240x1xf32>
    %rsqrt3A = math.rsqrt %add3A_7 : vector<10240x1xf32>
    %swap3A = arith.constant 0 : index
    %swap3A_8 = arith.constant 0 : index
    %swap3A_9 = vector.load %arg3[%swap3A, %swap3A_8] : memref<10240x1xf32, #tpu.memory_space<vmem>>, vector<10240x1xf32>
    tpu.vector_store %arg3[%swap3A, %swap3A_8], %rsqrt3A {strides = array<i32>} : memref<10240x1xf32, #tpu.memory_space<vmem>>, vector<10240x1xf32>,
    %mul3A = arith.mulf %rsqrt3A, %rsqrt3A : vector<10240x1xf32>
    %swap3A_10 = arith.constant 0 : index
    %swap3A_11 = arith.constant 0 : index
    %swap3A_12 = vector.load %arg4[%swap3A_10, %swap3A_11] : memref<10240x1xf32, #tpu.memory_space<vmem>>, vector<10240x1xf32>
    tpu.vector_store %arg4[%swap3A_10, %swap3A_11], %mul3A {strides = array<i32>} : memref<10240x1xf32, #tpu.memory_space<vmem>>, vector<10240x1xf32>,
    %slice3A = vector.extract_strided_slice %rsqrt3A {offsets = [0, 0], sizes = [10000, 1], strides = [1, 1]} : vector<10240x1xf32> to vector<10000x1xf32>
    %get3A_13 = arith.constant 0 : index
    %get3A_14 = arith.constant 0 : index
    %get3A_15 = vector.load %arg2[%get3A_13, %get3A_14] : memref<10000x128xf32, #tpu.memory_space<vmem>>, vector<10000x128xf32>
    %mul3A_16 = vector.broadcast %slice3A : vector<10000x1xf32> to vector<10000x128xf32>
    %mul3A_17 = arith.mulf %mul3A_16, %get3A_15 : vector<10000x128xf32>
    %swap3A_18 = arith.constant 0 : index
    %swap3A_19 = arith.constant 0 : index
    %swap3A_20 = vector.load %arg5[%swap3A_18, %swap3A_19] : memref<10240x128xf32, #tpu.memory_space<vmem>>, vector<10000x128xf32>
    tpu.vector_store %arg5[%swap3A_18, %swap3A_19], %mul3A_17 {strides = array<i32>} : memref<10240x128xf32, #tpu.memory_space<vmem>>, vector<10000x128xf32>,
    %broadcast_in_dim3A = arith.constant 0.000000e+00 : f32
    %broadcast_in_dim3A_21 = vector.broadcast %broadcast_in_dim3A : f32 to vector<240x128xf32>
    %swap3A_22 = arith.constant 10000 : index
    %swap3A_23 = arith.constant 0 : index
    %swap3A_24 = vector.load %arg5[%swap3A_22, %swap3A_23] : memref<10240x128xf32, #tpu.memory_space<vmem>>, vector<240x128xf32>
    tpu.vector_store %arg5[%swap3A_22, %swap3A_23], %broadcast_in_dim3A_21 {strides = array<i32>} : memref<10240x128xf32, #tpu.memory_space<vmem>>, vector<240x128xf32>,
    return
  }
}

module attributes {stable_mosaic.version = 14 : i64} {
  func.func @_combine_final_body(%arg0: memref<10240x1xf32, #tpu.memory_space<vmem>>, %arg1: memref<2x10240x128xf32, #tpu.memory_space<vmem>>, %arg2: memref<10240x128xf32, #tpu.memory_space<vmem>>, %arg3: memref<10000x128xf32, #tpu.memory_space<vmem>>) attributes {dimension_semantics = [], scalar_prefetch = 0 : i64, scratch_operands = 0 : i64, tpu.core_type = #tpu.core_type<tc>} {
    %get3A = arith.constant 0 : index
    %get3A_0 = arith.constant 0 : index
    %get3A_1 = vector.load %arg0[%get3A, %get3A_0] : memref<10240x1xf32, #tpu.memory_space<vmem>>, vector<10000x1xf32>
    %get3A_2 = arith.constant 0 : index
    %get3A_3 = arith.constant 0 : index
    %get3A_4 = arith.constant 0 : index
    %get3A_5 = vector.load %arg1[%get3A_2, %get3A_3, %get3A_4] : memref<2x10240x128xf32, #tpu.memory_space<vmem>>, vector<1x10000x128xf32>
    %get3A_6 = vector.shape_cast %get3A_5 : vector<1x10000x128xf32> to vector<10000x128xf32>
    %get3A_7 = arith.constant 1 : index
    %get3A_8 = arith.constant 0 : index
    %get3A_9 = arith.constant 0 : index
    %get3A_10 = vector.load %arg1[%get3A_7, %get3A_8, %get3A_9] : memref<2x10240x128xf32, #tpu.memory_space<vmem>>, vector<1x10000x128xf32>
    %get3A_11 = vector.shape_cast %get3A_10 : vector<1x10000x128xf32> to vector<10000x128xf32>
    %add3A = arith.addf %get3A_6, %get3A_11 : vector<10000x128xf32>
    %get3A_12 = arith.constant 0 : index
    %get3A_13 = arith.constant 0 : index
    %get3A_14 = vector.load %arg2[%get3A_12, %get3A_13] : memref<10240x128xf32, #tpu.memory_space<vmem>>, vector<10000x128xf32>
    %add3A_15 = arith.addf %add3A, %get3A_14 : vector<10000x128xf32>
    %mul3A = vector.broadcast %get3A_1 : vector<10000x1xf32> to vector<10000x128xf32>
    %mul3A_16 = arith.mulf %mul3A, %add3A_15 : vector<10000x128xf32>
    %swap3A = arith.constant 0 : index
    %swap3A_17 = arith.constant 0 : index
    %swap3A_18 = vector.load %arg3[%swap3A, %swap3A_17] : memref<10000x128xf32, #tpu.memory_space<vmem>>, vector<10000x128xf32>
    tpu.vector_store %arg3[%swap3A, %swap3A_17], %mul3A_16 {strides = array<i32>} : memref<10000x128xf32, #tpu.memory_space<vmem>>, vector<10000x128xf32>,
    return
  }
}

</mosaic_0001>

<sc_bundles>
// kernel: kernel.11.cloned.1.call-start
scs
__scs_entry_jumppad:
0x0: {  	(pc) =	sbr.rel $0x88, $3  }
0x1: {  	(tag) =	ssettag $0x0;
	lr =	simm.s32 $0x1  }
0x2: {  	[smem:$0x3F9F] =	sst lr;
	_ =	strace $0xD0000000  }
0x3: {  	_ = 	snop  }
0x4: {  	_ = 	snop  }
0x5: {  	_ = 	snop  }
0x6: {  	_ = 	snop  }
0x7: {  	_ = 	snop  }
__scs_overlays_trampoline_lowered:
0x8: {  	[smem:$0x3FAE] =	sst s0  }
0x9: {  	[smem:$0x3FAF] =	sst s1  }
0xa: {  	[smem:$0x3FB0] =	sst s2  }
0xb: {  	[smem:$0x3FB1] =	sst s3  }
0xc: {  	[smem:$0x3FB2] =	sst s4  }
0xd: {  	[smem:$0x3FB3] =	sst s5  }
0xe: {  	[smem:$0x3FB4] =	sst s6  }
0xf: {  	[smem:$0x3FB5] =	sst s7  }
0x10: {  	[smem:$0x3FB6] =	sst s8  }
0x11: {  	[smem:$0x3FB7] =	sst s9;
	s0 =	simm.s32 @!p0 $0x0  }
0x12: {  	s1 =	sld [smem:$0x3F9D];
	s0 =	simm.s32 @p0 $0x1  }
0x13: {  	[smem:$0x3FB8] =	sst s0;
	s0 =	simm.s32 @!p1 $0x0  }
0x14: {  	s2 =	sld [smem:$0x3F9C];
	s0 =	simm.s32 @p1 $0x1  }
0x15: {  	[smem:$0x3FB9] =	sst s0;
	s0 =	simm.s32 @!p2 $0x0  }
0x16: {  	s3 =	sld [smem:$0x3FDB];
	s0 =	simm.s32 @p2 $0x1  }
0x17: {  	s4 =	simm.s32 $0x1BF5;
	[smem:$0x3FBB] =	sst s0  }
0x18: {  	s0 =	sld [smem:$0x3F9E];
	_ =	swait.ge [sflag:s4], $0x0  }
0x19: {  	s7 =	sld [smem:$0x3F9F]  }
0x1a: {  	s8 =	sadd.s32 $0xFFFFE003, lr  }
0x1b: {  	s9 =	sadd.s32 $0xFFFFFEF7, lr;
	s5 =	simm.s32 $0xFFFFFFFF;
	p2 =	slt.u32 s8, $0xFFFFF086  }
0x1c: {  	p1 =	slt.u32 s9, $0xF7A;
	s5 =	simm.s32 @!p2 $0x0  }
0x1d: {  	s5 =	simm.s32 @p1 $0x1;
	p0 =	seq.s32 s7, s2  }
0x1e: {  	s7 =	smul.u32 @!p0 $0xF7A, s2;
	p2 =	seq.s32 @!p0 s5, $0x0  }
0x1f: {  	s9 =	smul.u32 $0xF7A, s1;
	s8 =	simm.s32 @!p0 $0x1BF5;
	p2 =	por !p2, p0  }
0x20: {  	[sflag:s8] =	ssyncset.s32 @!p0 $0xFFFFF086;
	s6 =	sadd.s32 @!p0 s3, s7;
	s7 =	simm.s32 @!p0 $0x108  }
0x21: {  	s3 =	sadd.s32 s3, s9;
	s6 =	sadd.s32 @!p0 $0x88, s6;
	s7 =	simm.s32 @p2 $0x1082  }
0x22: {  	[simem:s7], [sflag:s8] =	dma.local @!p0 [hbm:s6], $0xF7A  }
0x23: {  	s9 =	sor.u32 $0xD0000000, s2;
	s6 =	simm.s32 $0x108;
	_ =	swait.ge @!p0 [sflag:s8], $0x0  }
0x24: {  	s3 =	sadd.s32 $0x88, s3;
	s6 =	simm.s32 @!p1 $0x1082;
	[sflag:s4] =	ssyncset.s32 $0xFFFFF086  }
0x25: {  	[simem:s6], [sflag:s4] =	dma.local [hbm:s3], $0xF7A  }
0x26: {  	[smem:$0x3F9F] =	sst s1;
	(tag) =	ssettag s2;
	_ =	strace s9  }
0x27: {  	s1 =	sld [smem:$0x3FAF]  }
0x28: {  	s2 =	sld [smem:$0x3FB0]  }
0x29: {  	s4 =	sld [smem:$0x3FB2]  }
0x2a: {  	p0 =	seq.s32 s5, $0x0;
	s5 =	sld [smem:$0x3FB3]  }
0x2b: {  	s6 =	sld [smem:$0x3FB4]  }
0x2c: {  	s7 =	sld [smem:$0x3FB5]  }
0x2d: {  	s3 =	simm.s32 $0x108;
	s8 =	sld [smem:$0x3FB6]  }
0x2e: {  	s3 =	simm.s32 @!p0 $0x1082;
	s9 =	sld [smem:$0x3FB7]  }
0x2f: {  	lr =	sadd.s32 s0, s3;
	s0 =	sld [smem:$0x3FAE]  }
0x30: {  	s3 =	sld [smem:$0x3FB1]  }
0x31: {  	[smem:$0x3FBA] =	sst s10  }
0x32: {  	s10 =	sld [smem:$0x3FB8];
	_ =	sdelay $0x3  }
0x33: {  	p0 =	seq.s32 s10, $0x1;
	s10 =	sld [smem:$0x3FBA];
	_ =	sdelay $0x3  }
0x34: {  	[smem:$0x3FBA] =	sst s10  }
0x35: {  	s10 =	sld [smem:$0x3FB9];
	_ =	sdelay $0x3  }
0x36: {  	p1 =	seq.s32 s10, $0x1;
	s10 =	sld [smem:$0x3FBA];
	_ =	sdelay $0x3  }
0x37: {  	[smem:$0x3FBA] =	sst s10  }
0x38: {  	s10 =	sld [smem:$0x3FBB]  }
0x39: {  	_ = 	snop;
	(pc) =	sbr.ind lr, $3  }
0x3a: {  	_ = 	snop  }
0x3b: {  	_ = 	snop  }
0x3c: {  	p2 =	seq.s32 s10, $0x1;
	s10 =	sld [smem:$0x3FBA]  }
0x3d: {  	_ =	shalt  }
0x3e: {  	_ =	shalt  }
0x3f: {  	_ =	shalt  }
0x40: {  	_ =	shalt  }
0x41: {  	_ =	shalt  }
0x42: {  	_ =	shalt  }
0x43: {  	_ =	shalt  }
0x44: {  	_ =	shalt  }
0x45: {  	_ =	shalt  }
0x46: {  	_ =	shalt  }
0x47: {  	_ =	shalt  }
0x48: {  	_ =	shalt  }
0x49: {  	_ =	shalt  }
0x4a: {  	_ =	shalt  }
0x4b: {  	_ =	shalt  }
0x4c: {  	_ =	shalt  }
0x4d: {  	_ =	shalt  }
0x4e: {  	_ =	shalt  }
0x4f: {  	_ =	shalt  }
0x50: {  	_ =	shalt  }
0x51: {  	_ =	shalt  }
0x52: {  	_ =	shalt  }
0x53: {  	_ =	shalt  }
0x54: {  	_ =	shalt  }
0x55: {  	_ =	shalt  }
0x56: {  	_ =	shalt  }
0x57: {  	_ =	shalt  }
0x58: {  	_ =	shalt  }
0x59: {  	_ =	shalt  }
0x5a: {  	_ =	shalt  }
0x5b: {  	_ =	shalt  }
0x5c: {  	_ =	shalt  }
0x5d: {  	_ =	shalt  }
0x5e: {  	_ =	shalt  }
0x5f: {  	_ =	shalt  }
0x60: {  	_ =	shalt  }
0x61: {  	_ =	shalt  }
0x62: {  	_ =	shalt  }
0x63: {  	_ =	shalt  }
0x64: {  	_ =	shalt  }
0x65: {  	_ =	shalt  }
0x66: {  	_ =	shalt  }
0x67: {  	_ =	shalt  }
0x68: {  	_ =	shalt  }
0x69: {  	_ =	shalt  }
0x6a: {  	_ =	shalt  }
0x6b: {  	_ =	shalt  }
0x6c: {  	_ =	shalt  }
0x6d: {  	_ =	shalt  }
0x6e: {  	_ =	shalt  }
0x6f: {  	_ =	shalt  }
0x70: {  	_ =	shalt  }
0x71: {  	_ =	shalt  }
0x72: {  	_ =	shalt  }
0x73: {  	_ =	shalt  }
0x74: {  	_ =	shalt  }
0x75: {  	_ =	shalt  }
0x76: {  	_ =	shalt  }
0x77: {  	_ =	shalt  }
0x78: {  	_ =	shalt  }
0x79: {  	_ =	shalt  }
0x7a: {  	_ =	shalt  }
0x7b: {  	_ =	shalt  }
0x7c: {  	_ =	shalt  }
0x7d: {  	_ =	shalt  }
0x7e: {  	_ =	shalt  }
0x7f: {  	_ =	shalt  }
0x80: {  	_ =	shalt  }
0x81: {  	_ =	shalt  }
0x82: {  	_ =	shalt  }
0x83: {  	_ =	shalt  }
0x84: {  	_ =	shalt  }
0x85: {  	_ =	shalt  }
0x86: {  	_ =	shalt  }
0x87: {  	_ =	shalt  }
.Lfunc_end0:
.L_simem_size_0:
called_computation.1_lowered:
.L_overlay_start_0:
0x88: {  	s2 =	sld [smem:$0x3FD9]  }
0x89: {  	s3 =	sld [smem:$0x3FFE];
	_ =	sdelay $0x1  }
0x8a: {  	s1 =	srdreg.scid  }
0x8b: {  	s0 =	sand.u32 $0x1, s1  }
0x8c: {  	s17 =	sshll.u32 s0, $0xA;
	s2 =	sadd.s32 s3, s2  }
0x8d: {  	s2 =	sadd.s32 s2, s17  }
0x8e: {  	[smem:$0x3FC6] =	sst s2  }
0x8f: {  	_ = 	snop  }
0x90: {  	s2 =	sld [smem:$0x3FC9];
	(tm) =	ssettm $0x1  }
0x91: {  	s18 =	sld [smem:$0x3FFB];
	_ =	sdelay $0x3  }
0x92: {  	_ =	strace s18  }
0x93: {  	s3 =	sld [smem:$0x3FFC];
	_ =	sdelay $0x3  }
0x94: {  	_ =	strace s3  }
0x95: {  	s3 =	sld [smem:$0x3FFD];
	_ =	sdelay $0x3  }
0x96: {  	_ =	strace s3  }
0x97: {  	_ =	strace $0x8FFFFFFF  }
0x98: {  	s19 =	sld [smem:$0x3FDB];
	_ =	sdelay $0x1  }
0x99: {  	s4 =	simm.s32 $_scs_section_size  }
0x9a: {  	s5 =	simm.s32 $_size__tile_overlayer_lowered;
	s6 =	simm.s32 $_tile_overlayer_lowered  }
0x9b: {  	s22 =	simm.s32 $0x1BFF;
	s21 =	sshll.u32 s6, $0x1;
	s3 =	sadd.s32 s4, s19  }
0x9c: {  	s7 =	simm.s32 $0x0;
	s20 =	sshll.u32 s5, $0x1;
	s5 =	sadd.s32 s21, s3  }
0x9d: {  	[timem:s7], [sflag:s22] =	dma.local [hbm:s5], s20  }
0x9e: {  	_ =	swait.ge [sflag:s22], s20  }
0x9f: {  	s4 =	ssub.s32 $0x0, s20;
	[sflag:s22] =	ssyncset.done $0x0  }
0xa0: {  	[sflag:s22] =	ssyncadd.s32 s4;
	_ =	sdelay $0x1  }
0xa1: {  	s23 =	simm.s32 $0x1B8B  }
0xa2: {  	_ =	swait.ge [sflag:s23], $0x1  }
0xa3: {  	[sflag:s23] =	ssyncset.done $0x0  }
0xa4: {  	s25 =	simm.s32 $0x1B8E;
	s24 =	sld [smem:$0x3FFE];
	[sflag:s23] =	ssyncadd.s32 $0xFFFFFFFF  }
0xa5: {  	s26 =	simm.s32 $execute0_lowered;
	[smem:$0x3FD2] =	sst s25  }
0xa6: {  	s5 =	sshll.u32 s26, $0x1;
	_ =	strace $0x80000049;
	[dreg:$0x1] =	wrdreg $0xFFFFFFFF  }
0xa7: {  	s28 =	simm.s32 $_size_execute0_lowered;
	s3 =	sadd.s32 s3, s5;
	[dreg:$0x0] =	wrdreg $0x0  }
0xa8: {  	s5 =	sshll.u32 s28, $0x1;
	[dreg:$0x2] =	wrdreg s3  }
0xa9: {  	[dreg:$0x3] =	wrdreg s5  }
0xaa: {  	[dreg:$0x4] =	wrdreg $0xC0  }
0xab: {  	_ =	task [dreg:s7], $0x5FFFF  }
0xac: {  	[dreg:$0x1] =	wrdreg $0xFFFFFFFF  }
0xad: {  	[dreg:$0x0] =	wrdreg $0x60  }
0xae: {  	[dreg:$0x2] =	wrdreg s24  }
0xaf: {  	[dreg:$0x3] =	wrdreg s2  }
0xb0: {  	[dreg:$0x4] =	wrdreg $0xA8800  }
0xb1: {  	[dreg:$0x5] =	wrdreg $0x9  }
0xb2: {  	_ =	task.clear_ibuf [dreg:s7], $0x6FFFF;
	_ =	strace $0x90000049  }
0xb3: {  	s29 =	simm.s32 $0x9;
	_ =	strace $0x8000004B  }
0xb4: {  	_ =	swait.ge [sflag:s29], $0x1  }
0xb5: {  	[sflag:s29] =	ssyncadd.s32 $0xFFFFFFFF  }
0xb6: {  	_ =	strace $0x9000004B  }
0xb7: {  	_ =	sfence  }
0xb8: {  	s30 =	sld [smem:$0x0];
	_ =	sdelay $0x2  }
0xb9: {  	s31 =	sshll.u32 s1, $0xD;
	s1 =	sshrl.u32 s1, $0x2  }
0xba: {  	s3 =	sand.u32 $0x4000, s31;
	s1 =	sadd.s32 s1, s30  }
0xbb: {  	s0 =	sor.u32 s3, s0;
	s1 =	sshll.u32 s1, $0x11  }
0xbc: {  	s0 =	sor.u32 s1, s0  }
0xbd: {  	s0 =	sadd.s32 $0x8F2B, s0  }
0xbe: {  	[sflag:s0] =	ssyncadd.remote.s32 $0x1  }
0xbf: {  	_ =	sfence.sel $0xFFFF  }
0xc0: {  	[dreg:$0x0] =	wrdreg $0xFFFFFFFF;
	(pc) =	sbr.abs _section_cstart, $3  }
0xc1: {  	[dreg:$0x1] =	wrdreg $0xFFFFFFFF  }
0xc2: {  	_ =	task.clear_ibuf [dreg:s7], $0x2FFFF;
	_ =	strace $0x9FFFFFFF  }
0xc3: {  	(tm) =	ssettm $0x7FFFFFFF  }
tec
execute0_lowered:
.L_overlay_start_1:
0x0: {  	(tag) =	ssettag $0x1  }
0x1: {  	s0 =	rddreg [dreg:$0x0]  }
0x2: {  	s1 =	rddreg [dreg:$0x1]  }
0x3: {  	s2 =	rddreg [dreg:$0x2];
	s3 =	srdreg.scid;
	s4 =	simm.s32 $0x0  }
0x4: {  	s20 =	stileid.u32;
	s28 =	simm.s32 $0x1;
	s29 =	simm.s32 $0x3  }
0x5: {  	s30 =	simm.s32 $0x2;
	s31 =	simm.s32 $0x4;
	s7 =	smul.u32 $0x14000, s20  }
0x6: {  	s3 =	sand.u32 $0x1, s3;
	[smem:$0x7FF] =	sst s4;
	s8 =	smul.u32 $0x50000, s20  }
0x7: {  	s5 =	sadd.s32 $0x2200, s0;
	s21 =	sshll.u32 s20, $0x1;
	s14 =	smul.u32 $0x4E00, s20  }
0x8: {  	p0 =	sgt.u32 s20, $0x1;
	s20 =	simm.s32 $0x2880;
	s6 =	smul.u32 $0x140000, s3  }
0x9: {  	_ =	strace $0x8000004A;
	s9 =	ssub.s32 $0x2, s3;
	s10 =	sor.u32 s3, s21  }
0xa: {  	s3 =	smul.u32 $0x2700, s3;
	s21 =	simm.s32 $0x5;
	s22 =	sshrl.u32 s9, $0x1  }
0xb: {  	s8 =	sshrl.u32 s8, $0x2;
	s11 =	smul.u32 $0x9C0, s10;
	s23 =	sshll.u32 s10, $0x5  }
0xc: {  	s6 =	sadd.s32 s7, s6;
	s9 =	ssub.s32 s9, s22;
	s26 =	sadd.s32 s3, s14  }
0xd: {  	s22 =	simm.s32 $0x80;
	s6 =	sshrl.u32 s6, $0x3;
	s7 =	sadd.s32 s1, s11  }
0xe: {  	s13 =	smax.u32 s9, $0x1;
	s3 =	sadd.s32 $0x180, s26;
	s18 =	sadd.s32 $0x100, s26  }
0xf: {  	s26 =	simm.s32 $0x6880;
	s0 =	sadd.s32 s6, s0;
	s6 =	sadd.s32 s8, s2  }
0x10: {  	s24 =	sadd.s32 $0x10, s7;
	s8 =	sadd.s32 s23, s1;
	s11 =	sadd.s32 $0x20, s7  }
0x11: {  	s3 =	sshrl.u32 s3, $0x2;
	[dreg:$0x4] =	wrdreg s24;
	s25 =	sadd.s32 $0x13810, s8  }
0x12: {  	s8 =	sadd.s32 $0x13800, s8;
	s12 =	sadd.s32 $0x2A200, s0;
	s14 =	sadd.s32 $0x4000, s6  }
0x13: {  	s15 =	sadd.s32 $0x8000, s6;
	s16 =	sadd.s32 $0xC000, s6;
	s17 =	sadd.s32 $0x10000, s6  }
0x14: {  	s19 =	sadd.s32 s3, s1;
	s24 =	simm.s32 $0x2780;
	[dreg:$0x5] =	wrdreg s25  }
0x15: {  	v0 =	vimm.f32 $0.0e+00;
	s0 =	simm.s32 $0x0;
	[dreg:$0x6] =	wrdreg s8;
	s25 =	simm.s32 $0x2800  }
.LBB2_1:
0x16: {  	s3 =	simm.s32 $0x0;
	s8 =	simm.s32 $0x200  }
.LBB2_2:
0x17: {  	p1 =	sne.s32 s8, $0xFE00;
	[tilespmem:s3+$0x28F0] =	vst v0  }
0x18: {  	[tilespmem:s3+$0x2880] =	vst v0  }
0x19: {  	[tilespmem:s3+$0x2890] =	vst v0  }
.Ltmp0:
0x1a: {  	[tilespmem:s3+$0x28A0] =	vst v0;
	(pc) =	sbr.rel @p1 .LBB2_2-.Ltmp0, $4  }
0x1b: {  	[tilespmem:s3+$0x28B0] =	vst v0  }
0x1c: {  	[tilespmem:s3+$0x28C0] =	vst v0  }
0x1d: {  	[tilespmem:s3+$0x28D0] =	vst v0  }
0x1e: {  	[tilespmem:s3+$0x28E0] =	vst v0;
	s3 =	sshra.s32 s8, $0x2;
	s8 =	sadd.s32 $0x200, s8  }
0x1f: {  	[tilespmem:s3+$0x28F0] =	vst v0  }
0x20: {  	[tilespmem:s3+$0x2880] =	vst v0  }
0x21: {  	[tilespmem:s3+$0x2890] =	vst v0  }
0x22: {  	[tilespmem:s3+$0x28A0] =	vst v0  }
0x23: {  	[tilespmem:s3+$0x28B0] =	vst v0  }
0x24: {  	[tilespmem:s3+$0x28C0] =	vst v0  }
0x25: {  	[tilespmem:s3+$0x28D0] =	vst v0  }
0x26: {  	[tilespmem:s3+$0x28E0] =	vst v0  }
0x27: {  	[spmem:s6] =	stream.linear.scatter [tilespmem:s20], [sflag:$0x5], $0x4000, $0x38;
	[tilespmem:$0x1E880] =	vst v63  }
0x28: {  	_ =	swait.ge [sflag:s21], $0x4000  }
0x29: {  	[sflag:s21] =	ssyncset.done $0x0  }
0x2a: {  	[sflag:s21] =	ssyncadd.s32 $0xFFFFC000  }
0x2b: {  	[spmem:s14] =	stream.linear.scatter [tilespmem:s20], [sflag:$0x5], $0x4000, $0x38;
	[tilespmem:$0x1E880] =	vst v63  }
0x2c: {  	_ =	swait.ge [sflag:s21], $0x4000  }
0x2d: {  	[sflag:s21] =	ssyncset.done $0x0  }
0x2e: {  	[sflag:s21] =	ssyncadd.s32 $0xFFFFC000  }
0x2f: {  	[spmem:s15] =	stream.linear.scatter [tilespmem:s20], [sflag:$0x5], $0x4000, $0x38;
	[tilespmem:$0x1E880] =	vst v63  }
0x30: {  	_ =	swait.ge [sflag:s21], $0x4000  }
0x31: {  	[sflag:s21] =	ssyncset.done $0x0  }
0x32: {  	[sflag:s21] =	ssyncadd.s32 $0xFFFFC000  }
0x33: {  	[spmem:s16] =	stream.linear.scatter [tilespmem:s20], [sflag:$0x5], $0x4000, $0x38;
	[tilespmem:$0x1E880] =	vst v63  }
0x34: {  	_ =	swait.ge [sflag:s21], $0x4000  }
0x35: {  	[sflag:s21] =	ssyncset.done $0x0  }
0x36: {  	[sflag:s21] =	ssyncadd.s32 $0xFFFFC000  }
0x37: {  	[spmem:s17] =	stream.linear.scatter [tilespmem:s20], [sflag:$0x5], $0x4000, $0x38;
	[tilespmem:$0x1E880] =	vst v63  }
0x38: {  	_ =	swait.ge [sflag:s21], $0x4000  }
0x39: {  	[sflag:s21] =	ssyncset.done $0x0  }
0x3a: {  	s8 =	simm.s32 $0x100;
	s23 =	rddreg [dreg:$0x4];
	[sflag:s21] =	ssyncadd.s32 $0xFFFFC000  }
0x3b: {  	[tilespmem:s4], [sflag:$0x5] =	stream.strided.gather [hbm4b:s23+s22], $0x2700, s8, s22, $0x38;
	[tilespmem:$0x1E880] =	vst v63  }
0x3c: {  	_ =	swait.ge [sflag:s21], $0x2700  }
0x3d: {  	[sflag:s21] =	ssyncset.done $0x0  }
0x3e: {  	[sflag:s21] =	ssyncadd.s32 $0xFFFFD900  }
0x3f: {  	[bflag:$0x0] =	sbarrier.arrive $0xFFFF  }
0x40: {  	s3 =	simm.s32 @!p0 $0x0;
	s8 =	simm.s32 @!p0 $0x2700;
	s9 =	rddreg [dreg:$0x5]  }
0x41: {  	[tilespmem:s8], [sflag:$0x5] =	stream.linear.gather @!p0 [hbm4b:s9+s3], $0x80, $0x38;
	[tilespmem:$0x1E880] =	vst v63  }
0x42: {  	s9 =	simm.s32 @!p0 $0x5  }
0x43: {  	_ =	swait.ge @!p0 [sflag:s9], $0x80  }
0x44: {  	[sflag:s9] =	ssyncset.done @!p0 $0x0  }
0x45: {  	s23 =	simm.s32 @!p0 $0x2780;
	s10 =	rddreg [dreg:$0x6];
	[sflag:s9] =	ssyncadd.s32 @!p0 $0xFFFFFF80  }
0x46: {  	[tilespmem:s23], [sflag:$0x5] =	stream.linear.gather @!p0 [hbm4b:s10+s3], $0x80, $0x38;
	[tilespmem:$0x1E880] =	vst v63  }
0x47: {  	_ =	swait.ge @!p0 [sflag:s9], $0x80  }
0x48: {  	[sflag:s9] =	ssyncset.done @!p0 $0x0  }
0x49: {  	s3 =	simm.s32 @!p0 $0x80;
	s10 =	simm.s32 @!p0 $0x2880;
	[sflag:s9] =	ssyncadd.s32 @!p0 $0xFFFFFF80  }
0x4a: {  	[tilespmem:s10], [sflag:$0x1] =	stream.indirect.gather @!p0 [hbm4b:s5+s3], $0x80, s8, s3, $0xb8;
	[tilespmem:$0x1E880] =	vst v63  }
0x4b: {  	s8 =	simm.s32 @!p0 $0x1  }
0x4c: {  	_ =	swait.ge @!p0 [sflag:s8], $0x4000  }
0x4d: {  	[sflag:s8] =	ssyncset.done @!p0 $0x0  }
0x4e: {  	[sflag:s8] =	ssyncadd.s32 @!p0 $0xFFFFC000  }
0x4f: {  	[spmem:s2] =	stream.indirect.scatter.add.f32 @!p0 [tilespmem:s10], [sflag:$0x5], $0x80, s23, s3, $0xb8;
	[tilespmem:$0x1E880] =	vst v63  }
0x50: {  	_ =	swait.ge @!p0 [sflag:s9], $0x4000  }
0x51: {  	[sflag:s9] =	ssyncset.done @!p0 $0x0  }
0x52: {  	s8 =	simm.s32 $0x0;
	[sflag:s9] =	ssyncadd.s32 @!p0 $0xFFFFC000  }
0x53: {  	[tilespmem:s24], [sflag:$0x3] =	stream.linear.gather [hbm4b:s7+s8], $0x80, $0x38;
	[tilespmem:$0x1E880] =	vst v63  }
0x54: {  	_ = 	snop  }
0x55: {  	[tilespmem:s25], [sflag:$0x4] =	stream.linear.gather [hbm4b:s11+s8], $0x80, $0x38;
	[tilespmem:$0x1E880] =	vst v63  }
0x56: {  	_ = 	snop  }
0x57: {  	[tilespmem:s20], [sflag:$0x1] =	stream.indirect.gather [hbm4b:s5+s22], $0x80, s8, s22, $0xb8;
	[tilespmem:$0x1E880] =	vst v63  }
0x58: {  	_ = 	snop  }
0x59: {  	[tilespmem:s26], [sflag:$0x2] =	stream.indirect.gather [hbm4b:s5+s22], $0x80, s22, s22, $0xb8;
	[tilespmem:$0x1E880] =	vst v63  }
0x5a: {  	_ =	swait.ge [sflag:s28], $0x4000  }
0x5b: {  	[sflag:s28] =	ssyncset.done $0x0  }
0x5c: {  	[sflag:s28] =	ssyncadd.s32 $0xFFFFC000  }
0x5d: {  	_ =	swait.ge [sflag:s29], $0x80  }
0x5e: {  	[sflag:s29] =	ssyncset.done $0x0  }
0x5f: {  	[sflag:s29] =	ssyncadd.s32 $0xFFFFFF80  }
0x60: {  	[spmem:s2] =	stream.indirect.scatter.add.f32 [tilespmem:s20], [sflag:$0x5], $0x80, s24, s22, $0xb8;
	[tilespmem:$0x1E880] =	vst v63  }
0x61: {  	_ =	swait.ge [sflag:s21], $0x4000  }
0x62: {  	s9 =	sshrl.u32 s18, $0x2;
	[sflag:s21] =	ssyncset.done $0x0  }
0x63: {  	s3 =	sadd.s32 s1, s9;
	[sflag:s21] =	ssyncadd.s32 $0xFFFFC000  }
0x64: {  	[tilespmem:s24], [sflag:$0x3] =	stream.linear.gather [hbm4b:s3+s4], $0x80, $0x38;
	[tilespmem:$0x1E880] =	vst v63  }
0x65: {  	s10 =	simm.s32 $0x100  }
0x66: {  	[tilespmem:s20], [sflag:$0x1] =	stream.indirect.gather [hbm4b:s5+s22], $0x80, s10, s22, $0xb8;
	[tilespmem:$0x1E880] =	vst v63  }
0x67: {  	_ =	swait.ge [sflag:s30], $0x4000  }
0x68: {  	[sflag:s30] =	ssyncset.done $0x0  }
0x69: {  	[sflag:s30] =	ssyncadd.s32 $0xFFFFC000  }
0x6a: {  	_ =	swait.ge [sflag:s31], $0x80  }
0x6b: {  	[sflag:s31] =	ssyncset.done $0x0  }
0x6c: {  	[sflag:s31] =	ssyncadd.s32 $0xFFFFFF80  }
0x6d: {  	[spmem:s2] =	stream.indirect.scatter.add.f32 [tilespmem:s26], [sflag:$0x5], $0x80, s25, s22, $0xb8;
	[tilespmem:$0x1E880] =	vst v63  }
0x6e: {  	_ =	swait.ge [sflag:s21], $0x4000  }
0x6f: {  	[sflag:s21] =	ssyncset.done $0x0  }
0x70: {  	s23 =	sadd.s32 $0x0, s19;
	s9 =	simm.s32 $0x180;
	[sflag:s21] =	ssyncadd.s32 $0xFFFFC000  }
0x71: {  	[tilespmem:s25], [sflag:$0x4] =	stream.linear.gather [hbm4b:s23+s4], $0x80, $0x38;
	[tilespmem:$0x1E880] =	vst v63  }
0x72: {  	s8 =	sadd.s32 $0x100, s18;
	s3 =	simm.s32 $0x40;
	s23 =	simm.s32 $0x200  }
.LBB2_4:
0x73: {  	[tilespmem:s26], [sflag:$0x2] =	stream.indirect.gather [hbm4b:s5+s22], $0x80, s9, s22, $0xb8;
	[tilespmem:$0x1E880] =	vst v63  }
0x74: {  	s9 =	smov.u32 s3  }
0x75: {  	p1 =	sne.s32 s3, $0x940;
	s3 =	sadd.s32 $0x40, s3;
	_ =	swait.ge [sflag:s28], $0x4000  }
0x76: {  	[sflag:s28] =	ssyncset.done $0x0  }
0x77: {  	[sflag:s28] =	ssyncadd.s32 $0xFFFFC000  }
0x78: {  	_ =	swait.ge [sflag:s29], $0x80  }
0x79: {  	[sflag:s29] =	ssyncset.done $0x0  }
0x7a: {  	[sflag:s29] =	ssyncadd.s32 $0xFFFFFF80  }
0x7b: {  	[spmem:s2] =	stream.indirect.scatter.add.f32 [tilespmem:s20], [sflag:$0x5], $0x80, s24, s22, $0xb8;
	[tilespmem:$0x1E880] =	vst v63  }
0x7c: {  	_ =	swait.ge [sflag:s21], $0x4000  }
0x7d: {  	s10 =	sshrl.u32 s8, $0x2;
	[sflag:s21] =	ssyncset.done $0x0  }
0x7e: {  	s10 =	sadd.s32 s1, s10;
	[sflag:s21] =	ssyncadd.s32 $0xFFFFC000  }
0x7f: {  	[tilespmem:s24], [sflag:$0x3] =	stream.linear.gather [hbm4b:s10+s4], $0x80, $0x38;
	[tilespmem:$0x1E880] =	vst v63  }
0x80: {  	_ = 	snop  }
0x81: {  	[tilespmem:s20], [sflag:$0x1] =	stream.indirect.gather [hbm4b:s5+s22], $0x80, s23, s22, $0xb8;
	[tilespmem:$0x1E880] =	vst v63  }
0x82: {  	_ =	swait.ge [sflag:s30], $0x4000  }
0x83: {  	[sflag:s30] =	ssyncset.done $0x0  }
0x84: {  	[sflag:s30] =	ssyncadd.s32 $0xFFFFC000  }
0x85: {  	_ =	swait.ge [sflag:s31], $0x80  }
0x86: {  	[sflag:s31] =	ssyncset.done $0x0  }
0x87: {  	[sflag:s31] =	ssyncadd.s32 $0xFFFFFF80  }
0x88: {  	[spmem:s2] =	stream.indirect.scatter.add.f32 [tilespmem:s26], [sflag:$0x5], $0x80, s25, s22, $0xb8;
	[tilespmem:$0x1E880] =	vst v63  }
.Ltmp1:
0x89: {  	_ =	swait.ge [sflag:s21], $0x4000;
	(pc) =	sbr.rel @p1 .LBB2_4-.Ltmp1, $4  }
0x8a: {  	[sflag:s21] =	ssyncset.done $0x0  }
0x8b: {  	s9 =	sadd.s32 s9, s19;
	[sflag:s21] =	ssyncadd.s32 $0xFFFFC000  }
0x8c: {  	[tilespmem:s25], [sflag:$0x4] =	stream.linear.gather [hbm4b:s9+s4], $0x80, $0x38;
	[tilespmem:$0x1E880] =	vst v63  }
0x8d: {  	s8 =	sadd.s32 $0x100, s8;
	s9 =	sadd.s32 $0x80, s23;
	s23 =	sadd.s32 $0x100, s23  }
0x8e: {  	[tilespmem:s26], [sflag:$0x2] =	stream.indirect.gather [hbm4b:s5+s22], $0x80, s9, s22, $0xb8;
	[tilespmem:$0x1E880] =	vst v63  }
0x8f: {  	_ =	swait.ge [sflag:s28], $0x4000  }
0x90: {  	[sflag:s28] =	ssyncset.done $0x0  }
0x91: {  	[sflag:s28] =	ssyncadd.s32 $0xFFFFC000  }
0x92: {  	_ =	swait.ge [sflag:s29], $0x80  }
0x93: {  	[sflag:s29] =	ssyncset.done $0x0  }
0x94: {  	[sflag:s29] =	ssyncadd.s32 $0xFFFFFF80  }
0x95: {  	[spmem:s2] =	stream.indirect.scatter.add.f32 [tilespmem:s20], [sflag:$0x5], $0x80, s24, s22, $0xb8;
	[tilespmem:$0x1E880] =	vst v63  }
0x96: {  	_ =	swait.ge [sflag:s21], $0x4000  }
0x97: {  	[sflag:s21] =	ssyncset.done $0x0  }
0x98: {  	[sflag:s21] =	ssyncadd.s32 $0xFFFFC000  }
0x99: {  	_ =	swait.ge [sflag:s30], $0x4000  }
0x9a: {  	[sflag:s30] =	ssyncset.done $0x0  }
0x9b: {  	[sflag:s30] =	ssyncadd.s32 $0xFFFFC000  }
0x9c: {  	_ =	swait.ge [sflag:s31], $0x80  }
0x9d: {  	[sflag:s31] =	ssyncset.done $0x0  }
0x9e: {  	[sflag:s31] =	ssyncadd.s32 $0xFFFFFF80  }
0x9f: {  	[spmem:s2] =	stream.indirect.scatter.add.f32 [tilespmem:s26], [sflag:$0x5], $0x80, s25, s22, $0xb8;
	[tilespmem:$0x1E880] =	vst v63  }
0xa0: {  	s3 =	stileid.u32;
	_ =	swait.ge [sflag:s21], $0x4000  }
0xa1: {  	s8 =	sshrl.u32 s6, $0x3;
	s0 =	sadd.s32 $0x1, s0;
	[sflag:s21] =	ssyncset.done $0x0  }
0xa2: {  	s3 =	sshll.u32 s3, $0x6;
	p1 =	sne.s32 s0, s13;
	[sflag:s21] =	ssyncadd.s32 $0xFFFFC000  }
.Ltmp2:
0xa3: {  	s3 =	sor.u32 $0x1C05, s3;
	[bflag:$0x0] =	sbarrier.arrive $0xFFFF;
	(pc) =	sbr.rel @p1 .LBB2_1-.Ltmp2, $4  }
0xa4: {  	[hbm:s12], [sflag:s3] =	dma.local [spmem:s8], $0x2800  }
0xa5: {  	_ =	swait.ge [sflag:s21], $0x2800  }
0xa6: {  	[sflag:s21] =	ssyncset.done $0x0  }
0xa7: {  	[sflag:s21] =	ssyncadd.s32 $0xFFFFD800  }
0xa8: {  	_ =	sfence.sel $0x180000  }
0xa9: {  	[bflag:$0x0] =	sbarrier.arrive $0xFFFF  }
0xaa: {  	_ =	strace $0x9000004A  }
0xab: {  	s0 =	stileid.u32;
	[bflag:$0x2] =	sbarrier.arrive $0xFFFF  }
0xac: {  	p0 =	sne.s32 s0, $0x0;
	s0 =	rddreg [dreg:$0x3]  }
0xad: {  	s0 =	sadd.s32 @!p0 $0x100000, s0  }
0xae: {  	[sflag:s0] =	ssyncadd.tile.s32 @!p0 $0x1;
	_ =	shalt  }
.Lfunc_end2:
_tile_overlayer_lowered:
.L_overlay_start_2:
0xaf: {  	(tag) =	ssettag $0x2  }
0xb0: {  	s0 =	rddreg [dreg:$0x0];
	s2 =	stileid.u32  }
0xb1: {  	s1 =	rddreg [dreg:$0x1];
	p0 =	sne.s32 s2, $0x0  }
0xb2: {  	s3 =	rddreg [dreg:$0x2];
	[bflag:$0x3] =	sbarrier.arrive $0xFFFF;
	s2 =	simm.s32 @!p0 $0x1C05  }
0xb3: {  	[timem:s3], [sflag:s2] =	dma.local @!p0 [hbm:s0], s1  }
0xb4: {  	s0 =	simm.s32 @!p0 $0x5  }
0xb5: {  	_ =	swait.ge @!p0 [sflag:s0], s1  }
0xb6: {  	s1 =	ssub.s32 @!p0 $0x0, s1;
	[sflag:s0] =	ssyncset.done @!p0 $0x0  }
0xb7: {  	[sflag:s0] =	ssyncadd.s32 @!p0 s1  }
0xb8: {  	[bflag:$0x3] =	sbarrier.arrive $0xFFFF  }
0xb9: {  	_ =	shalt  }

// kernel: kernel.14.cloned.1.call-start
scs
__scs_entry_jumppad:
0x0: {  	(pc) =	sbr.rel $0x88, $3  }
0x1: {  	(tag) =	ssettag $0x0;
	lr =	simm.s32 $0x1  }
0x2: {  	[smem:$0x3F9F] =	sst lr;
	_ =	strace $0xD0000000  }
0x3: {  	_ = 	snop  }
0x4: {  	_ = 	snop  }
0x5: {  	_ = 	snop  }
0x6: {  	_ = 	snop  }
0x7: {  	_ = 	snop  }
__scs_overlays_trampoline_lowered:
0x8: {  	[smem:$0x3FAE] =	sst s0  }
0x9: {  	[smem:$0x3FAF] =	sst s1  }
0xa: {  	[smem:$0x3FB0] =	sst s2  }
0xb: {  	[smem:$0x3FB1] =	sst s3  }
0xc: {  	[smem:$0x3FB2] =	sst s4  }
0xd: {  	[smem:$0x3FB3] =	sst s5  }
0xe: {  	[smem:$0x3FB4] =	sst s6  }
0xf: {  	[smem:$0x3FB5] =	sst s7  }
0x10: {  	[smem:$0x3FB6] =	sst s8  }
0x11: {  	[smem:$0x3FB7] =	sst s9;
	s0 =	simm.s32 @!p0 $0x0  }
0x12: {  	s1 =	sld [smem:$0x3F9D];
	s0 =	simm.s32 @p0 $0x1  }
0x13: {  	[smem:$0x3FB8] =	sst s0;
	s0 =	simm.s32 @!p1 $0x0  }
0x14: {  	s2 =	sld [smem:$0x3F9C];
	s0 =	simm.s32 @p1 $0x1  }
0x15: {  	[smem:$0x3FB9] =	sst s0;
	s0 =	simm.s32 @!p2 $0x0  }
0x16: {  	s3 =	sld [smem:$0x3FDB];
	s0 =	simm.s32 @p2 $0x1  }
0x17: {  	s4 =	simm.s32 $0x1BF5;
	[smem:$0x3FBB] =	sst s0  }
0x18: {  	s0 =	sld [smem:$0x3F9E];
	_ =	swait.ge [sflag:s4], $0x0  }
0x19: {  	s7 =	sld [smem:$0x3F9F]  }
0x1a: {  	s8 =	sadd.s32 $0xFFFFE003, lr  }
0x1b: {  	s9 =	sadd.s32 $0xFFFFFEF7, lr;
	s5 =	simm.s32 $0xFFFFFFFF;
	p2 =	slt.u32 s8, $0xFFFFF086  }
0x1c: {  	p1 =	slt.u32 s9, $0xF7A;
	s5 =	simm.s32 @!p2 $0x0  }
0x1d: {  	s5 =	simm.s32 @p1 $0x1;
	p0 =	seq.s32 s7, s2  }
0x1e: {  	s7 =	smul.u32 @!p0 $0xF7A, s2;
	p2 =	seq.s32 @!p0 s5, $0x0  }
0x1f: {  	s9 =	smul.u32 $0xF7A, s1;
	s8 =	simm.s32 @!p0 $0x1BF5;
	p2 =	por !p2, p0  }
0x20: {  	[sflag:s8] =	ssyncset.s32 @!p0 $0xFFFFF086;
	s6 =	sadd.s32 @!p0 s3, s7;
	s7 =	simm.s32 @!p0 $0x108  }
0x21: {  	s3 =	sadd.s32 s3, s9;
	s6 =	sadd.s32 @!p0 $0x88, s6;
	s7 =	simm.s32 @p2 $0x1082  }
0x22: {  	[simem:s7], [sflag:s8] =	dma.local @!p0 [hbm:s6], $0xF7A  }
0x23: {  	s9 =	sor.u32 $0xD0000000, s2;
	s6 =	simm.s32 $0x108;
	_ =	swait.ge @!p0 [sflag:s8], $0x0  }
0x24: {  	s3 =	sadd.s32 $0x88, s3;
	s6 =	simm.s32 @!p1 $0x1082;
	[sflag:s4] =	ssyncset.s32 $0xFFFFF086  }
0x25: {  	[simem:s6], [sflag:s4] =	dma.local [hbm:s3], $0xF7A  }
0x26: {  	[smem:$0x3F9F] =	sst s1;
	(tag) =	ssettag s2;
	_ =	strace s9  }
0x27: {  	s1 =	sld [smem:$0x3FAF]  }
0x28: {  	s2 =	sld [smem:$0x3FB0]  }
0x29: {  	s4 =	sld [smem:$0x3FB2]  }
0x2a: {  	p0 =	seq.s32 s5, $0x0;
	s5 =	sld [smem:$0x3FB3]  }
0x2b: {  	s6 =	sld [smem:$0x3FB4]  }
0x2c: {  	s7 =	sld [smem:$0x3FB5]  }
0x2d: {  	s3 =	simm.s32 $0x108;
	s8 =	sld [smem:$0x3FB6]  }
0x2e: {  	s3 =	simm.s32 @!p0 $0x1082;
	s9 =	sld [smem:$0x3FB7]  }
0x2f: {  	lr =	sadd.s32 s0, s3;
	s0 =	sld [smem:$0x3FAE]  }
0x30: {  	s3 =	sld [smem:$0x3FB1]  }
0x31: {  	[smem:$0x3FBA] =	sst s10  }
0x32: {  	s10 =	sld [smem:$0x3FB8];
	_ =	sdelay $0x3  }
0x33: {  	p0 =	seq.s32 s10, $0x1;
	s10 =	sld [smem:$0x3FBA];
	_ =	sdelay $0x3  }
0x34: {  	[smem:$0x3FBA] =	sst s10  }
0x35: {  	s10 =	sld [smem:$0x3FB9];
	_ =	sdelay $0x3  }
0x36: {  	p1 =	seq.s32 s10, $0x1;
	s10 =	sld [smem:$0x3FBA];
	_ =	sdelay $0x3  }
0x37: {  	[smem:$0x3FBA] =	sst s10  }
0x38: {  	s10 =	sld [smem:$0x3FBB]  }
0x39: {  	_ = 	snop;
	(pc) =	sbr.ind lr, $3  }
0x3a: {  	_ = 	snop  }
0x3b: {  	_ = 	snop  }
0x3c: {  	p2 =	seq.s32 s10, $0x1;
	s10 =	sld [smem:$0x3FBA]  }
0x3d: {  	_ =	shalt  }
0x3e: {  	_ =	shalt  }
0x3f: {  	_ =	shalt  }
0x40: {  	_ =	shalt  }
0x41: {  	_ =	shalt  }
0x42: {  	_ =	shalt  }
0x43: {  	_ =	shalt  }
0x44: {  	_ =	shalt  }
0x45: {  	_ =	shalt  }
0x46: {  	_ =	shalt  }
0x47: {  	_ =	shalt  }
0x48: {  	_ =	shalt  }
0x49: {  	_ =	shalt  }
0x4a: {  	_ =	shalt  }
0x4b: {  	_ =	shalt  }
0x4c: {  	_ =	shalt  }
0x4d: {  	_ =	shalt  }
0x4e: {  	_ =	shalt  }
0x4f: {  	_ =	shalt  }
0x50: {  	_ =	shalt  }
0x51: {  	_ =	shalt  }
0x52: {  	_ =	shalt  }
0x53: {  	_ =	shalt  }
0x54: {  	_ =	shalt  }
0x55: {  	_ =	shalt  }
0x56: {  	_ =	shalt  }
0x57: {  	_ =	shalt  }
0x58: {  	_ =	shalt  }
0x59: {  	_ =	shalt  }
0x5a: {  	_ =	shalt  }
0x5b: {  	_ =	shalt  }
0x5c: {  	_ =	shalt  }
0x5d: {  	_ =	shalt  }
0x5e: {  	_ =	shalt  }
0x5f: {  	_ =	shalt  }
0x60: {  	_ =	shalt  }
0x61: {  	_ =	shalt  }
0x62: {  	_ =	shalt  }
0x63: {  	_ =	shalt  }
0x64: {  	_ =	shalt  }
0x65: {  	_ =	shalt  }
0x66: {  	_ =	shalt  }
0x67: {  	_ =	shalt  }
0x68: {  	_ =	shalt  }
0x69: {  	_ =	shalt  }
0x6a: {  	_ =	shalt  }
0x6b: {  	_ =	shalt  }
0x6c: {  	_ =	shalt  }
0x6d: {  	_ =	shalt  }
0x6e: {  	_ =	shalt  }
0x6f: {  	_ =	shalt  }
0x70: {  	_ =	shalt  }
0x71: {  	_ =	shalt  }
0x72: {  	_ =	shalt  }
0x73: {  	_ =	shalt  }
0x74: {  	_ =	shalt  }
0x75: {  	_ =	shalt  }
0x76: {  	_ =	shalt  }
0x77: {  	_ =	shalt  }
0x78: {  	_ =	shalt  }
0x79: {  	_ =	shalt  }
0x7a: {  	_ =	shalt  }
0x7b: {  	_ =	shalt  }
0x7c: {  	_ =	shalt  }
0x7d: {  	_ =	shalt  }
0x7e: {  	_ =	shalt  }
0x7f: {  	_ =	shalt  }
0x80: {  	_ =	shalt  }
0x81: {  	_ =	shalt  }
0x82: {  	_ =	shalt  }
0x83: {  	_ =	shalt  }
0x84: {  	_ =	shalt  }
0x85: {  	_ =	shalt  }
0x86: {  	_ =	shalt  }
0x87: {  	_ =	shalt  }
.Lfunc_end0:
.L_simem_size_0:
called_computation.2_lowered:
.L_overlay_start_0:
0x88: {  	s2 =	sld [smem:$0x3FD9]  }
0x89: {  	s3 =	sld [smem:$0x3FFE];
	_ =	sdelay $0x1  }
0x8a: {  	s1 =	srdreg.scid  }
0x8b: {  	s0 =	sand.u32 $0x1, s1  }
0x8c: {  	s17 =	sshll.u32 s0, $0xA;
	s2 =	sadd.s32 s3, s2  }
0x8d: {  	s2 =	sadd.s32 s2, s17  }
0x8e: {  	[smem:$0x3FC6] =	sst s2  }
0x8f: {  	_ = 	snop  }
0x90: {  	s2 =	sld [smem:$0x3FC9];
	(tm) =	ssettm $0x1  }
0x91: {  	s18 =	sld [smem:$0x3FFB];
	_ =	sdelay $0x3  }
0x92: {  	_ =	strace s18  }
0x93: {  	s3 =	sld [smem:$0x3FFC];
	_ =	sdelay $0x3  }
0x94: {  	_ =	strace s3  }
0x95: {  	s3 =	sld [smem:$0x3FFD];
	_ =	sdelay $0x3  }
0x96: {  	_ =	strace s3  }
0x97: {  	_ =	strace $0x8FFFFFFF  }
0x98: {  	s19 =	sld [smem:$0x3FDB];
	_ =	sdelay $0x1  }
0x99: {  	s4 =	simm.s32 $_scs_section_size  }
0x9a: {  	s5 =	simm.s32 $_size__tile_overlayer_lowered;
	s6 =	simm.s32 $_tile_overlayer_lowered  }
0x9b: {  	s22 =	simm.s32 $0x1BFF;
	s21 =	sshll.u32 s6, $0x1;
	s3 =	sadd.s32 s4, s19  }
0x9c: {  	s7 =	simm.s32 $0x0;
	s20 =	sshll.u32 s5, $0x1;
	s5 =	sadd.s32 s21, s3  }
0x9d: {  	[timem:s7], [sflag:s22] =	dma.local [hbm:s5], s20  }
0x9e: {  	_ =	swait.ge [sflag:s22], s20  }
0x9f: {  	s4 =	ssub.s32 $0x0, s20;
	[sflag:s22] =	ssyncset.done $0x0  }
0xa0: {  	[sflag:s22] =	ssyncadd.s32 s4;
	_ =	sdelay $0x1  }
0xa1: {  	s23 =	simm.s32 $0x1B8B  }
0xa2: {  	_ =	swait.ge [sflag:s23], $0x1  }
0xa3: {  	[sflag:s23] =	ssyncset.done $0x0  }
0xa4: {  	s25 =	simm.s32 $0x1B8E;
	s24 =	sld [smem:$0x3FFE];
	[sflag:s23] =	ssyncadd.s32 $0xFFFFFFFF  }
0xa5: {  	s26 =	simm.s32 $execute0_lowered;
	[smem:$0x3FD2] =	sst s25  }
0xa6: {  	s5 =	sshll.u32 s26, $0x1;
	_ =	strace $0x8000004C;
	[dreg:$0x1] =	wrdreg $0xFFFFFFFF  }
0xa7: {  	s28 =	simm.s32 $_size_execute0_lowered;
	s3 =	sadd.s32 s3, s5;
	[dreg:$0x0] =	wrdreg $0x0  }
0xa8: {  	s5 =	sshll.u32 s28, $0x1;
	[dreg:$0x2] =	wrdreg s3  }
0xa9: {  	[dreg:$0x3] =	wrdreg s5  }
0xaa: {  	[dreg:$0x4] =	wrdreg $0xC0  }
0xab: {  	_ =	task [dreg:s7], $0x5FFFF  }
0xac: {  	[dreg:$0x1] =	wrdreg $0xFFFFFFFF  }
0xad: {  	[dreg:$0x0] =	wrdreg $0x60  }
0xae: {  	[dreg:$0x2] =	wrdreg s24  }
0xaf: {  	[dreg:$0x3] =	wrdreg s2  }
0xb0: {  	[dreg:$0x4] =	wrdreg $0xA8800  }
0xb1: {  	[dreg:$0x5] =	wrdreg $0x9  }
0xb2: {  	_ =	task.clear_ibuf [dreg:s7], $0x6FFFF;
	_ =	strace $0x9000004C  }
0xb3: {  	s29 =	simm.s32 $0x9;
	_ =	strace $0x8000004E  }
0xb4: {  	_ =	swait.ge [sflag:s29], $0x1  }
0xb5: {  	[sflag:s29] =	ssyncadd.s32 $0xFFFFFFFF  }
0xb6: {  	_ =	strace $0x9000004E  }
0xb7: {  	_ =	sfence  }
0xb8: {  	s30 =	sld [smem:$0x0];
	_ =	sdelay $0x2  }
0xb9: {  	s31 =	sshll.u32 s1, $0xD;
	s1 =	sshrl.u32 s1, $0x2  }
0xba: {  	s3 =	sand.u32 $0x4000, s31;
	s1 =	sadd.s32 s1, s30  }
0xbb: {  	s0 =	sor.u32 s3, s0;
	s1 =	sshll.u32 s1, $0x11  }
0xbc: {  	s0 =	sor.u32 s1, s0  }
0xbd: {  	s0 =	sadd.s32 $0x8F2B, s0  }
0xbe: {  	[sflag:s0] =	ssyncadd.remote.s32 $0x1  }
0xbf: {  	_ =	sfence.sel $0xFFFF  }
0xc0: {  	[dreg:$0x0] =	wrdreg $0xFFFFFFFF;
	(pc) =	sbr.abs _section_cstart, $3  }
0xc1: {  	[dreg:$0x1] =	wrdreg $0xFFFFFFFF  }
0xc2: {  	_ =	task.clear_ibuf [dreg:s7], $0x2FFFF;
	_ =	strace $0x9FFFFFFF  }
0xc3: {  	(tm) =	ssettm $0x7FFFFFFF  }
tec
execute0_lowered:
.L_overlay_start_1:
0x0: {  	(tag) =	ssettag $0x1  }
0x1: {  	s0 =	rddreg [dreg:$0x0]  }
0x2: {  	s1 =	rddreg [dreg:$0x1]  }
0x3: {  	s2 =	rddreg [dreg:$0x2];
	s3 =	srdreg.scid;
	s4 =	simm.s32 $0x0  }
0x4: {  	s20 =	stileid.u32;
	s28 =	simm.s32 $0x1;
	s29 =	simm.s32 $0x3  }
0x5: {  	s30 =	simm.s32 $0x2;
	s31 =	simm.s32 $0x4;
	s7 =	smul.u32 $0x14000, s20  }
0x6: {  	s3 =	sand.u32 $0x1, s3;
	[smem:$0x7FF] =	sst s4;
	s8 =	smul.u32 $0x50000, s20  }
0x7: {  	s5 =	sadd.s32 $0x2200, s0;
	s21 =	sshll.u32 s20, $0x1;
	s14 =	smul.u32 $0x4E00, s20  }
0x8: {  	p0 =	sgt.u32 s20, $0x1;
	s20 =	simm.s32 $0x2880;
	s6 =	smul.u32 $0x140000, s3  }
0x9: {  	_ =	strace $0x8000004D;
	s9 =	ssub.s32 $0x2, s3;
	s10 =	sor.u32 s3, s21  }
0xa: {  	s3 =	smul.u32 $0x2700, s3;
	s21 =	simm.s32 $0x5;
	s22 =	sshrl.u32 s9, $0x1  }
0xb: {  	s8 =	sshrl.u32 s8, $0x2;
	s11 =	smul.u32 $0x9C0, s10;
	s23 =	sshll.u32 s10, $0x5  }
0xc: {  	s6 =	sadd.s32 s7, s6;
	s9 =	ssub.s32 s9, s22;
	s26 =	sadd.s32 s3, s14  }
0xd: {  	s22 =	simm.s32 $0x80;
	s6 =	sshrl.u32 s6, $0x3;
	s7 =	sadd.s32 s1, s11  }
0xe: {  	s13 =	smax.u32 s9, $0x1;
	s3 =	sadd.s32 $0x180, s26;
	s18 =	sadd.s32 $0x100, s26  }
0xf: {  	s26 =	simm.s32 $0x6880;
	s0 =	sadd.s32 s6, s0;
	s6 =	sadd.s32 s8, s2  }
0x10: {  	s24 =	sadd.s32 $0x10, s7;
	s8 =	sadd.s32 s23, s1;
	s11 =	sadd.s32 $0x20, s7  }
0x11: {  	s3 =	sshrl.u32 s3, $0x2;
	[dreg:$0x4] =	wrdreg s24;
	s25 =	sadd.s32 $0x13810, s8  }
0x12: {  	s8 =	sadd.s32 $0x13800, s8;
	s12 =	sadd.s32 $0x2A200, s0;
	s14 =	sadd.s32 $0x4000, s6  }
0x13: {  	s15 =	sadd.s32 $0x8000, s6;
	s16 =	sadd.s32 $0xC000, s6;
	s17 =	sadd.s32 $0x10000, s6  }
0x14: {  	s19 =	sadd.s32 s3, s1;
	s24 =	simm.s32 $0x2780;
	[dreg:$0x5] =	wrdreg s25  }
0x15: {  	v0 =	vimm.f32 $0.0e+00;
	s0 =	simm.s32 $0x0;
	[dreg:$0x6] =	wrdreg s8;
	s25 =	simm.s32 $0x2800  }
.LBB2_1:
0x16: {  	s3 =	simm.s32 $0x0;
	s8 =	simm.s32 $0x200  }
.LBB2_2:
0x17: {  	p1 =	sne.s32 s8, $0xFE00;
	[tilespmem:s3+$0x28F0] =	vst v0  }
0x18: {  	[tilespmem:s3+$0x2880] =	vst v0  }
0x19: {  	[tilespmem:s3+$0x2890] =	vst v0  }
.Ltmp0:
0x1a: {  	[tilespmem:s3+$0x28A0] =	vst v0;
	(pc) =	sbr.rel @p1 .LBB2_2-.Ltmp0, $4  }
0x1b: {  	[tilespmem:s3+$0x28B0] =	vst v0  }
0x1c: {  	[tilespmem:s3+$0x28C0] =	vst v0  }
0x1d: {  	[tilespmem:s3+$0x28D0] =	vst v0  }
0x1e: {  	[tilespmem:s3+$0x28E0] =	vst v0;
	s3 =	sshra.s32 s8, $0x2;
	s8 =	sadd.s32 $0x200, s8  }
0x1f: {  	[tilespmem:s3+$0x28F0] =	vst v0  }
0x20: {  	[tilespmem:s3+$0x2880] =	vst v0  }
0x21: {  	[tilespmem:s3+$0x2890] =	vst v0  }
0x22: {  	[tilespmem:s3+$0x28A0] =	vst v0  }
0x23: {  	[tilespmem:s3+$0x28B0] =	vst v0  }
0x24: {  	[tilespmem:s3+$0x28C0] =	vst v0  }
0x25: {  	[tilespmem:s3+$0x28D0] =	vst v0  }
0x26: {  	[tilespmem:s3+$0x28E0] =	vst v0  }
0x27: {  	[spmem:s6] =	stream.linear.scatter [tilespmem:s20], [sflag:$0x5], $0x4000, $0x38;
	[tilespmem:$0x1E880] =	vst v63  }
0x28: {  	_ =	swait.ge [sflag:s21], $0x4000  }
0x29: {  	[sflag:s21] =	ssyncset.done $0x0  }
0x2a: {  	[sflag:s21] =	ssyncadd.s32 $0xFFFFC000  }
0x2b: {  	[spmem:s14] =	stream.linear.scatter [tilespmem:s20], [sflag:$0x5], $0x4000, $0x38;
	[tilespmem:$0x1E880] =	vst v63  }
0x2c: {  	_ =	swait.ge [sflag:s21], $0x4000  }
0x2d: {  	[sflag:s21] =	ssyncset.done $0x0  }
0x2e: {  	[sflag:s21] =	ssyncadd.s32 $0xFFFFC000  }
0x2f: {  	[spmem:s15] =	stream.linear.scatter [tilespmem:s20], [sflag:$0x5], $0x4000, $0x38;
	[tilespmem:$0x1E880] =	vst v63  }
0x30: {  	_ =	swait.ge [sflag:s21], $0x4000  }
0x31: {  	[sflag:s21] =	ssyncset.done $0x0  }
0x32: {  	[sflag:s21] =	ssyncadd.s32 $0xFFFFC000  }
0x33: {  	[spmem:s16] =	stream.linear.scatter [tilespmem:s20], [sflag:$0x5], $0x4000, $0x38;
	[tilespmem:$0x1E880] =	vst v63  }
0x34: {  	_ =	swait.ge [sflag:s21], $0x4000  }
0x35: {  	[sflag:s21] =	ssyncset.done $0x0  }
0x36: {  	[sflag:s21] =	ssyncadd.s32 $0xFFFFC000  }
0x37: {  	[spmem:s17] =	stream.linear.scatter [tilespmem:s20], [sflag:$0x5], $0x4000, $0x38;
	[tilespmem:$0x1E880] =	vst v63  }
0x38: {  	_ =	swait.ge [sflag:s21], $0x4000  }
0x39: {  	[sflag:s21] =	ssyncset.done $0x0  }
0x3a: {  	s8 =	simm.s32 $0x100;
	s23 =	rddreg [dreg:$0x4];
	[sflag:s21] =	ssyncadd.s32 $0xFFFFC000  }
0x3b: {  	[tilespmem:s4], [sflag:$0x5] =	stream.strided.gather [hbm4b:s23+s22], $0x2700, s8, s22, $0x38;
	[tilespmem:$0x1E880] =	vst v63  }
0x3c: {  	_ =	swait.ge [sflag:s21], $0x2700  }
0x3d: {  	[sflag:s21] =	ssyncset.done $0x0  }
0x3e: {  	[sflag:s21] =	ssyncadd.s32 $0xFFFFD900  }
0x3f: {  	[bflag:$0x0] =	sbarrier.arrive $0xFFFF  }
0x40: {  	s3 =	simm.s32 @!p0 $0x0;
	s8 =	simm.s32 @!p0 $0x2700;
	s9 =	rddreg [dreg:$0x5]  }
0x41: {  	[tilespmem:s8], [sflag:$0x5] =	stream.linear.gather @!p0 [hbm4b:s9+s3], $0x80, $0x38;
	[tilespmem:$0x1E880] =	vst v63  }
0x42: {  	s9 =	simm.s32 @!p0 $0x5  }
0x43: {  	_ =	swait.ge @!p0 [sflag:s9], $0x80  }
0x44: {  	[sflag:s9] =	ssyncset.done @!p0 $0x0  }
0x45: {  	s23 =	simm.s32 @!p0 $0x2780;
	s10 =	rddreg [dreg:$0x6];
	[sflag:s9] =	ssyncadd.s32 @!p0 $0xFFFFFF80  }
0x46: {  	[tilespmem:s23], [sflag:$0x5] =	stream.linear.gather @!p0 [hbm4b:s10+s3], $0x80, $0x38;
	[tilespmem:$0x1E880] =	vst v63  }
0x47: {  	_ =	swait.ge @!p0 [sflag:s9], $0x80  }
0x48: {  	[sflag:s9] =	ssyncset.done @!p0 $0x0  }
0x49: {  	s3 =	simm.s32 @!p0 $0x80;
	s10 =	simm.s32 @!p0 $0x2880;
	[sflag:s9] =	ssyncadd.s32 @!p0 $0xFFFFFF80  }
0x4a: {  	[tilespmem:s10], [sflag:$0x1] =	stream.indirect.gather @!p0 [hbm4b:s5+s3], $0x80, s8, s3, $0xb8;
	[tilespmem:$0x1E880] =	vst v63  }
0x4b: {  	s8 =	simm.s32 @!p0 $0x1  }
0x4c: {  	_ =	swait.ge @!p0 [sflag:s8], $0x4000  }
0x4d: {  	[sflag:s8] =	ssyncset.done @!p0 $0x0  }
0x4e: {  	[sflag:s8] =	ssyncadd.s32 @!p0 $0xFFFFC000  }
0x4f: {  	[spmem:s2] =	stream.indirect.scatter.add.f32 @!p0 [tilespmem:s10], [sflag:$0x5], $0x80, s23, s3, $0xb8;
	[tilespmem:$0x1E880] =	vst v63  }
0x50: {  	_ =	swait.ge @!p0 [sflag:s9], $0x4000  }
0x51: {  	[sflag:s9] =	ssyncset.done @!p0 $0x0  }
0x52: {  	s8 =	simm.s32 $0x0;
	[sflag:s9] =	ssyncadd.s32 @!p0 $0xFFFFC000  }
0x53: {  	[tilespmem:s24], [sflag:$0x3] =	stream.linear.gather [hbm4b:s7+s8], $0x80, $0x38;
	[tilespmem:$0x1E880] =	vst v63  }
0x54: {  	_ = 	snop  }
0x55: {  	[tilespmem:s25], [sflag:$0x4] =	stream.linear.gather [hbm4b:s11+s8], $0x80, $0x38;
	[tilespmem:$0x1E880] =	vst v63  }
0x56: {  	_ = 	snop  }
0x57: {  	[tilespmem:s20], [sflag:$0x1] =	stream.indirect.gather [hbm4b:s5+s22], $0x80, s8, s22, $0xb8;
	[tilespmem:$0x1E880] =	vst v63  }
0x58: {  	_ = 	snop  }
0x59: {  	[tilespmem:s26], [sflag:$0x2] =	stream.indirect.gather [hbm4b:s5+s22], $0x80, s22, s22, $0xb8;
	[tilespmem:$0x1E880] =	vst v63  }
0x5a: {  	_ =	swait.ge [sflag:s28], $0x4000  }
0x5b: {  	[sflag:s28] =	ssyncset.done $0x0  }
0x5c: {  	[sflag:s28] =	ssyncadd.s32 $0xFFFFC000  }
0x5d: {  	_ =	swait.ge [sflag:s29], $0x80  }
0x5e: {  	[sflag:s29] =	ssyncset.done $0x0  }
0x5f: {  	[sflag:s29] =	ssyncadd.s32 $0xFFFFFF80  }
0x60: {  	[spmem:s2] =	stream.indirect.scatter.add.f32 [tilespmem:s20], [sflag:$0x5], $0x80, s24, s22, $0xb8;
	[tilespmem:$0x1E880] =	vst v63  }
0x61: {  	_ =	swait.ge [sflag:s21], $0x4000  }
0x62: {  	s9 =	sshrl.u32 s18, $0x2;
	[sflag:s21] =	ssyncset.done $0x0  }
0x63: {  	s3 =	sadd.s32 s1, s9;
	[sflag:s21] =	ssyncadd.s32 $0xFFFFC000  }
0x64: {  	[tilespmem:s24], [sflag:$0x3] =	stream.linear.gather [hbm4b:s3+s4], $0x80, $0x38;
	[tilespmem:$0x1E880] =	vst v63  }
0x65: {  	s10 =	simm.s32 $0x100  }
0x66: {  	[tilespmem:s20], [sflag:$0x1] =	stream.indirect.gather [hbm4b:s5+s22], $0x80, s10, s22, $0xb8;
	[tilespmem:$0x1E880] =	vst v63  }
0x67: {  	_ =	swait.ge [sflag:s30], $0x4000  }
0x68: {  	[sflag:s30] =	ssyncset.done $0x0  }
0x69: {  	[sflag:s30] =	ssyncadd.s32 $0xFFFFC000  }
0x6a: {  	_ =	swait.ge [sflag:s31], $0x80  }
0x6b: {  	[sflag:s31] =	ssyncset.done $0x0  }
0x6c: {  	[sflag:s31] =	ssyncadd.s32 $0xFFFFFF80  }
0x6d: {  	[spmem:s2] =	stream.indirect.scatter.add.f32 [tilespmem:s26], [sflag:$0x5], $0x80, s25, s22, $0xb8;
	[tilespmem:$0x1E880] =	vst v63  }
0x6e: {  	_ =	swait.ge [sflag:s21], $0x4000  }
0x6f: {  	[sflag:s21] =	ssyncset.done $0x0  }
0x70: {  	s23 =	sadd.s32 $0x0, s19;
	s9 =	simm.s32 $0x180;
	[sflag:s21] =	ssyncadd.s32 $0xFFFFC000  }
0x71: {  	[tilespmem:s25], [sflag:$0x4] =	stream.linear.gather [hbm4b:s23+s4], $0x80, $0x38;
	[tilespmem:$0x1E880] =	vst v63  }
0x72: {  	s8 =	sadd.s32 $0x100, s18;
	s3 =	simm.s32 $0x40;
	s23 =	simm.s32 $0x200  }
.LBB2_4:
0x73: {  	[tilespmem:s26], [sflag:$0x2] =	stream.indirect.gather [hbm4b:s5+s22], $0x80, s9, s22, $0xb8;
	[tilespmem:$0x1E880] =	vst v63  }
0x74: {  	s9 =	smov.u32 s3  }
0x75: {  	p1 =	sne.s32 s3, $0x940;
	s3 =	sadd.s32 $0x40, s3;
	_ =	swait.ge [sflag:s28], $0x4000  }
0x76: {  	[sflag:s28] =	ssyncset.done $0x0  }
0x77: {  	[sflag:s28] =	ssyncadd.s32 $0xFFFFC000  }
0x78: {  	_ =	swait.ge [sflag:s29], $0x80  }
0x79: {  	[sflag:s29] =	ssyncset.done $0x0  }
0x7a: {  	[sflag:s29] =	ssyncadd.s32 $0xFFFFFF80  }
0x7b: {  	[spmem:s2] =	stream.indirect.scatter.add.f32 [tilespmem:s20], [sflag:$0x5], $0x80, s24, s22, $0xb8;
	[tilespmem:$0x1E880] =	vst v63  }
0x7c: {  	_ =	swait.ge [sflag:s21], $0x4000  }
0x7d: {  	s10 =	sshrl.u32 s8, $0x2;
	[sflag:s21] =	ssyncset.done $0x0  }
0x7e: {  	s10 =	sadd.s32 s1, s10;
	[sflag:s21] =	ssyncadd.s32 $0xFFFFC000  }
0x7f: {  	[tilespmem:s24], [sflag:$0x3] =	stream.linear.gather [hbm4b:s10+s4], $0x80, $0x38;
	[tilespmem:$0x1E880] =	vst v63  }
0x80: {  	_ = 	snop  }
0x81: {  	[tilespmem:s20], [sflag:$0x1] =	stream.indirect.gather [hbm4b:s5+s22], $0x80, s23, s22, $0xb8;
	[tilespmem:$0x1E880] =	vst v63  }
0x82: {  	_ =	swait.ge [sflag:s30], $0x4000  }
0x83: {  	[sflag:s30] =	ssyncset.done $0x0  }
0x84: {  	[sflag:s30] =	ssyncadd.s32 $0xFFFFC000  }
0x85: {  	_ =	swait.ge [sflag:s31], $0x80  }
0x86: {  	[sflag:s31] =	ssyncset.done $0x0  }
0x87: {  	[sflag:s31] =	ssyncadd.s32 $0xFFFFFF80  }
0x88: {  	[spmem:s2] =	stream.indirect.scatter.add.f32 [tilespmem:s26], [sflag:$0x5], $0x80, s25, s22, $0xb8;
	[tilespmem:$0x1E880] =	vst v63  }
.Ltmp1:
0x89: {  	_ =	swait.ge [sflag:s21], $0x4000;
	(pc) =	sbr.rel @p1 .LBB2_4-.Ltmp1, $4  }
0x8a: {  	[sflag:s21] =	ssyncset.done $0x0  }
0x8b: {  	s9 =	sadd.s32 s9, s19;
	[sflag:s21] =	ssyncadd.s32 $0xFFFFC000  }
0x8c: {  	[tilespmem:s25], [sflag:$0x4] =	stream.linear.gather [hbm4b:s9+s4], $0x80, $0x38;
	[tilespmem:$0x1E880] =	vst v63  }
0x8d: {  	s8 =	sadd.s32 $0x100, s8;
	s9 =	sadd.s32 $0x80, s23;
	s23 =	sadd.s32 $0x100, s23  }
0x8e: {  	[tilespmem:s26], [sflag:$0x2] =	stream.indirect.gather [hbm4b:s5+s22], $0x80, s9, s22, $0xb8;
	[tilespmem:$0x1E880] =	vst v63  }
0x8f: {  	_ =	swait.ge [sflag:s28], $0x4000  }
0x90: {  	[sflag:s28] =	ssyncset.done $0x0  }
0x91: {  	[sflag:s28] =	ssyncadd.s32 $0xFFFFC000  }
0x92: {  	_ =	swait.ge [sflag:s29], $0x80  }
0x93: {  	[sflag:s29] =	ssyncset.done $0x0  }
0x94: {  	[sflag:s29] =	ssyncadd.s32 $0xFFFFFF80  }
0x95: {  	[spmem:s2] =	stream.indirect.scatter.add.f32 [tilespmem:s20], [sflag:$0x5], $0x80, s24, s22, $0xb8;
	[tilespmem:$0x1E880] =	vst v63  }
0x96: {  	_ =	swait.ge [sflag:s21], $0x4000  }
0x97: {  	[sflag:s21] =	ssyncset.done $0x0  }
0x98: {  	[sflag:s21] =	ssyncadd.s32 $0xFFFFC000  }
0x99: {  	_ =	swait.ge [sflag:s30], $0x4000  }
0x9a: {  	[sflag:s30] =	ssyncset.done $0x0  }
0x9b: {  	[sflag:s30] =	ssyncadd.s32 $0xFFFFC000  }
0x9c: {  	_ =	swait.ge [sflag:s31], $0x80  }
0x9d: {  	[sflag:s31] =	ssyncset.done $0x0  }
0x9e: {  	[sflag:s31] =	ssyncadd.s32 $0xFFFFFF80  }
0x9f: {  	[spmem:s2] =	stream.indirect.scatter.add.f32 [tilespmem:s26], [sflag:$0x5], $0x80, s25, s22, $0xb8;
	[tilespmem:$0x1E880] =	vst v63  }
0xa0: {  	s3 =	stileid.u32;
	_ =	swait.ge [sflag:s21], $0x4000  }
0xa1: {  	s8 =	sshrl.u32 s6, $0x3;
	s0 =	sadd.s32 $0x1, s0;
	[sflag:s21] =	ssyncset.done $0x0  }
0xa2: {  	s3 =	sshll.u32 s3, $0x6;
	p1 =	sne.s32 s0, s13;
	[sflag:s21] =	ssyncadd.s32 $0xFFFFC000  }
.Ltmp2:
0xa3: {  	s3 =	sor.u32 $0x1C05, s3;
	[bflag:$0x0] =	sbarrier.arrive $0xFFFF;
	(pc) =	sbr.rel @p1 .LBB2_1-.Ltmp2, $4  }
0xa4: {  	[hbm:s12], [sflag:s3] =	dma.local [spmem:s8], $0x2800  }
0xa5: {  	_ =	swait.ge [sflag:s21], $0x2800  }
0xa6: {  	[sflag:s21] =	ssyncset.done $0x0  }
0xa7: {  	[sflag:s21] =	ssyncadd.s32 $0xFFFFD800  }
0xa8: {  	_ =	sfence.sel $0x180000  }
0xa9: {  	[bflag:$0x0] =	sbarrier.arrive $0xFFFF  }
0xaa: {  	_ =	strace $0x9000004D  }
0xab: {  	s0 =	stileid.u32;
	[bflag:$0x2] =	sbarrier.arrive $0xFFFF  }
0xac: {  	p0 =	sne.s32 s0, $0x0;
	s0 =	rddreg [dreg:$0x3]  }
0xad: {  	s0 =	sadd.s32 @!p0 $0x100000, s0  }
0xae: {  	[sflag:s0] =	ssyncadd.tile.s32 @!p0 $0x1;
	_ =	shalt  }
.Lfunc_end2:
_tile_overlayer_lowered:
.L_overlay_start_2:
0xaf: {  	(tag) =	ssettag $0x2  }
0xb0: {  	s0 =	rddreg [dreg:$0x0];
	s2 =	stileid.u32  }
0xb1: {  	s1 =	rddreg [dreg:$0x1];
	p0 =	sne.s32 s2, $0x0  }
0xb2: {  	s3 =	rddreg [dreg:$0x2];
	[bflag:$0x3] =	sbarrier.arrive $0xFFFF;
	s2 =	simm.s32 @!p0 $0x1C05  }
0xb3: {  	[timem:s3], [sflag:s2] =	dma.local @!p0 [hbm:s0], s1  }
0xb4: {  	s0 =	simm.s32 @!p0 $0x5  }
0xb5: {  	_ =	swait.ge @!p0 [sflag:s0], s1  }
0xb6: {  	s1 =	ssub.s32 @!p0 $0x0, s1;
	[sflag:s0] =	ssyncset.done @!p0 $0x0  }
0xb7: {  	[sflag:s0] =	ssyncadd.s32 @!p0 s1  }
0xb8: {  	[bflag:$0x3] =	sbarrier.arrive $0xFFFF  }
0xb9: {  	_ =	shalt  }

// kernel: kernel.8.cloned.1.call-start
scs
__scs_entry_jumppad:
0x0: {  	(pc) =	sbr.rel $0x88, $3  }
0x1: {  	(tag) =	ssettag $0x0;
	lr =	simm.s32 $0x1  }
0x2: {  	[smem:$0x3F9F] =	sst lr;
	_ =	strace $0xD0000000  }
0x3: {  	_ = 	snop  }
0x4: {  	_ = 	snop  }
0x5: {  	_ = 	snop  }
0x6: {  	_ = 	snop  }
0x7: {  	_ = 	snop  }
__scs_overlays_trampoline_lowered:
0x8: {  	[smem:$0x3FAE] =	sst s0  }
0x9: {  	[smem:$0x3FAF] =	sst s1  }
0xa: {  	[smem:$0x3FB0] =	sst s2  }
0xb: {  	[smem:$0x3FB1] =	sst s3  }
0xc: {  	[smem:$0x3FB2] =	sst s4  }
0xd: {  	[smem:$0x3FB3] =	sst s5  }
0xe: {  	[smem:$0x3FB4] =	sst s6  }
0xf: {  	[smem:$0x3FB5] =	sst s7  }
0x10: {  	[smem:$0x3FB6] =	sst s8  }
0x11: {  	[smem:$0x3FB7] =	sst s9;
	s0 =	simm.s32 @!p0 $0x0  }
0x12: {  	s1 =	sld [smem:$0x3F9D];
	s0 =	simm.s32 @p0 $0x1  }
0x13: {  	[smem:$0x3FB8] =	sst s0;
	s0 =	simm.s32 @!p1 $0x0  }
0x14: {  	s2 =	sld [smem:$0x3F9C];
	s0 =	simm.s32 @p1 $0x1  }
0x15: {  	[smem:$0x3FB9] =	sst s0;
	s0 =	simm.s32 @!p2 $0x0  }
0x16: {  	s3 =	sld [smem:$0x3FDB];
	s0 =	simm.s32 @p2 $0x1  }
0x17: {  	s4 =	simm.s32 $0x1BF5;
	[smem:$0x3FBB] =	sst s0  }
0x18: {  	s0 =	sld [smem:$0x3F9E];
	_ =	swait.ge [sflag:s4], $0x0  }
0x19: {  	s7 =	sld [smem:$0x3F9F]  }
0x1a: {  	s8 =	sadd.s32 $0xFFFFE003, lr  }
0x1b: {  	s9 =	sadd.s32 $0xFFFFFEF7, lr;
	s5 =	simm.s32 $0xFFFFFFFF;
	p2 =	slt.u32 s8, $0xFFFFF086  }
0x1c: {  	p1 =	slt.u32 s9, $0xF7A;
	s5 =	simm.s32 @!p2 $0x0  }
0x1d: {  	s5 =	simm.s32 @p1 $0x1;
	p0 =	seq.s32 s7, s2  }
0x1e: {  	s7 =	smul.u32 @!p0 $0xF7A, s2;
	p2 =	seq.s32 @!p0 s5, $0x0  }
0x1f: {  	s9 =	smul.u32 $0xF7A, s1;
	s8 =	simm.s32 @!p0 $0x1BF5;
	p2 =	por !p2, p0  }
0x20: {  	[sflag:s8] =	ssyncset.s32 @!p0 $0xFFFFF086;
	s6 =	sadd.s32 @!p0 s3, s7;
	s7 =	simm.s32 @!p0 $0x108  }
0x21: {  	s3 =	sadd.s32 s3, s9;
	s6 =	sadd.s32 @!p0 $0x88, s6;
	s7 =	simm.s32 @p2 $0x1082  }
0x22: {  	[simem:s7], [sflag:s8] =	dma.local @!p0 [hbm:s6], $0xF7A  }
0x23: {  	s9 =	sor.u32 $0xD0000000, s2;
	s6 =	simm.s32 $0x108;
	_ =	swait.ge @!p0 [sflag:s8], $0x0  }
0x24: {  	s3 =	sadd.s32 $0x88, s3;
	s6 =	simm.s32 @!p1 $0x1082;
	[sflag:s4] =	ssyncset.s32 $0xFFFFF086  }
0x25: {  	[simem:s6], [sflag:s4] =	dma.local [hbm:s3], $0xF7A  }
0x26: {  	[smem:$0x3F9F] =	sst s1;
	(tag) =	ssettag s2;
	_ =	strace s9  }
0x27: {  	s1 =	sld [smem:$0x3FAF]  }
0x28: {  	s2 =	sld [smem:$0x3FB0]  }
0x29: {  	s4 =	sld [smem:$0x3FB2]  }
0x2a: {  	p0 =	seq.s32 s5, $0x0;
	s5 =	sld [smem:$0x3FB3]  }
0x2b: {  	s6 =	sld [smem:$0x3FB4]  }
0x2c: {  	s7 =	sld [smem:$0x3FB5]  }
0x2d: {  	s3 =	simm.s32 $0x108;
	s8 =	sld [smem:$0x3FB6]  }
0x2e: {  	s3 =	simm.s32 @!p0 $0x1082;
	s9 =	sld [smem:$0x3FB7]  }
0x2f: {  	lr =	sadd.s32 s0, s3;
	s0 =	sld [smem:$0x3FAE]  }
0x30: {  	s3 =	sld [smem:$0x3FB1]  }
0x31: {  	[smem:$0x3FBA] =	sst s10  }
0x32: {  	s10 =	sld [smem:$0x3FB8];
	_ =	sdelay $0x3  }
0x33: {  	p0 =	seq.s32 s10, $0x1;
	s10 =	sld [smem:$0x3FBA];
	_ =	sdelay $0x3  }
0x34: {  	[smem:$0x3FBA] =	sst s10  }
0x35: {  	s10 =	sld [smem:$0x3FB9];
	_ =	sdelay $0x3  }
0x36: {  	p1 =	seq.s32 s10, $0x1;
	s10 =	sld [smem:$0x3FBA];
	_ =	sdelay $0x3  }
0x37: {  	[smem:$0x3FBA] =	sst s10  }
0x38: {  	s10 =	sld [smem:$0x3FBB]  }
0x39: {  	_ = 	snop;
	(pc) =	sbr.ind lr, $3  }
0x3a: {  	_ = 	snop  }
0x3b: {  	_ = 	snop  }
0x3c: {  	p2 =	seq.s32 s10, $0x1;
	s10 =	sld [smem:$0x3FBA]  }
0x3d: {  	_ =	shalt  }
0x3e: {  	_ =	shalt  }
0x3f: {  	_ =	shalt  }
0x40: {  	_ =	shalt  }
0x41: {  	_ =	shalt  }
0x42: {  	_ =	shalt  }
0x43: {  	_ =	shalt  }
0x44: {  	_ =	shalt  }
0x45: {  	_ =	shalt  }
0x46: {  	_ =	shalt  }
0x47: {  	_ =	shalt  }
0x48: {  	_ =	shalt  }
0x49: {  	_ =	shalt  }
0x4a: {  	_ =	shalt  }
0x4b: {  	_ =	shalt  }
0x4c: {  	_ =	shalt  }
0x4d: {  	_ =	shalt  }
0x4e: {  	_ =	shalt  }
0x4f: {  	_ =	shalt  }
0x50: {  	_ =	shalt  }
0x51: {  	_ =	shalt  }
0x52: {  	_ =	shalt  }
0x53: {  	_ =	shalt  }
0x54: {  	_ =	shalt  }
0x55: {  	_ =	shalt  }
0x56: {  	_ =	shalt  }
0x57: {  	_ =	shalt  }
0x58: {  	_ =	shalt  }
0x59: {  	_ =	shalt  }
0x5a: {  	_ =	shalt  }
0x5b: {  	_ =	shalt  }
0x5c: {  	_ =	shalt  }
0x5d: {  	_ =	shalt  }
0x5e: {  	_ =	shalt  }
0x5f: {  	_ =	shalt  }
0x60: {  	_ =	shalt  }
0x61: {  	_ =	shalt  }
0x62: {  	_ =	shalt  }
0x63: {  	_ =	shalt  }
0x64: {  	_ =	shalt  }
0x65: {  	_ =	shalt  }
0x66: {  	_ =	shalt  }
0x67: {  	_ =	shalt  }
0x68: {  	_ =	shalt  }
0x69: {  	_ =	shalt  }
0x6a: {  	_ =	shalt  }
0x6b: {  	_ =	shalt  }
0x6c: {  	_ =	shalt  }
0x6d: {  	_ =	shalt  }
0x6e: {  	_ =	shalt  }
0x6f: {  	_ =	shalt  }
0x70: {  	_ =	shalt  }
0x71: {  	_ =	shalt  }
0x72: {  	_ =	shalt  }
0x73: {  	_ =	shalt  }
0x74: {  	_ =	shalt  }
0x75: {  	_ =	shalt  }
0x76: {  	_ =	shalt  }
0x77: {  	_ =	shalt  }
0x78: {  	_ =	shalt  }
0x79: {  	_ =	shalt  }
0x7a: {  	_ =	shalt  }
0x7b: {  	_ =	shalt  }
0x7c: {  	_ =	shalt  }
0x7d: {  	_ =	shalt  }
0x7e: {  	_ =	shalt  }
0x7f: {  	_ =	shalt  }
0x80: {  	_ =	shalt  }
0x81: {  	_ =	shalt  }
0x82: {  	_ =	shalt  }
0x83: {  	_ =	shalt  }
0x84: {  	_ =	shalt  }
0x85: {  	_ =	shalt  }
0x86: {  	_ =	shalt  }
0x87: {  	_ =	shalt  }
.Lfunc_end0:
.L_simem_size_0:
called_computation_lowered:
.L_overlay_start_0:
0x88: {  	s2 =	sld [smem:$0x3FD9]  }
0x89: {  	s3 =	sld [smem:$0x3FFE];
	_ =	sdelay $0x1  }
0x8a: {  	s1 =	srdreg.scid  }
0x8b: {  	s0 =	sand.u32 $0x1, s1  }
0x8c: {  	s18 =	sshll.u32 s0, $0xA;
	s2 =	sadd.s32 s3, s2  }
0x8d: {  	s2 =	sadd.s32 s2, s18  }
0x8e: {  	[smem:$0x3FC6] =	sst s2  }
0x8f: {  	_ = 	snop  }
0x90: {  	s2 =	sld [smem:$0x3FC9]  }
0x91: {  	s19 =	sld [smem:$0x3FD0];
	(tm) =	ssettm $0x1  }
0x92: {  	s4 =	sld [smem:$0x3FFB];
	_ =	sdelay $0x3  }
0x93: {  	_ =	strace s4  }
0x94: {  	s4 =	sld [smem:$0x3FFC];
	_ =	sdelay $0x3  }
0x95: {  	_ =	strace s4  }
0x96: {  	s4 =	sld [smem:$0x3FFD];
	_ =	sdelay $0x3  }
0x97: {  	_ =	strace s4  }
0x98: {  	_ =	strace $0x8FFFFFFF  }
0x99: {  	s20 =	sld [smem:$0x3FDB];
	_ =	sdelay $0x1  }
0x9a: {  	s5 =	simm.s32 $_scs_section_size  }
0x9b: {  	s6 =	simm.s32 $_size__tile_overlayer_lowered;
	s7 =	simm.s32 $_tile_overlayer_lowered  }
0x9c: {  	s23 =	simm.s32 $0x1BFF;
	s22 =	sshll.u32 s7, $0x1;
	s4 =	sadd.s32 s5, s20  }
0x9d: {  	s8 =	simm.s32 $0x0;
	s21 =	sshll.u32 s6, $0x1;
	s6 =	sadd.s32 s22, s4  }
0x9e: {  	[timem:s8], [sflag:s23] =	dma.local [hbm:s6], s21  }
0x9f: {  	_ =	swait.ge [sflag:s23], s21  }
0xa0: {  	s5 =	ssub.s32 $0x0, s21;
	[sflag:s23] =	ssyncset.done $0x0  }
0xa1: {  	[sflag:s23] =	ssyncadd.s32 s5;
	_ =	sdelay $0x1  }
0xa2: {  	s24 =	simm.s32 $0x1B8B  }
0xa3: {  	_ =	swait.ge [sflag:s24], $0x1  }
0xa4: {  	[sflag:s24] =	ssyncset.done $0x0  }
0xa5: {  	s25 =	simm.s32 $0x1B8E;
	[sflag:s24] =	ssyncadd.s32 $0xFFFFFFFF  }
0xa6: {  	s26 =	simm.s32 $execute0_lowered;
	[smem:$0x3FD2] =	sst s25  }
0xa7: {  	s5 =	sshll.u32 s26, $0x1;
	_ =	strace $0x80000046;
	[dreg:$0x1] =	wrdreg $0xFFFFFFFF  }
0xa8: {  	s28 =	simm.s32 $_size_execute0_lowered;
	s4 =	sadd.s32 s4, s5;
	[dreg:$0x0] =	wrdreg $0x0  }
0xa9: {  	s5 =	sshll.u32 s28, $0x1;
	[dreg:$0x2] =	wrdreg s4  }
0xaa: {  	[dreg:$0x3] =	wrdreg s5  }
0xab: {  	[dreg:$0x4] =	wrdreg $0xC0  }
0xac: {  	_ =	task [dreg:s8], $0x5FFFF  }
0xad: {  	[dreg:$0x1] =	wrdreg $0xFFFFFFFF  }
0xae: {  	[dreg:$0x0] =	wrdreg $0x60  }
0xaf: {  	[dreg:$0x2] =	wrdreg s2  }
0xb0: {  	[dreg:$0x3] =	wrdreg s19  }
0xb1: {  	[dreg:$0x4] =	wrdreg $0x7000  }
0xb2: {  	[dreg:$0x5] =	wrdreg $0x9  }
0xb3: {  	_ =	task.clear_ibuf [dreg:s8], $0x6FFFF;
	_ =	strace $0x90000046  }
0xb4: {  	s29 =	simm.s32 $0x9;
	_ =	strace $0x80000048  }
0xb5: {  	_ =	swait.ge [sflag:s29], $0x1  }
0xb6: {  	[sflag:s29] =	ssyncadd.s32 $0xFFFFFFFF  }
0xb7: {  	_ =	strace $0x90000048  }
0xb8: {  	_ =	sfence  }
0xb9: {  	s30 =	sld [smem:$0x0];
	_ =	sdelay $0x2  }
0xba: {  	s31 =	sshll.u32 s1, $0xD;
	s1 =	sshrl.u32 s1, $0x2  }
0xbb: {  	s3 =	sand.u32 $0x4000, s31;
	s1 =	sadd.s32 s1, s30  }
0xbc: {  	s0 =	sor.u32 s3, s0;
	s1 =	sshll.u32 s1, $0x11  }
0xbd: {  	s0 =	sor.u32 s1, s0  }
0xbe: {  	s0 =	sadd.s32 $0x8F2B, s0  }
0xbf: {  	[sflag:s0] =	ssyncadd.remote.s32 $0x1  }
0xc0: {  	_ =	sfence.sel $0xFFFF  }
0xc1: {  	[dreg:$0x0] =	wrdreg $0xFFFFFFFF;
	(pc) =	sbr.abs _section_cstart, $3  }
0xc2: {  	[dreg:$0x1] =	wrdreg $0xFFFFFFFF  }
0xc3: {  	_ =	task.clear_ibuf [dreg:s8], $0x2FFFF;
	_ =	strace $0x9FFFFFFF  }
0xc4: {  	(tm) =	ssettm $0x7FFFFFFF  }
0xc5: {  	_ =	shalt  }
tec
execute0_lowered:
.L_overlay_start_1:
0x0: {  	(tag) =	ssettag $0x1  }
0x1: {  	s0 =	rddreg [dreg:$0x0]  }
0x2: {  	s1 =	rddreg [dreg:$0x1]  }
0x3: {  	s2 =	rddreg [dreg:$0x2];
	s3 =	simm.s32 $0x0  }
0x4: {  	s4 =	srdreg.scid;
	s9 =	stileid.u32;
	s28 =	simm.s32 $0x1  }
0x5: {  	s29 =	simm.s32 $0x400;
	s30 =	simm.s32 $0x3;
	s31 =	simm.s32 $0x5  }
0x6: {  	[smem:$0x7FF] =	sst s3;
	s11 =	sand.u32 $0x1, s4;
	s15 =	sshll.u32 s9, $0x1  }
0x7: {  	s16 =	smul.u32 $0xA00, s9;
	s14 =	sadd.s32 $0x30, s0;
	s12 =	sor.u32 s11, s15  }
0x8: {  	p0 =	sgt.u32 s9, $0x1;
	s5 =	ssub.s32 $0x2, s11;
	s7 =	smul.u32 $0x9C0, s12  }
0x9: {  	_ =	strace $0x80000047;
	s15 =	sadd.s32 $0x10, s0;
	s8 =	smul.u32 $0x4E00, s12  }
0xa: {  	s6 =	sshrl.u32 s5, $0x1;
	s4 =	sshrl.u32 s16, $0x2;
	s16 =	smul.u32 $0x500, s9  }
0xb: {  	s12 =	sshll.u32 s12, $0x5;
	s13 =	ssub.s32 s5, s6;
	s4 =	sadd.s32 s4, s2  }
0xc: {  	s17 =	sadd.s32 s7, s15;
	s8 =	sshrl.u32 s8, $0x3;
	s18 =	sadd.s32 s7, s14  }
0xd: {  	s13 =	smax.u32 s13, $0x1;
	[dreg:$0x4] =	wrdreg s17;
	s10 =	sadd.s32 s0, s8  }
0xe: {  	[dreg:$0x5] =	wrdreg s18;
	s17 =	smul.u32 $0x9C, s9;
	s19 =	sadd.s32 $0x50, s10  }
0xf: {  	s18 =	smul.u32 $0x4E, s11;
	s20 =	sadd.s32 $0x70, s10;
	[dreg:$0x6] =	wrdreg s19  }
0x10: {  	s11 =	sshll.u32 s11, $0x7;
	s21 =	sadd.s32 $0x90, s10;
	[dreg:$0x7] =	wrdreg s20  }
0x11: {  	s0 =	sadd.s32 s12, s0;
	s22 =	sadd.s32 $0xB0, s10;
	[dreg:$0x8] =	wrdreg s21  }
0x12: {  	s11 =	sor.u32 s11, s16;
	s0 =	sadd.s32 $0x13810, s0;
	[dreg:$0x9] =	wrdreg s22  }
0x13: {  	s23 =	sadd.s32 s18, s17;
	s24 =	sshrl.u32 s11, $0x3;
	[dreg:$0xa] =	wrdreg s0  }
0x14: {  	s21 =	simm.s32 $0x7;
	s22 =	simm.s32 $0x80;
	s0 =	simm.s32 $0x6  }
.Ltmp0:
0x15: {  	s16 =	sshll.u32 s23, $0x5;
	s12 =	sadd.s32 s1, s24;
	(pc) =	sbr.rel .LBB2_1-.Ltmp0, $4  }
0x16: {  	s23 =	simm.s32 $0x100;
	s25 =	sadd.s32 s14, s16;
	s26 =	sadd.s32 s15, s16  }
0x17: {  	s24 =	simm.s32 $0x0;
	s14 =	sadd.s32 $0x140, s25;
	s15 =	sadd.s32 $0x140, s26  }
0x18: {  	s16 =	sadd.s32 $0x100, s25;
	s17 =	sadd.s32 $0x100, s26;
	s18 =	sadd.s32 $0xC0, s25  }
0x19: {  	v0 =	vimm.f32 $0.0e+00;
	v1 =	vimm.f32 $1.000000000e+00;
	s19 =	sadd.s32 $0xC0, s26;
	s25 =	simm.s32 $0x200;
	s26 =	simm.s32 $0x280  }
.LBB2_4:
0x1a: {  	_ =	swait.ge [sflag:s0], $0x80  }
0x1b: {  	[sflag:s0] =	ssyncset.done $0x0  }
0x1c: {  	[sflag:s0] =	ssyncadd.s32 $0xFFFFFF80  }
0x1d: {  	[spmem:s2] =	stream.indirect.scatter.add.f32 [tilespmem:s29], [sflag:$0x7], $0x1, s26, s22, $0xb8;
	[tilespmem:$0x980] =	vst v63  }
0x1e: {  	_ =	swait.ge [sflag:s21], $0x80  }
0x1f: {  	[sflag:s21] =	ssyncset.done $0x0  }
0x20: {  	s1 =	simm.s32 @!p0 $0x0;
	s5 =	rddreg [dreg:$0xa];
	[sflag:s21] =	ssyncadd.s32 $0xFFFFFF80  }
0x21: {  	[tilespmem:s1], [sflag:$0x7] =	stream.linear.gather @!p0 [hbm4b:s5+s1], $0x80, $0x38;
	[tilespmem:$0x980] =	vst v63  }
0x22: {  	s5 =	simm.s32 @!p0 $0x7  }
0x23: {  	_ =	swait.ge @!p0 [sflag:s5], $0x80  }
0x24: {  	s6 =	simm.s32 @!p0 $0x80;
	[sflag:s5] =	ssyncset.done @!p0 $0x0  }
0x25: {  	s7 =	simm.s32 @!p0 $0x400;
	s9 =	stileid.u32;
	[sflag:s5] =	ssyncadd.s32 @!p0 $0xFFFFFF80  }
0x26: {  	[spmem:s2] =	stream.indirect.scatter.add.f32 @!p0 [tilespmem:s7], [sflag:$0x7], $0x1, s1, s6, $0xb8;
	[tilespmem:$0x980] =	vst v63  }
0x27: {  	s10 =	sshrl.u32 s4, $0x3;
	s11 =	simm.s32 $0x20;
	_ =	swait.ge @!p0 [sflag:s5], $0x80  }
0x28: {  	s20 =	simm.s32 $0x10;
	s24 =	sadd.s32 $0x1, s24;
	[sflag:s5] =	ssyncset.done @!p0 $0x0  }
0x29: {  	p1 =	sne.s32 s24, s13;
	s1 =	sshll.u32 s9, $0x6;
	[sflag:s5] =	ssyncadd.s32 @!p0 $0xFFFFFF80  }
.Ltmp1:
0x2a: {  	s1 =	sor.u32 $0x1C07, s1;
	[bflag:$0x0] =	sbarrier.arrive $0xFFFF;
	(pc) =	sbr.rel @!p1 .LBB2_5-.Ltmp1, $4  }
0x2b: {  	[hbm:s12@s11], [sflag:s1] =	dma.strided [spmem:s10@s20], $0x50, s28, $0x10   }
0x2c: {  	_ =	swait.ge [sflag:s21], $0x50  }
0x2d: {  	[sflag:s21] =	ssyncset.done $0x0  }
0x2e: {  	[sflag:s21] =	ssyncadd.s32 $0xFFFFFFB0  }
.LBB2_1:
0x2f: {  	[tilespmem:$0x480] =	vst v0  }
0x30: {  	[tilespmem:$0x490] =	vst v0  }
0x31: {  	[tilespmem:$0x4A0] =	vst v0  }
0x32: {  	[tilespmem:$0x4B0] =	vst v0  }
0x33: {  	[tilespmem:$0x4C0] =	vst v0  }
0x34: {  	[tilespmem:$0x4D0] =	vst v0  }
0x35: {  	[tilespmem:$0x4E0] =	vst v0  }
0x36: {  	[tilespmem:$0x4F0] =	vst v0  }
0x37: {  	[tilespmem:$0x500] =	vst v0  }
0x38: {  	[tilespmem:$0x510] =	vst v0  }
0x39: {  	[tilespmem:$0x520] =	vst v0  }
0x3a: {  	[tilespmem:$0x530] =	vst v0  }
0x3b: {  	[tilespmem:$0x540] =	vst v0  }
0x3c: {  	[tilespmem:$0x550] =	vst v0  }
0x3d: {  	[tilespmem:$0x560] =	vst v0  }
0x3e: {  	[tilespmem:$0x570] =	vst v0  }
0x3f: {  	[tilespmem:$0x580] =	vst v0  }
0x40: {  	[tilespmem:$0x590] =	vst v0  }
0x41: {  	[tilespmem:$0x5A0] =	vst v0  }
0x42: {  	[tilespmem:$0x5B0] =	vst v0  }
0x43: {  	[tilespmem:$0x5C0] =	vst v0  }
0x44: {  	[tilespmem:$0x5D0] =	vst v0  }
0x45: {  	[tilespmem:$0x5E0] =	vst v0  }
0x46: {  	[tilespmem:$0x5F0] =	vst v0  }
0x47: {  	[tilespmem:$0x600] =	vst v0  }
0x48: {  	[tilespmem:$0x610] =	vst v0  }
0x49: {  	[tilespmem:$0x620] =	vst v0  }
0x4a: {  	[tilespmem:$0x630] =	vst v0  }
0x4b: {  	[tilespmem:$0x640] =	vst v0  }
0x4c: {  	[tilespmem:$0x650] =	vst v0  }
0x4d: {  	[tilespmem:$0x660] =	vst v0  }
0x4e: {  	[tilespmem:$0x670] =	vst v0  }
0x4f: {  	[tilespmem:$0x680] =	vst v0  }
0x50: {  	[tilespmem:$0x690] =	vst v0  }
0x51: {  	[tilespmem:$0x6A0] =	vst v0  }
0x52: {  	[tilespmem:$0x6B0] =	vst v0  }
0x53: {  	[tilespmem:$0x6C0] =	vst v0  }
0x54: {  	[tilespmem:$0x6D0] =	vst v0  }
0x55: {  	[tilespmem:$0x6E0] =	vst v0  }
0x56: {  	[tilespmem:$0x6F0] =	vst v0  }
0x57: {  	[tilespmem:$0x400] =	vst v1  }
0x58: {  	[tilespmem:$0x410] =	vst v1  }
0x59: {  	[tilespmem:$0x420] =	vst v1  }
0x5a: {  	[tilespmem:$0x430] =	vst v1  }
0x5b: {  	[tilespmem:$0x440] =	vst v1  }
0x5c: {  	[tilespmem:$0x450] =	vst v1  }
0x5d: {  	[tilespmem:$0x460] =	vst v1  }
0x5e: {  	[tilespmem:$0x470] =	vst v1;
	s1 =	simm.s32 $0x480  }
0x5f: {  	[spmem:s4] =	stream.linear.scatter [tilespmem:s1], [sflag:$0x7], $0x280, $0x38;
	[tilespmem:$0x980] =	vst v63  }
0x60: {  	_ =	swait.ge [sflag:s21], $0x280  }
0x61: {  	[sflag:s21] =	ssyncset.done $0x0  }
0x62: {  	[sflag:s21] =	ssyncadd.s32 $0xFFFFFD80  }
0x63: {  	[bflag:$0x0] =	sbarrier.arrive $0xFFFF  }
0x64: {  	s7 =	rddreg [dreg:$0x4]  }
0x65: {  	[tilespmem:s3], [sflag:$0x1] =	stream.linear.gather [hbm4b:s7+s3], $0x80, $0x38;
	[tilespmem:$0x980] =	vst v63  }
0x66: {  	s8 =	rddreg [dreg:$0x5]  }
0x67: {  	[tilespmem:s22], [sflag:$0x2] =	stream.linear.gather [hbm4b:s8+s3], $0x80, $0x38;
	[tilespmem:$0x980] =	vst v63  }
0x68: {  	s9 =	rddreg [dreg:$0x6]  }
0x69: {  	[tilespmem:s23], [sflag:$0x3] =	stream.linear.gather [hbm4b:s9+s3], $0x80, $0x38;
	[tilespmem:$0x980] =	vst v63  }
0x6a: {  	s5 =	simm.s32 $0x180;
	s10 =	rddreg [dreg:$0x7]  }
0x6b: {  	[tilespmem:s5], [sflag:$0x4] =	stream.linear.gather [hbm4b:s10+s3], $0x80, $0x38;
	[tilespmem:$0x980] =	vst v63  }
0x6c: {  	s11 =	rddreg [dreg:$0x8]  }
0x6d: {  	[tilespmem:s25], [sflag:$0x5] =	stream.linear.gather [hbm4b:s11+s3], $0x80, $0x38;
	[tilespmem:$0x980] =	vst v63  }
0x6e: {  	s1 =	simm.s32 $0x0;
	s20 =	rddreg [dreg:$0x9]  }
0x6f: {  	[tilespmem:s26], [sflag:$0x6] =	stream.linear.gather [hbm4b:s20+s3], $0x80, $0x38;
	[tilespmem:$0x980] =	vst v63  }
.LBB2_2:
0x70: {  	_ =	swait.ge [sflag:s28], $0x80  }
0x71: {  	[sflag:s28] =	ssyncset.done $0x0  }
0x72: {  	[sflag:s28] =	ssyncadd.s32 $0xFFFFFF80  }
0x73: {  	[spmem:s2] =	stream.indirect.scatter.add.f32 [tilespmem:s29], [sflag:$0x7], $0x1, s3, s22, $0xb8;
	[tilespmem:$0x980] =	vst v63  }
0x74: {  	_ =	swait.ge [sflag:s21], $0x80  }
0x75: {  	p1 =	seq.s32 s1, $0x900;
	[sflag:s21] =	ssyncset.done $0x0  }
0x76: {  	s20 =	simm.s32 @p1 $0x2;
	[sflag:s21] =	ssyncadd.s32 $0xFFFFFF80  }
0x77: {  	_ =	swait.ge @p1 [sflag:s20], $0x80  }
0x78: {  	s5 =	simm.s32 @p1 $0x400;
	[sflag:s20] =	ssyncset.done @p1 $0x0  }
0x79: {  	s6 =	simm.s32 @p1 $0x7;
	[sflag:s20] =	ssyncadd.s32 @p1 $0xFFFFFF80;
	s20 =	simm.s32 @p1 $0x80  }
0x7a: {  	[spmem:s2] =	stream.indirect.scatter.add.f32 @p1 [tilespmem:s5], [sflag:$0x7], $0x1, s20, s20, $0xb8;
	[tilespmem:$0x980] =	vst v63  }
0x7b: {  	_ =	swait.ge @p1 [sflag:s6], $0x80  }
0x7c: {  	[sflag:s6] =	ssyncset.done @p1 $0x0  }
0x7d: {  	s7 =	sadd.s32 @!p1 s1, s19;
	s8 =	simm.s32 @!p1 $0x0;
	[sflag:s6] =	ssyncadd.s32 @p1 $0xFFFFFF80  }
0x7e: {  	[tilespmem:s8], [sflag:$0x1] =	stream.linear.gather @!p1 [hbm4b:s7+s8], $0x80, $0x38;
	[tilespmem:$0x980] =	vst v63  }
0x7f: {  	s7 =	simm.s32 @!p1 $0x2  }
0x80: {  	_ =	swait.ge @!p1 [sflag:s7], $0x80  }
0x81: {  	s9 =	simm.s32 @!p1 $0x400;
	[sflag:s7] =	ssyncset.done @!p1 $0x0  }
0x82: {  	s10 =	simm.s32 @!p1 $0x7;
	[sflag:s7] =	ssyncadd.s32 @!p1 $0xFFFFFF80;
	s7 =	simm.s32 @!p1 $0x80  }
0x83: {  	[spmem:s2] =	stream.indirect.scatter.add.f32 @!p1 [tilespmem:s9], [sflag:$0x7], $0x1, s7, s7, $0xb8;
	[tilespmem:$0x980] =	vst v63  }
0x84: {  	_ =	swait.ge @!p1 [sflag:s10], $0x80  }
0x85: {  	[sflag:s10] =	ssyncset.done @!p1 $0x0  }
0x86: {  	s11 =	sadd.s32 @!p1 s1, s18;
	[sflag:s10] =	ssyncadd.s32 @!p1 $0xFFFFFF80  }
0x87: {  	[tilespmem:s7], [sflag:$0x2] =	stream.linear.gather @!p1 [hbm4b:s11+s8], $0x80, $0x38;
	[tilespmem:$0x980] =	vst v63  }
0x88: {  	_ =	swait.ge [sflag:s30], $0x80  }
0x89: {  	[sflag:s30] =	ssyncset.done $0x0  }
0x8a: {  	[sflag:s30] =	ssyncadd.s32 $0xFFFFFF80  }
0x8b: {  	[spmem:s2] =	stream.indirect.scatter.add.f32 [tilespmem:s29], [sflag:$0x7], $0x1, s23, s22, $0xb8;
	[tilespmem:$0x980] =	vst v63  }
0x8c: {  	_ =	swait.ge [sflag:s21], $0x80  }
0x8d: {  	[sflag:s21] =	ssyncset.done $0x0  }
0x8e: {  	s11 =	simm.s32 @p1 $0x4;
	[sflag:s21] =	ssyncadd.s32 $0xFFFFFF80  }
0x8f: {  	_ =	swait.ge @p1 [sflag:s11], $0x80  }
0x90: {  	[sflag:s11] =	ssyncset.done @p1 $0x0  }
0x91: {  	[sflag:s11] =	ssyncadd.s32 @p1 $0xFFFFFF80;
	s11 =	simm.s32 @p1 $0x180  }
0x92: {  	[spmem:s2] =	stream.indirect.scatter.add.f32 @p1 [tilespmem:s5], [sflag:$0x7], $0x1, s11, s20, $0xb8;
	[tilespmem:$0x980] =	vst v63  }
0x93: {  	_ =	swait.ge @p1 [sflag:s6], $0x80  }
0x94: {  	[sflag:s6] =	ssyncset.done @p1 $0x0  }
0x95: {  	s5 =	sadd.s32 @!p1 s1, s17;
	[sflag:s6] =	ssyncadd.s32 @p1 $0xFFFFFF80;
	s6 =	simm.s32 @!p1 $0x100  }
0x96: {  	[tilespmem:s6], [sflag:$0x3] =	stream.linear.gather @!p1 [hbm4b:s5+s8], $0x80, $0x38;
	[tilespmem:$0x980] =	vst v63  }
0x97: {  	s5 =	simm.s32 @!p1 $0x4  }
0x98: {  	_ =	swait.ge @!p1 [sflag:s5], $0x80  }
0x99: {  	[sflag:s5] =	ssyncset.done @!p1 $0x0  }
0x9a: {  	[sflag:s5] =	ssyncadd.s32 @!p1 $0xFFFFFF80;
	s5 =	simm.s32 @!p1 $0x180  }
0x9b: {  	[spmem:s2] =	stream.indirect.scatter.add.f32 @!p1 [tilespmem:s9], [sflag:$0x7], $0x1, s5, s7, $0xb8;
	[tilespmem:$0x980] =	vst v63  }
0x9c: {  	_ =	swait.ge @!p1 [sflag:s10], $0x80  }
0x9d: {  	[sflag:s10] =	ssyncset.done @!p1 $0x0  }
0x9e: {  	s6 =	sadd.s32 @!p1 s1, s16;
	[sflag:s10] =	ssyncadd.s32 @!p1 $0xFFFFFF80  }
0x9f: {  	[tilespmem:s5], [sflag:$0x4] =	stream.linear.gather @!p1 [hbm4b:s6+s8], $0x80, $0x38;
	[tilespmem:$0x980] =	vst v63  }
0xa0: {  	_ =	swait.ge [sflag:s31], $0x80  }
0xa1: {  	[sflag:s31] =	ssyncset.done $0x0  }
.Ltmp2:
0xa2: {  	[sflag:s31] =	ssyncadd.s32 $0xFFFFFF80;
	(pc) =	sbr.rel @p1 .LBB2_4-.Ltmp2, $4  }
0xa3: {  	[spmem:s2] =	stream.indirect.scatter.add.f32 [tilespmem:s29], [sflag:$0x7], $0x1, s25, s22, $0xb8;
	[tilespmem:$0x980] =	vst v63  }
0xa4: {  	_ =	swait.ge [sflag:s21], $0x80  }
0xa5: {  	[sflag:s21] =	ssyncset.done $0x0  }
0xa6: {  	[sflag:s21] =	ssyncadd.s32 $0xFFFFFF80  }
0xa7: {  	s5 =	sadd.s32 s1, s15  }
0xa8: {  	[tilespmem:s25], [sflag:$0x5] =	stream.linear.gather [hbm4b:s5+s3], $0x80, $0x38;
	[tilespmem:$0x980] =	vst v63  }
0xa9: {  	_ =	swait.ge [sflag:s0], $0x80  }
0xaa: {  	[sflag:s0] =	ssyncset.done $0x0  }
0xab: {  	[sflag:s0] =	ssyncadd.s32 $0xFFFFFF80  }
0xac: {  	[spmem:s2] =	stream.indirect.scatter.add.f32 [tilespmem:s29], [sflag:$0x7], $0x1, s26, s22, $0xb8;
	[tilespmem:$0x980] =	vst v63  }
.Ltmp3:
0xad: {  	_ = 	snop;
	(pc) =	sbr.rel .LBB2_2-.Ltmp3, $4  }
0xae: {  	_ =	swait.ge [sflag:s21], $0x80  }
0xaf: {  	[sflag:s21] =	ssyncset.done $0x0  }
0xb0: {  	s20 =	sadd.s32 s1, s14;
	s1 =	sadd.s32 $0xC0, s1;
	[sflag:s21] =	ssyncadd.s32 $0xFFFFFF80  }
0xb1: {  	[tilespmem:s26], [sflag:$0x6] =	stream.linear.gather [hbm4b:s20+s3], $0x80, $0x38;
	[tilespmem:$0x980] =	vst v63  }
.LBB2_5:
0xb2: {  	_ =	sfence.sel $0x180000  }
0xb3: {  	[bflag:$0x0] =	sbarrier.arrive $0xFFFF  }
0xb4: {  	_ =	strace $0x90000047  }
0xb5: {  	s0 =	stileid.u32;
	[bflag:$0x2] =	sbarrier.arrive $0xFFFF  }
0xb6: {  	p0 =	sne.s32 s0, $0x0;
	s0 =	rddreg [dreg:$0x3]  }
0xb7: {  	s0 =	sadd.s32 @!p0 $0x100000, s0  }
0xb8: {  	[sflag:s0] =	ssyncadd.tile.s32 @!p0 $0x1;
	_ =	shalt  }
.Lfunc_end2:
_tile_overlayer_lowered:
.L_overlay_start_2:
0xb9: {  	(tag) =	ssettag $0x2  }
0xba: {  	s0 =	rddreg [dreg:$0x0];
	s2 =	stileid.u32  }
0xbb: {  	s1 =	rddreg [dreg:$0x1];
	p0 =	sne.s32 s2, $0x0  }
0xbc: {  	s3 =	rddreg [dreg:$0x2];
	[bflag:$0x3] =	sbarrier.arrive $0xFFFF;
	s2 =	simm.s32 @!p0 $0x1C07  }
0xbd: {  	[timem:s3], [sflag:s2] =	dma.local @!p0 [hbm:s0], s1  }
0xbe: {  	s0 =	simm.s32 @!p0 $0x7  }
0xbf: {  	_ =	swait.ge @!p0 [sflag:s0], s1  }
0xc0: {  	s1 =	ssub.s32 @!p0 $0x0, s1;
	[sflag:s0] =	ssyncset.done @!p0 $0x0  }
0xc1: {  	[sflag:s0] =	ssyncadd.s32 @!p0 s1  }
0xc2: {  	[bflag:$0x3] =	sbarrier.arrive $0xFFFF  }
0xc3: {  	_ =	shalt  }

</sc_bundles>
